<compile_context>
chip_gen: v7x
topology: tpu7x:2x2x1
jax: 0.10.2.dev20260603
libtpu: 0.0.44.dev20260713+nightly
codegen_flags: <defaults>
</compile_context>

<pallas_src>
import jax
import jax.numpy as jnp
from jax import lax
from jax.experimental import pallas as pl
from jax.experimental.pallas import tpu as pltpu
from jax.experimental.pallas import tpu_sc as plsc

SCORE_THR = 0.05
NMS_THR = 0.5
MAX_DET = 300
PAD_DET = 304
ACC_PAD = 320
NEG = -3e38

B, N, C = 8, 20000, 80
NSTR = 20480
NBLK = 79
NPAD = NBLK * 16 * 16
L1PAD = NBLK * 16
L2PAD = 80


def _score_body(cls_ref, s_ref, l_ref):
    c = cls_ref[0]
    m = jnp.max(c, axis=0)
    iot = lax.broadcasted_iota(jnp.int32, (C, N), 0)
    lbl = jnp.min(jnp.where(c == m[None, :], iot, C), axis=0)
    s_ref[pl.ds(0, N)] = m
    l_ref[pl.ds(0, N)] = lbl


def _scores_labels(cls_t):
    return pl.pallas_call(
        _score_body,
        grid=(B,),
        in_specs=[pl.BlockSpec((1, C, N), lambda b: (b, 0, 0))],
        out_specs=[
            pl.BlockSpec((NSTR,), lambda b: (b,)),
            pl.BlockSpec((NSTR,), lambda b: (b,)),
        ],
        out_shape=[
            jax.ShapeDtypeStruct((B * NSTR,), jnp.float32),
            jax.ShapeDtypeStruct((B * NSTR,), jnp.int32),
        ],
    )(cls_t)


def _sc_body(scores_hbm, boxes_hbm, labels_hbm,
             outb_hbm, outs_hbm, outl_hbm,
             s_v, x1_v, y1_v, x2_v, y2_v, lab_v,
             l1_v, l2_v,
             ax1_v, ay1_v, ax2_v, ay2_v,
             ob_v, os_v, ol_v):
    wid = lax.axis_index("s") * 2 + lax.axis_index("c")

    @pl.when(wid < B)
    def _():
        b = wid
        pltpu.sync_copy(scores_hbm.at[pl.ds(b * NSTR, N)],
                        s_v.at[pl.ds(0, N)])
        pltpu.sync_copy(boxes_hbm.at[pl.ds((b * 4 + 0) * N, N)], x1_v)
        pltpu.sync_copy(boxes_hbm.at[pl.ds((b * 4 + 1) * N, N)], y1_v)
        pltpu.sync_copy(boxes_hbm.at[pl.ds((b * 4 + 2) * N, N)], x2_v)
        pltpu.sync_copy(boxes_hbm.at[pl.ds((b * 4 + 3) * N, N)], y2_v)
        pltpu.sync_copy(labels_hbm.at[pl.ds(b * NSTR, N)], lab_v)

        iot = lax.iota(jnp.int32, 16)
        negv = jnp.full((16,), NEG, jnp.float32)
        m1f = jnp.full((16,), -1.0, jnp.float32)
        m1i = jnp.full((16,), -1, jnp.int32)
        zf = jnp.zeros((16,), jnp.float32)

        for k in range((NPAD - N) // 16):
            s_v[pl.ds(N + k * 16, 16)] = negv

        def init_out(i, _):
            ob_v[pl.ds(i * 16, 16)] = m1f
            return 0
        lax.fori_loop(0, (PAD_DET * 4) // 16, init_out, 0)

        def init_out2(i, _):
            os_v[pl.ds(i * 16, 16)] = m1f
            ol_v[pl.ds(i * 16, 16)] = m1i
            return 0
        lax.fori_loop(0, PAD_DET // 16, init_out2, 0)

        def init_acc(i, _):
            ax1_v[pl.ds(i * 16, 16)] = zf
            ay1_v[pl.ds(i * 16, 16)] = zf
            ax2_v[pl.ds(i * 16, 16)] = zf
            ay2_v[pl.ds(i * 16, 16)] = zf
            return 0
        lax.fori_loop(0, ACC_PAD // 16, init_acc, 0)

        def init_l1(blk, _):
            acc = negv
            for t in range(16):
                off = blk * 256 + t * 16
                acc = jnp.where(iot == t, jnp.max(s_v[pl.ds(off, 16)]), acc)
            l1_v[pl.ds(blk * 16, 16)] = acc
            return 0
        lax.fori_loop(0, NBLK, init_l1, 0)

        for v2 in range(L2PAD // 16):
            acc = negv
            for t in range(16):
                cc = v2 * 16 + t
                if cc < NBLK:
                    acc = jnp.where(iot == t,
                                    jnp.max(l1_v[pl.ds(cc * 16, 16)]), acc)
            l2_v[pl.ds(v2 * 16, 16)] = acc

        def pop_one():
            l2r = [l2_v[pl.ds(v * 16, 16)] for v in range(L2PAD // 16)]
            m = l2r[0]
            for v in range(1, L2PAD // 16):
                m = jnp.maximum(m, l2r[v])
            gm = jnp.max(m)
            valid = gm > jnp.float32(SCORE_THR)

            big = jnp.full((16,), jnp.int32(2**30))
            c2s = big
            for v in range(L2PAD // 16 - 1, -1, -1):
                f = plsc.all_reduce_ffs(l2r[v] == gm)
                c2s = jnp.where(f < 16, f + v * 16, c2s)
            c2s = jnp.minimum(c2s, jnp.int32(NBLK - 1))

            lv1 = plsc.load_gather(l1_v, [c2s * 16 + iot])
            lane1 = plsc.all_reduce_ffs(lv1 == gm)
            c1s = c2s * 16 + jnp.minimum(lane1, 15)

            sv = plsc.load_gather(s_v, [c1s * 16 + iot])
            lane0 = plsc.all_reduce_ffs(sv == gm)
            lane0 = jnp.minimum(lane0, 15)
            js = c1s * 16 + lane0

            snew = jnp.where(iot == lane0, NEG, sv)
            plsc.store_scatter(s_v, [c1s * 16 + iot], snew)
            lv1n = jnp.where(iot == lane1, jnp.max(snew), lv1)
            plsc.store_scatter(l1_v, [c2s * 16 + iot], lv1n)
            v2s = c2s // 16
            lane2 = c2s - v2s * 16
            l2c = plsc.load_gather(l2_v, [v2s * 16 + iot])
            l2n = jnp.where(iot == lane2, jnp.max(lv1n), l2c)
            plsc.store_scatter(l2_v, [v2s * 16 + iot], l2n)

            bx1 = plsc.load_gather(x1_v, [js])
            by1 = plsc.load_gather(y1_v, [js])
            bx2 = plsc.load_gather(x2_v, [js])
            by2 = plsc.load_gather(y2_v, [js])
            lj = plsc.load_gather(lab_v, [js])
            return gm, valid, bx1, by1, bx2, by2, lj

        def cond(state):
            nacc = state[0]
            pvalid = state[2]
            return (nacc < MAX_DET) & pvalid

        def body(state):
            nacc, _, _, pbx1, pby1, pbx2, pby2, plj = state
            pgm = state[1]

            cur = pop_one()

            pbarea = (pbx2 - pbx1) * (pby2 - pby1)
            nk2 = (nacc + 31) // 32

            def sbody(k2, sacc_c):
                for u in range(2):
                    k = k2 * 2 + u
                    axv = ax1_v[pl.ds(k * 16, 16)]
                    ayv = ay1_v[pl.ds(k * 16, 16)]
                    ax2v = ax2_v[pl.ds(k * 16, 16)]
                    ay2v = ay2_v[pl.ds(k * 16, 16)]
                    aav = (ax2v - axv) * (ay2v - ayv)
                    xx1 = jnp.maximum(pbx1, axv)
                    yy1 = jnp.maximum(pby1, ayv)
                    xx2 = jnp.minimum(pbx2, ax2v)
                    yy2 = jnp.minimum(pby2, ay2v)
                    w = jnp.maximum(jnp.float32(0.0), xx2 - xx1)
                    h = jnp.maximum(jnp.float32(0.0), yy2 - yy1)
                    inter = w * h
                    iou = inter / (aav + pbarea - inter + jnp.float32(1e-12))
                    sacc_c = sacc_c | (iou > NMS_THR)
                return sacc_c

            sacc = lax.fori_loop(0, nk2, sbody, iot < 0)
            accept = jnp.logical_not(jnp.any(sacc))

            @pl.when(accept)
            def _accept():
                ns = jnp.full((16,), nacc, jnp.int32)
                one0 = iot == 0
                plsc.store_scatter(ax1_v, [ns], pbx1, mask=one0)
                plsc.store_scatter(ay1_v, [ns], pby1, mask=one0)
                plsc.store_scatter(ax2_v, [ns], pbx2, mask=one0)
                plsc.store_scatter(ay2_v, [ns], pby2, mask=one0)
                plsc.store_scatter(os_v, [ns], jnp.full((16,), pgm),
                                   mask=one0)
                plsc.store_scatter(ol_v, [ns], plj, mask=one0)
                vb = jnp.where(iot == 1, pby1, pbx1)
                vb = jnp.where(iot == 2, pbx2, vb)
                vb = jnp.where(iot == 3, pby2, vb)
                plsc.store_scatter(ob_v, [ns * 4 + iot], vb, mask=iot < 4)

            nacc = jnp.where(accept, nacc + 1, nacc)
            cgm, cvalid, cbx1, cby1, cbx2, cby2, clj = cur
            return (nacc, cgm, cvalid, cbx1, cby1, cbx2, cby2, clj)

        first = pop_one()
        fgm, fvalid, fbx1, fby1, fbx2, fby2, flj = first
        lax.while_loop(cond, body,
                       (jnp.int32(0), fgm, fvalid,
                        fbx1, fby1, fbx2, fby2, flj))

        pltpu.sync_copy(ob_v, outb_hbm.at[pl.ds(b * PAD_DET * 4, PAD_DET * 4)])
        pltpu.sync_copy(os_v, outs_hbm.at[pl.ds(b * PAD_DET, PAD_DET)])
        pltpu.sync_copy(ol_v, outl_hbm.at[pl.ds(b * PAD_DET, PAD_DET)])


def _sc_nms(scores, boxes_t, labels):
    mesh = plsc.VectorSubcoreMesh(core_axis_name="c", subcore_axis_name="s")
    f32, i32 = jnp.float32, jnp.int32
    fn = pl.kernel(
        _sc_body,
        out_type=[
            jax.ShapeDtypeStruct((B * PAD_DET * 4,), f32),
            jax.ShapeDtypeStruct((B * PAD_DET,), f32),
            jax.ShapeDtypeStruct((B * PAD_DET,), i32),
        ],
        mesh=mesh,
        compiler_params=pltpu.CompilerParams(needs_layout_passes=False),
        scratch_types=[
            pltpu.VMEM((NPAD,), f32),
            pltpu.VMEM((N,), f32),
            pltpu.VMEM((N,), f32),
            pltpu.VMEM((N,), f32),
            pltpu.VMEM((N,), f32),
            pltpu.VMEM((N,), i32),
            pltpu.VMEM((L1PAD,), f32),
            pltpu.VMEM((L2PAD,), f32),
            pltpu.VMEM((ACC_PAD,), f32),
            pltpu.VMEM((ACC_PAD,), f32),
            pltpu.VMEM((ACC_PAD,), f32),
            pltpu.VMEM((ACC_PAD,), f32),
            pltpu.VMEM((PAD_DET * 4,), f32),
            pltpu.VMEM((PAD_DET,), f32),
            pltpu.VMEM((PAD_DET,), i32),
        ],
    )
    return fn(scores, boxes_t, labels)


def kernel(boxes, classification):
    cls_t = jnp.transpose(classification, (0, 2, 1))
    boxes_t = jnp.transpose(boxes, (0, 2, 1))
    scores, labels = _scores_labels(cls_t)
    boxes_f = boxes_t.reshape(B * 4 * N)
    outb, outs, outl = _sc_nms(scores, boxes_f, labels)
    fb = outb.reshape(B, PAD_DET, 4)[:, :MAX_DET]
    fs = outs.reshape(B, PAD_DET)[:, :MAX_DET]
    fl = outl.reshape(B, PAD_DET)[:, :MAX_DET]
    return fb, fs, fl

# --- scband reference (transcript-rebuilt; emitter-appended) ---
"""Pipeline reference for scband-filter-detections-66864050864270 (READ-ONLY COPY).

The authoritative reference and input builder live on the scoring server;
editing this copy changes nothing except your own understanding.
"""

import jax, jax.numpy as jnp
import numpy as np
from jax import lax

SCORE_THRESHOLD = 0.05
NMS_THRESHOLD = 0.5
MAX_DETECTIONS = 300


def setup_inputs(seed: int = 0) -> dict:
    key = jax.random.key(seed)
    k1, k2 = jax.random.split(key)
    raw = jax.random.uniform(k1, (8, 20000, 4), dtype=jnp.float32) * 512.0
    p1 = jnp.minimum(raw[..., :2], raw[..., 2:])
    p2 = jnp.maximum(raw[..., :2], raw[..., 2:])
    boxes = jnp.concatenate([p1, p2], axis=-1)  # valid (x1,y1,x2,y2)
    classification = jax.random.uniform(k2, (8, 20000, 80), dtype=jnp.float32)
    return {"boxes": boxes, "classification": classification}


def _nms_np(boxes, scores, max_out, thr):
    x1 = boxes[:, 0]; y1 = boxes[:, 1]; x2 = boxes[:, 2]; y2 = boxes[:, 3]
    areas = (x2 - x1) * (y2 - y1)
    order = np.argsort(-scores, kind="stable")
    keep = []
    while order.size > 0 and len(keep) < max_out:
        i = order[0]
        keep.append(i)
        rest = order[1:]
        xx1 = np.maximum(x1[i], x1[rest]); yy1 = np.maximum(y1[i], y1[rest])
        xx2 = np.minimum(x2[i], x2[rest]); yy2 = np.minimum(y2[i], y2[rest])
        w = np.maximum(0.0, xx2 - xx1); h = np.maximum(0.0, yy2 - yy1)
        inter = w * h
        iou = inter / (areas[i] + areas[rest] - inter + 1e-12)
        order = rest[iou <= thr]
    return np.asarray(keep, dtype=np.int64)


def _select_indices(boxes_np, cls_np):
    # class_specific_filter=False path: best class per box
    scores = cls_np.max(axis=1)
    labels = cls_np.argmax(axis=1)
    keep = np.where(scores > SCORE_THRESHOLD)[0]
    nms_keep = _nms_np(boxes_np[keep], scores[keep], MAX_DETECTIONS, NMS_THRESHOLD)
    sel = keep[nms_keep]
    sel_labels = labels[sel]
    sel_scores = cls_np[sel, sel_labels]
    k = min(MAX_DETECTIONS, sel_scores.shape[0])
    top = np.argsort(-sel_scores, kind="stable")[:k]
    return sel[top], sel_labels[top]


def _select_one(boxes_b, cls_b):
    scores = jnp.max(cls_b, axis=1)
    labels = jnp.argmax(cls_b, axis=1)
    valid = scores > SCORE_THRESHOLD
    sort_key = jnp.where(valid, -scores, jnp.inf)
    order = jnp.argsort(sort_key, stable=True)
    sb = boxes_b[order]
    sv = valid[order]
    x1 = sb[:, 0]; y1 = sb[:, 1]; x2 = sb[:, 2]; y2 = sb[:, 3]
    areas = (x2 - x1) * (y2 - y1)

    def body(t, carry):
        active, sel_idx, sel_valid = carry
        any_active = jnp.any(active)
        j = jnp.argmax(active)  # first remaining (highest score, stable order)
        xx1 = jnp.maximum(x1[j], x1); yy1 = jnp.maximum(y1[j], y1)
        xx2 = jnp.minimum(x2[j], x2); yy2 = jnp.minimum(y2[j], y2)
        w = jnp.maximum(0.0, xx2 - xx1); h = jnp.maximum(0.0, yy2 - yy1)
        inter = w * h
        iou = inter / (areas[j] + areas - inter + 1e-12)
        new_active = active & (iou <= NMS_THRESHOLD)
        new_active = new_active.at[j].set(False)
        active = jnp.where(any_active, new_active, active)
        sel_idx = sel_idx.at[t].set(jnp.where(any_active, order[j], 0))
        sel_valid = sel_valid.at[t].set(any_active)
        return active, sel_idx, sel_valid

    active0 = sv
    sel_idx0 = jnp.zeros((MAX_DETECTIONS,), dtype=jnp.int32)
    sel_valid0 = jnp.zeros((MAX_DETECTIONS,), dtype=bool)
    _, sel_idx, sel_valid = lax.fori_loop(
        0, MAX_DETECTIONS, body, (active0, sel_idx0, sel_valid0)
    )

    sel_labels = labels[sel_idx]
    sel_scores_raw = cls_b[sel_idx, sel_labels]
    top = jnp.argsort(-jnp.where(sel_valid, sel_scores_raw, -jnp.inf), stable=True)
    sel_idx = sel_idx[top]
    sel_valid = sel_valid[top]
    sel_labels = sel_labels[top]
    sel_scores_raw = sel_scores_raw[top]

    fb = jnp.where(sel_valid[:, None], boxes_b[sel_idx], -1.0)
    fs = jnp.where(sel_valid, sel_scores_raw, -1.0)
    fl = jnp.where(sel_valid, sel_labels.astype(jnp.int32), -1)
    return fb, fs, fl


def reference(boxes, classification):
    out_b, out_s, out_l = jax.vmap(_select_one)(boxes, classification)
    return out_b, out_s, out_l

if __name__ == "__main__":
    import jax
    _d = setup_inputs()
    print(jax.jit(kernel)(*tuple(_d.values())))

</pallas_src>

<mosaic_0001>
#map = affine_map<(d0, d1) -> (0)>
module attributes {stable_mosaic.version = 14 : i64} {
  func.func @_sc_body(%arg0: i32, %arg1: i32, %arg2: memref<163840xf32, #tpu.memory_space<hbm>>, %arg3: memref<640000xf32, #tpu.memory_space<hbm>>, %arg4: memref<163840xi32, #tpu.memory_space<hbm>>, %arg5: memref<9728xf32, #tpu.memory_space<hbm>>, %arg6: memref<2432xf32, #tpu.memory_space<hbm>>, %arg7: memref<2432xi32, #tpu.memory_space<hbm>>, %arg8: memref<20224xf32, #tpu.memory_space<vmem>>, %arg9: memref<20000xf32, #tpu.memory_space<vmem>>, %arg10: memref<20000xf32, #tpu.memory_space<vmem>>, %arg11: memref<20000xf32, #tpu.memory_space<vmem>>, %arg12: memref<20000xf32, #tpu.memory_space<vmem>>, %arg13: memref<20000xi32, #tpu.memory_space<vmem>>, %arg14: memref<1264xf32, #tpu.memory_space<vmem>>, %arg15: memref<80xf32, #tpu.memory_space<vmem>>, %arg16: memref<320xf32, #tpu.memory_space<vmem>>, %arg17: memref<320xf32, #tpu.memory_space<vmem>>, %arg18: memref<320xf32, #tpu.memory_space<vmem>>, %arg19: memref<320xf32, #tpu.memory_space<vmem>>, %arg20: memref<1216xf32, #tpu.memory_space<vmem>>, %arg21: memref<304xf32, #tpu.memory_space<vmem>>, %arg22: memref<304xi32, #tpu.memory_space<vmem>>) attributes {dimension_semantics = [#tpu.dimension_semantics<core_parallel>, #tpu.dimension_semantics<subcore_parallel>], iteration_bounds = array<i64: 2, 16>, scalar_prefetch = 0 : i64, scratch_operands = 15 : i64, tpu.core_type = #tpu.core_type<sc_vector_subcore>, window_params = [{transform_indices = #map}, {transform_indices = #map}, {transform_indices = #map}, {transform_indices = #map}, {transform_indices = #map}, {transform_indices = #map}]} {
    %mul3A = arith.constant 2 : i32
    %mul3A_0 = arith.muli %arg1, %mul3A : i32
    %add3A = arith.addi %mul3A_0, %arg0 : i32
    %lt3A = arith.constant 8 : i32
    %lt3A_1 = arith.cmpi slt, %add3A, %lt3A : i32
    %convert_element_type3A = arith.extui %lt3A_1 : i1 to i32
    %cond3A = arith.constant 0 : i32
    %cond3A_2 = arith.cmpi ne, %convert_element_type3A, %cond3A : i32
    scf.if %cond3A_2 {
      %mul3A_3 = arith.constant 20480 : i32
      %mul3A_4 = arith.muli %add3A, %mul3A_3 : i32
      "tpu.region"() ({
        %run_scoped3A = tpu.sem_alloc : memref<!tpu.dma_semaphore, #tpu.memory_space<semaphore_mem>>
        %dma_start3A = arith.constant 0 : i32
        %dma_start3A_1144 = tpu.memref_slice %arg8[%dma_start3A] : memref<20224xf32, #tpu.memory_space<vmem>> -> memref<20000xf32, #tpu.memory_space<vmem>>
        %dma_start3A_1145 = tpu.memref_slice %arg2[%mul3A_4] : memref<163840xf32, #tpu.memory_space<hbm>> -> memref<20000xf32, #tpu.memory_space<hbm>>
        %dma_start3A_1146 = arith.constant 0 : i32
        %dma_start3A_1147 = tpu.memref_slice %arg8[%dma_start3A_1146] : memref<20224xf32, #tpu.memory_space<vmem>> -> memref<20000xf32, #tpu.memory_space<vmem>>
        %dma_start3A_1148 = tpu.memref_slice %arg2[%mul3A_4] : memref<163840xf32, #tpu.memory_space<hbm>> -> memref<20000xf32, #tpu.memory_space<hbm>>
        tpu.enqueue_dma source(%dma_start3A_1148 : memref<20000xf32, #tpu.memory_space<hbm>>) target(%dma_start3A_1147 : memref<20000xf32, #tpu.memory_space<vmem>>) target_semaphore(%run_scoped3A : memref<!tpu.dma_semaphore, #tpu.memory_space<semaphore_mem>>)
        %dma_wait3A = arith.constant 0 : i32
        %dma_wait3A_1149 = tpu.memref_slice %arg8[%dma_wait3A] : memref<20224xf32, #tpu.memory_space<vmem>> -> memref<20000xf32, #tpu.memory_space<vmem>>
        %dma_wait3A_1150 = tpu.memref_slice %arg2[%mul3A_4] : memref<163840xf32, #tpu.memory_space<hbm>> -> memref<20000xf32, #tpu.memory_space<hbm>>
        %dma_wait3A_1151 = arith.constant 0 : i32
        %dma_wait3A_1152 = tpu.memref_slice %arg8[%dma_wait3A_1151] : memref<20224xf32, #tpu.memory_space<vmem>> -> memref<20000xf32, #tpu.memory_space<vmem>>
        %dma_wait3A_1153 = tpu.memref_slice %arg2[%mul3A_4] : memref<163840xf32, #tpu.memory_space<hbm>> -> memref<20000xf32, #tpu.memory_space<hbm>>
        tpu.wait_dma2 semaphore(%run_scoped3A : memref<!tpu.dma_semaphore, #tpu.memory_space<semaphore_mem>>) src(%dma_wait3A_1153 : memref<20000xf32, #tpu.memory_space<hbm>>) dst(%dma_wait3A_1152 : memref<20000xf32, #tpu.memory_space<vmem>>)
        tpu.yield
      }) : () -> ()
      %mul3A_5 = arith.constant 4 : i32
      %mul3A_6 = arith.muli %add3A, %mul3A_5 : i32
      %add3A_7 = arith.constant 0 : i32
      %add3A_8 = arith.addi %mul3A_6, %add3A_7 : i32
      %mul3A_9 = arith.constant 20000 : i32
      %mul3A_10 = arith.muli %add3A_8, %mul3A_9 : i32
      "tpu.region"() ({
        %run_scoped3A = tpu.sem_alloc : memref<!tpu.dma_semaphore, #tpu.memory_space<semaphore_mem>>
        %dma_start3A = tpu.memref_slice %arg3[%mul3A_10] : memref<640000xf32, #tpu.memory_space<hbm>> -> memref<20000xf32, #tpu.memory_space<hbm>>
        %dma_start3A_1144 = tpu.memref_slice %arg3[%mul3A_10] : memref<640000xf32, #tpu.memory_space<hbm>> -> memref<20000xf32, #tpu.memory_space<hbm>>
        tpu.enqueue_dma source(%dma_start3A_1144 : memref<20000xf32, #tpu.memory_space<hbm>>) target(%arg9 : memref<20000xf32, #tpu.memory_space<vmem>>) target_semaphore(%run_scoped3A : memref<!tpu.dma_semaphore, #tpu.memory_space<semaphore_mem>>)
        %dma_wait3A = tpu.memref_slice %arg3[%mul3A_10] : memref<640000xf32, #tpu.memory_space<hbm>> -> memref<20000xf32, #tpu.memory_space<hbm>>
        %dma_wait3A_1145 = tpu.memref_slice %arg3[%mul3A_10] : memref<640000xf32, #tpu.memory_space<hbm>> -> memref<20000xf32, #tpu.memory_space<hbm>>
        tpu.wait_dma2 semaphore(%run_scoped3A : memref<!tpu.dma_semaphore, #tpu.memory_space<semaphore_mem>>) src(%dma_wait3A_1145 : memref<20000xf32, #tpu.memory_space<hbm>>) dst(%arg9 : memref<20000xf32, #tpu.memory_space<vmem>>)
        tpu.yield
      }) : () -> ()
      %mul3A_11 = arith.constant 4 : i32
      %mul3A_12 = arith.muli %add3A, %mul3A_11 : i32
      %add3A_13 = arith.constant 1 : i32
      %add3A_14 = arith.addi %mul3A_12, %add3A_13 : i32
      %mul3A_15 = arith.constant 20000 : i32
      %mul3A_16 = arith.muli %add3A_14, %mul3A_15 : i32
      "tpu.region"() ({
        %run_scoped3A = tpu.sem_alloc : memref<!tpu.dma_semaphore, #tpu.memory_space<semaphore_mem>>
        %dma_start3A = tpu.memref_slice %arg3[%mul3A_16] : memref<640000xf32, #tpu.memory_space<hbm>> -> memref<20000xf32, #tpu.memory_space<hbm>>
        %dma_start3A_1144 = tpu.memref_slice %arg3[%mul3A_16] : memref<640000xf32, #tpu.memory_space<hbm>> -> memref<20000xf32, #tpu.memory_space<hbm>>
        tpu.enqueue_dma source(%dma_start3A_1144 : memref<20000xf32, #tpu.memory_space<hbm>>) target(%arg10 : memref<20000xf32, #tpu.memory_space<vmem>>) target_semaphore(%run_scoped3A : memref<!tpu.dma_semaphore, #tpu.memory_space<semaphore_mem>>)
        %dma_wait3A = tpu.memref_slice %arg3[%mul3A_16] : memref<640000xf32, #tpu.memory_space<hbm>> -> memref<20000xf32, #tpu.memory_space<hbm>>
        %dma_wait3A_1145 = tpu.memref_slice %arg3[%mul3A_16] : memref<640000xf32, #tpu.memory_space<hbm>> -> memref<20000xf32, #tpu.memory_space<hbm>>
        tpu.wait_dma2 semaphore(%run_scoped3A : memref<!tpu.dma_semaphore, #tpu.memory_space<semaphore_mem>>) src(%dma_wait3A_1145 : memref<20000xf32, #tpu.memory_space<hbm>>) dst(%arg10 : memref<20000xf32, #tpu.memory_space<vmem>>)
        tpu.yield
      }) : () -> ()
      %mul3A_17 = arith.constant 4 : i32
      %mul3A_18 = arith.muli %add3A, %mul3A_17 : i32
      %add3A_19 = arith.constant 2 : i32
      %add3A_20 = arith.addi %mul3A_18, %add3A_19 : i32
      %mul3A_21 = arith.constant 20000 : i32
      %mul3A_22 = arith.muli %add3A_20, %mul3A_21 : i32
      "tpu.region"() ({
        %run_scoped3A = tpu.sem_alloc : memref<!tpu.dma_semaphore, #tpu.memory_space<semaphore_mem>>
        %dma_start3A = tpu.memref_slice %arg3[%mul3A_22] : memref<640000xf32, #tpu.memory_space<hbm>> -> memref<20000xf32, #tpu.memory_space<hbm>>
        %dma_start3A_1144 = tpu.memref_slice %arg3[%mul3A_22] : memref<640000xf32, #tpu.memory_space<hbm>> -> memref<20000xf32, #tpu.memory_space<hbm>>
        tpu.enqueue_dma source(%dma_start3A_1144 : memref<20000xf32, #tpu.memory_space<hbm>>) target(%arg11 : memref<20000xf32, #tpu.memory_space<vmem>>) target_semaphore(%run_scoped3A : memref<!tpu.dma_semaphore, #tpu.memory_space<semaphore_mem>>)
        %dma_wait3A = tpu.memref_slice %arg3[%mul3A_22] : memref<640000xf32, #tpu.memory_space<hbm>> -> memref<20000xf32, #tpu.memory_space<hbm>>
        %dma_wait3A_1145 = tpu.memref_slice %arg3[%mul3A_22] : memref<640000xf32, #tpu.memory_space<hbm>> -> memref<20000xf32, #tpu.memory_space<hbm>>
        tpu.wait_dma2 semaphore(%run_scoped3A : memref<!tpu.dma_semaphore, #tpu.memory_space<semaphore_mem>>) src(%dma_wait3A_1145 : memref<20000xf32, #tpu.memory_space<hbm>>) dst(%arg11 : memref<20000xf32, #tpu.memory_space<vmem>>)
        tpu.yield
      }) : () -> ()
      %mul3A_23 = arith.constant 4 : i32
      %mul3A_24 = arith.muli %add3A, %mul3A_23 : i32
      %add3A_25 = arith.constant 3 : i32
      %add3A_26 = arith.addi %mul3A_24, %add3A_25 : i32
      %mul3A_27 = arith.constant 20000 : i32
      %mul3A_28 = arith.muli %add3A_26, %mul3A_27 : i32
      "tpu.region"() ({
        %run_scoped3A = tpu.sem_alloc : memref<!tpu.dma_semaphore, #tpu.memory_space<semaphore_mem>>
        %dma_start3A = tpu.memref_slice %arg3[%mul3A_28] : memref<640000xf32, #tpu.memory_space<hbm>> -> memref<20000xf32, #tpu.memory_space<hbm>>
        %dma_start3A_1144 = tpu.memref_slice %arg3[%mul3A_28] : memref<640000xf32, #tpu.memory_space<hbm>> -> memref<20000xf32, #tpu.memory_space<hbm>>
        tpu.enqueue_dma source(%dma_start3A_1144 : memref<20000xf32, #tpu.memory_space<hbm>>) target(%arg12 : memref<20000xf32, #tpu.memory_space<vmem>>) target_semaphore(%run_scoped3A : memref<!tpu.dma_semaphore, #tpu.memory_space<semaphore_mem>>)
        %dma_wait3A = tpu.memref_slice %arg3[%mul3A_28] : memref<640000xf32, #tpu.memory_space<hbm>> -> memref<20000xf32, #tpu.memory_space<hbm>>
        %dma_wait3A_1145 = tpu.memref_slice %arg3[%mul3A_28] : memref<640000xf32, #tpu.memory_space<hbm>> -> memref<20000xf32, #tpu.memory_space<hbm>>
        tpu.wait_dma2 semaphore(%run_scoped3A : memref<!tpu.dma_semaphore, #tpu.memory_space<semaphore_mem>>) src(%dma_wait3A_1145 : memref<20000xf32, #tpu.memory_space<hbm>>) dst(%arg12 : memref<20000xf32, #tpu.memory_space<vmem>>)
        tpu.yield
      }) : () -> ()
      %mul3A_29 = arith.constant 20480 : i32
      %mul3A_30 = arith.muli %add3A, %mul3A_29 : i32
      "tpu.region"() ({
        %run_scoped3A = tpu.sem_alloc : memref<!tpu.dma_semaphore, #tpu.memory_space<semaphore_mem>>
        %dma_start3A = tpu.memref_slice %arg4[%mul3A_30] : memref<163840xi32, #tpu.memory_space<hbm>> -> memref<20000xi32, #tpu.memory_space<hbm>>
        %dma_start3A_1144 = tpu.memref_slice %arg4[%mul3A_30] : memref<163840xi32, #tpu.memory_space<hbm>> -> memref<20000xi32, #tpu.memory_space<hbm>>
        tpu.enqueue_dma source(%dma_start3A_1144 : memref<20000xi32, #tpu.memory_space<hbm>>) target(%arg13 : memref<20000xi32, #tpu.memory_space<vmem>>) target_semaphore(%run_scoped3A : memref<!tpu.dma_semaphore, #tpu.memory_space<semaphore_mem>>)
        %dma_wait3A = tpu.memref_slice %arg4[%mul3A_30] : memref<163840xi32, #tpu.memory_space<hbm>> -> memref<20000xi32, #tpu.memory_space<hbm>>
        %dma_wait3A_1145 = tpu.memref_slice %arg4[%mul3A_30] : memref<163840xi32, #tpu.memory_space<hbm>> -> memref<20000xi32, #tpu.memory_space<hbm>>
        tpu.wait_dma2 semaphore(%run_scoped3A : memref<!tpu.dma_semaphore, #tpu.memory_space<semaphore_mem>>) src(%dma_wait3A_1145 : memref<20000xi32, #tpu.memory_space<hbm>>) dst(%arg13 : memref<20000xi32, #tpu.memory_space<vmem>>)
        tpu.yield
      }) : () -> ()
      %iota3A = tpu.iota {dimensions = array<i32: 0>} : vector<16xi32>
      %broadcast_in_dim3A = arith.constant -3.000000e+38 : f32
      %broadcast_in_dim3A_31 = vector.broadcast %broadcast_in_dim3A : f32 to vector<16xf32>
      %broadcast_in_dim3A_32 = arith.constant -1.000000e+00 : f32
      %broadcast_in_dim3A_33 = vector.broadcast %broadcast_in_dim3A_32 : f32 to vector<16xf32>
      %broadcast_in_dim3A_34 = arith.constant -1 : i32
      %broadcast_in_dim3A_35 = vector.broadcast %broadcast_in_dim3A_34 : i32 to vector<16xi32>
      %broadcast_in_dim3A_36 = arith.constant 0.000000e+00 : f32
      %broadcast_in_dim3A_37 = vector.broadcast %broadcast_in_dim3A_36 : f32 to vector<16xf32>
      %swap3A = arith.constant 20000 : index
      %swap3A_38 = tpu.vector_load %arg8[%swap3A] {strides = array<i32>} : memref<20224xf32, #tpu.memory_space<vmem>>, vector<16xf32>,
      tpu.vector_store %arg8[%swap3A], %broadcast_in_dim3A_31 {strides = array<i32>} : memref<20224xf32, #tpu.memory_space<vmem>>, vector<16xf32>,
      %swap3A_39 = arith.constant 20016 : index
      %swap3A_40 = tpu.vector_load %arg8[%swap3A_39] {strides = array<i32>} : memref<20224xf32, #tpu.memory_space<vmem>>, vector<16xf32>,
      tpu.vector_store %arg8[%swap3A_39], %broadcast_in_dim3A_31 {strides = array<i32>} : memref<20224xf32, #tpu.memory_space<vmem>>, vector<16xf32>,
      %swap3A_41 = arith.constant 20032 : index
      %swap3A_42 = tpu.vector_load %arg8[%swap3A_41] {strides = array<i32>} : memref<20224xf32, #tpu.memory_space<vmem>>, vector<16xf32>,
      tpu.vector_store %arg8[%swap3A_41], %broadcast_in_dim3A_31 {strides = array<i32>} : memref<20224xf32, #tpu.memory_space<vmem>>, vector<16xf32>,
      %swap3A_43 = arith.constant 20048 : index
      %swap3A_44 = tpu.vector_load %arg8[%swap3A_43] {strides = array<i32>} : memref<20224xf32, #tpu.memory_space<vmem>>, vector<16xf32>,
      tpu.vector_store %arg8[%swap3A_43], %broadcast_in_dim3A_31 {strides = array<i32>} : memref<20224xf32, #tpu.memory_space<vmem>>, vector<16xf32>,
      %swap3A_45 = arith.constant 20064 : index
      %swap3A_46 = tpu.vector_load %arg8[%swap3A_45] {strides = array<i32>} : memref<20224xf32, #tpu.memory_space<vmem>>, vector<16xf32>,
      tpu.vector_store %arg8[%swap3A_45], %broadcast_in_dim3A_31 {strides = array<i32>} : memref<20224xf32, #tpu.memory_space<vmem>>, vector<16xf32>,
      %swap3A_47 = arith.constant 20080 : index
      %swap3A_48 = tpu.vector_load %arg8[%swap3A_47] {strides = array<i32>} : memref<20224xf32, #tpu.memory_space<vmem>>, vector<16xf32>,
      tpu.vector_store %arg8[%swap3A_47], %broadcast_in_dim3A_31 {strides = array<i32>} : memref<20224xf32, #tpu.memory_space<vmem>>, vector<16xf32>,
      %swap3A_49 = arith.constant 20096 : index
      %swap3A_50 = tpu.vector_load %arg8[%swap3A_49] {strides = array<i32>} : memref<20224xf32, #tpu.memory_space<vmem>>, vector<16xf32>,
      tpu.vector_store %arg8[%swap3A_49], %broadcast_in_dim3A_31 {strides = array<i32>} : memref<20224xf32, #tpu.memory_space<vmem>>, vector<16xf32>,
      %swap3A_51 = arith.constant 20112 : index
      %swap3A_52 = tpu.vector_load %arg8[%swap3A_51] {strides = array<i32>} : memref<20224xf32, #tpu.memory_space<vmem>>, vector<16xf32>,
      tpu.vector_store %arg8[%swap3A_51], %broadcast_in_dim3A_31 {strides = array<i32>} : memref<20224xf32, #tpu.memory_space<vmem>>, vector<16xf32>,
      %swap3A_53 = arith.constant 20128 : index
      %swap3A_54 = tpu.vector_load %arg8[%swap3A_53] {strides = array<i32>} : memref<20224xf32, #tpu.memory_space<vmem>>, vector<16xf32>,
      tpu.vector_store %arg8[%swap3A_53], %broadcast_in_dim3A_31 {strides = array<i32>} : memref<20224xf32, #tpu.memory_space<vmem>>, vector<16xf32>,
      %swap3A_55 = arith.constant 20144 : index
      %swap3A_56 = tpu.vector_load %arg8[%swap3A_55] {strides = array<i32>} : memref<20224xf32, #tpu.memory_space<vmem>>, vector<16xf32>,
      tpu.vector_store %arg8[%swap3A_55], %broadcast_in_dim3A_31 {strides = array<i32>} : memref<20224xf32, #tpu.memory_space<vmem>>, vector<16xf32>,
      %swap3A_57 = arith.constant 20160 : index
      %swap3A_58 = tpu.vector_load %arg8[%swap3A_57] {strides = array<i32>} : memref<20224xf32, #tpu.memory_space<vmem>>, vector<16xf32>,
      tpu.vector_store %arg8[%swap3A_57], %broadcast_in_dim3A_31 {strides = array<i32>} : memref<20224xf32, #tpu.memory_space<vmem>>, vector<16xf32>,
      %swap3A_59 = arith.constant 20176 : index
      %swap3A_60 = tpu.vector_load %arg8[%swap3A_59] {strides = array<i32>} : memref<20224xf32, #tpu.memory_space<vmem>>, vector<16xf32>,
      tpu.vector_store %arg8[%swap3A_59], %broadcast_in_dim3A_31 {strides = array<i32>} : memref<20224xf32, #tpu.memory_space<vmem>>, vector<16xf32>,
      %swap3A_61 = arith.constant 20192 : index
      %swap3A_62 = tpu.vector_load %arg8[%swap3A_61] {strides = array<i32>} : memref<20224xf32, #tpu.memory_space<vmem>>, vector<16xf32>,
      tpu.vector_store %arg8[%swap3A_61], %broadcast_in_dim3A_31 {strides = array<i32>} : memref<20224xf32, #tpu.memory_space<vmem>>, vector<16xf32>,
      %swap3A_63 = arith.constant 20208 : index
      %swap3A_64 = tpu.vector_load %arg8[%swap3A_63] {strides = array<i32>} : memref<20224xf32, #tpu.memory_space<vmem>>, vector<16xf32>,
      tpu.vector_store %arg8[%swap3A_63], %broadcast_in_dim3A_31 {strides = array<i32>} : memref<20224xf32, #tpu.memory_space<vmem>>, vector<16xf32>,
      %scan3A = arith.constant 0 : i32
      %scan3A_65 = arith.constant 0 : i32
      %scan3A_66 = arith.constant 76 : i32
      %scan3A_67 = arith.addi %scan3A_65, %scan3A_66 : i32
      %scan3A_68 = arith.constant 1 : i32
      %scan3A_69 = scf.for %scan3A_1144 = %scan3A_65 to %scan3A_67 step %scan3A_68 iter_args(%scan3A_1145 = %scan3A) -> (i32)  : i32 {
        %mul3A_1146 = arith.constant 16 : i32
        %mul3A_1147 = arith.muli %scan3A_1144, %mul3A_1146 : i32
        %swap3A_1148 = arith.index_cast %mul3A_1147 : i32 to index
        %swap3A_1149 = tpu.vector_load %arg20[%swap3A_1148] {strides = array<i32>} : memref<1216xf32, #tpu.memory_space<vmem>>, vector<16xf32>,
        tpu.vector_store %arg20[%swap3A_1148], %broadcast_in_dim3A_33 {strides = array<i32>} : memref<1216xf32, #tpu.memory_space<vmem>>, vector<16xf32>,
        %scan3A_1150 = arith.constant 0 : i32
        scf.yield %scan3A_1150 : i32
      }
      %scan3A_70 = arith.constant 76 : i32
      %scan3A_71 = arith.constant 0 : i32
      %scan3A_72 = arith.constant 0 : i32
      %scan3A_73 = arith.constant 19 : i32
      %scan3A_74 = arith.addi %scan3A_72, %scan3A_73 : i32
      %scan3A_75 = arith.constant 1 : i32
      %scan3A_76 = scf.for %scan3A_1144 = %scan3A_72 to %scan3A_74 step %scan3A_75 iter_args(%scan3A_1145 = %scan3A_71) -> (i32)  : i32 {
        %mul3A_1146 = arith.constant 16 : i32
        %mul3A_1147 = arith.muli %scan3A_1144, %mul3A_1146 : i32
        %swap3A_1148 = arith.index_cast %mul3A_1147 : i32 to index
        %swap3A_1149 = tpu.vector_load %arg21[%swap3A_1148] {strides = array<i32>} : memref<304xf32, #tpu.memory_space<vmem>>, vector<16xf32>,
        tpu.vector_store %arg21[%swap3A_1148], %broadcast_in_dim3A_33 {strides = array<i32>} : memref<304xf32, #tpu.memory_space<vmem>>, vector<16xf32>,
        %mul3A_1150 = arith.constant 16 : i32
        %mul3A_1151 = arith.muli %scan3A_1144, %mul3A_1150 : i32
        %swap3A_1152 = arith.index_cast %mul3A_1151 : i32 to index
        %swap3A_1153 = tpu.vector_load %arg22[%swap3A_1152] {strides = array<i32>} : memref<304xi32, #tpu.memory_space<vmem>>, vector<16xi32>,
        tpu.vector_store %arg22[%swap3A_1152], %broadcast_in_dim3A_35 {strides = array<i32>} : memref<304xi32, #tpu.memory_space<vmem>>, vector<16xi32>,
        %scan3A_1154 = arith.constant 0 : i32
        scf.yield %scan3A_1154 : i32
      }
      %scan3A_77 = arith.constant 19 : i32
      %scan3A_78 = arith.constant 0 : i32
      %scan3A_79 = arith.constant 0 : i32
      %scan3A_80 = arith.constant 20 : i32
      %scan3A_81 = arith.addi %scan3A_79, %scan3A_80 : i32
      %scan3A_82 = arith.constant 1 : i32
      %scan3A_83 = scf.for %scan3A_1144 = %scan3A_79 to %scan3A_81 step %scan3A_82 iter_args(%scan3A_1145 = %scan3A_78) -> (i32)  : i32 {
        %mul3A_1146 = arith.constant 16 : i32
        %mul3A_1147 = arith.muli %scan3A_1144, %mul3A_1146 : i32
        %swap3A_1148 = arith.index_cast %mul3A_1147 : i32 to index
        %swap3A_1149 = tpu.vector_load %arg16[%swap3A_1148] {strides = array<i32>} : memref<320xf32, #tpu.memory_space<vmem>>, vector<16xf32>,
        tpu.vector_store %arg16[%swap3A_1148], %broadcast_in_dim3A_37 {strides = array<i32>} : memref<320xf32, #tpu.memory_space<vmem>>, vector<16xf32>,
        %mul3A_1150 = arith.constant 16 : i32
        %mul3A_1151 = arith.muli %scan3A_1144, %mul3A_1150 : i32
        %swap3A_1152 = arith.index_cast %mul3A_1151 : i32 to index
        %swap3A_1153 = tpu.vector_load %arg17[%swap3A_1152] {strides = array<i32>} : memref<320xf32, #tpu.memory_space<vmem>>, vector<16xf32>,
        tpu.vector_store %arg17[%swap3A_1152], %broadcast_in_dim3A_37 {strides = array<i32>} : memref<320xf32, #tpu.memory_space<vmem>>, vector<16xf32>,
        %mul3A_1154 = arith.constant 16 : i32
        %mul3A_1155 = arith.muli %scan3A_1144, %mul3A_1154 : i32
        %swap3A_1156 = arith.index_cast %mul3A_1155 : i32 to index
        %swap3A_1157 = tpu.vector_load %arg18[%swap3A_1156] {strides = array<i32>} : memref<320xf32, #tpu.memory_space<vmem>>, vector<16xf32>,
        tpu.vector_store %arg18[%swap3A_1156], %broadcast_in_dim3A_37 {strides = array<i32>} : memref<320xf32, #tpu.memory_space<vmem>>, vector<16xf32>,
        %mul3A_1158 = arith.constant 16 : i32
        %mul3A_1159 = arith.muli %scan3A_1144, %mul3A_1158 : i32
        %swap3A_1160 = arith.index_cast %mul3A_1159 : i32 to index
        %swap3A_1161 = tpu.vector_load %arg19[%swap3A_1160] {strides = array<i32>} : memref<320xf32, #tpu.memory_space<vmem>>, vector<16xf32>,
        tpu.vector_store %arg19[%swap3A_1160], %broadcast_in_dim3A_37 {strides = array<i32>} : memref<320xf32, #tpu.memory_space<vmem>>, vector<16xf32>,
        %scan3A_1162 = arith.constant 0 : i32
        scf.yield %scan3A_1162 : i32
      }
      %scan3A_84 = arith.constant 20 : i32
      %scan3A_85 = arith.constant 0 : i32
      %scan3A_86 = arith.constant 0 : i32
      %scan3A_87 = arith.constant 79 : i32
      %scan3A_88 = arith.addi %scan3A_86, %scan3A_87 : i32
      %scan3A_89 = arith.constant 1 : i32
      %scan3A_90 = scf.for %scan3A_1144 = %scan3A_86 to %scan3A_88 step %scan3A_89 iter_args(%scan3A_1145 = %scan3A_85) -> (i32)  : i32 {
        %mul3A_1146 = arith.constant 256 : i32
        %mul3A_1147 = arith.muli %scan3A_1144, %mul3A_1146 : i32
        %add3A_1148 = arith.constant 0 : i32
        %add3A_1149 = arith.addi %mul3A_1147, %add3A_1148 : i32
        %eq3A_1150 = arith.constant 0 : i32
        %eq3A_1151 = vector.broadcast %eq3A_1150 : i32 to vector<16xi32>
        %eq3A_1152 = arith.cmpi eq, %iota3A, %eq3A_1151 : vector<16xi32>
        %get3A_1153 = arith.index_cast %add3A_1149 : i32 to index
        %get3A_1154 = tpu.vector_load %arg8[%get3A_1153] {strides = array<i32>} : memref<20224xf32, #tpu.memory_space<vmem>>, vector<16xf32>,
        %reduce_max3A_1155 = arith.constant true
        %reduce_max3A_1156 = vector.broadcast %reduce_max3A_1155 : i1 to vector<16xi1>
        %reduce_max3A_1157 = tpu.scan <max>, %get3A_1154 masked %reduce_max3A_1156 : vector<16xf32>, vector<16xi1> -> vector<16xf32>
        %reduce_max3A_1158 = vector.extract %reduce_max3A_1157[15] : f32 from vector<16xf32>
        %broadcast_in_dim3A_1159 = vector.broadcast %reduce_max3A_1158 : f32 to vector<16xf32>
        %select_n3A_1160 = arith.select %eq3A_1152, %broadcast_in_dim3A_1159, %broadcast_in_dim3A_31 : vector<16xi1>, vector<16xf32>
        %mul3A_1161 = arith.constant 256 : i32
        %mul3A_1162 = arith.muli %scan3A_1144, %mul3A_1161 : i32
        %add3A_1163 = arith.constant 16 : i32
        %add3A_1164 = arith.addi %mul3A_1162, %add3A_1163 : i32
        %eq3A_1165 = arith.constant 1 : i32
        %eq3A_1166 = vector.broadcast %eq3A_1165 : i32 to vector<16xi32>
        %eq3A_1167 = arith.cmpi eq, %iota3A, %eq3A_1166 : vector<16xi32>
        %get3A_1168 = arith.index_cast %add3A_1164 : i32 to index
        %get3A_1169 = tpu.vector_load %arg8[%get3A_1168] {strides = array<i32>} : memref<20224xf32, #tpu.memory_space<vmem>>, vector<16xf32>,
        %reduce_max3A_1170 = arith.constant true
        %reduce_max3A_1171 = vector.broadcast %reduce_max3A_1170 : i1 to vector<16xi1>
        %reduce_max3A_1172 = tpu.scan <max>, %get3A_1169 masked %reduce_max3A_1171 : vector<16xf32>, vector<16xi1> -> vector<16xf32>
        %reduce_max3A_1173 = vector.extract %reduce_max3A_1172[15] : f32 from vector<16xf32>
        %broadcast_in_dim3A_1174 = vector.broadcast %reduce_max3A_1173 : f32 to vector<16xf32>
        %select_n3A_1175 = arith.select %eq3A_1167, %broadcast_in_dim3A_1174, %select_n3A_1160 : vector<16xi1>, vector<16xf32>
        %mul3A_1176 = arith.constant 256 : i32
        %mul3A_1177 = arith.muli %scan3A_1144, %mul3A_1176 : i32
        %add3A_1178 = arith.constant 32 : i32
        %add3A_1179 = arith.addi %mul3A_1177, %add3A_1178 : i32
        %eq3A_1180 = arith.constant 2 : i32
        %eq3A_1181 = vector.broadcast %eq3A_1180 : i32 to vector<16xi32>
        %eq3A_1182 = arith.cmpi eq, %iota3A, %eq3A_1181 : vector<16xi32>
        %get3A_1183 = arith.index_cast %add3A_1179 : i32 to index
        %get3A_1184 = tpu.vector_load %arg8[%get3A_1183] {strides = array<i32>} : memref<20224xf32, #tpu.memory_space<vmem>>, vector<16xf32>,
        %reduce_max3A_1185 = arith.constant true
        %reduce_max3A_1186 = vector.broadcast %reduce_max3A_1185 : i1 to vector<16xi1>
        %reduce_max3A_1187 = tpu.scan <max>, %get3A_1184 masked %reduce_max3A_1186 : vector<16xf32>, vector<16xi1> -> vector<16xf32>
        %reduce_max3A_1188 = vector.extract %reduce_max3A_1187[15] : f32 from vector<16xf32>
        %broadcast_in_dim3A_1189 = vector.broadcast %reduce_max3A_1188 : f32 to vector<16xf32>
        %select_n3A_1190 = arith.select %eq3A_1182, %broadcast_in_dim3A_1189, %select_n3A_1175 : vector<16xi1>, vector<16xf32>
        %mul3A_1191 = arith.constant 256 : i32
        %mul3A_1192 = arith.muli %scan3A_1144, %mul3A_1191 : i32
        %add3A_1193 = arith.constant 48 : i32
        %add3A_1194 = arith.addi %mul3A_1192, %add3A_1193 : i32
        %eq3A_1195 = arith.constant 3 : i32
        %eq3A_1196 = vector.broadcast %eq3A_1195 : i32 to vector<16xi32>
        %eq3A_1197 = arith.cmpi eq, %iota3A, %eq3A_1196 : vector<16xi32>
        %get3A_1198 = arith.index_cast %add3A_1194 : i32 to index
        %get3A_1199 = tpu.vector_load %arg8[%get3A_1198] {strides = array<i32>} : memref<20224xf32, #tpu.memory_space<vmem>>, vector<16xf32>,
        %reduce_max3A_1200 = arith.constant true
        %reduce_max3A_1201 = vector.broadcast %reduce_max3A_1200 : i1 to vector<16xi1>
        %reduce_max3A_1202 = tpu.scan <max>, %get3A_1199 masked %reduce_max3A_1201 : vector<16xf32>, vector<16xi1> -> vector<16xf32>
        %reduce_max3A_1203 = vector.extract %reduce_max3A_1202[15] : f32 from vector<16xf32>
        %broadcast_in_dim3A_1204 = vector.broadcast %reduce_max3A_1203 : f32 to vector<16xf32>
        %select_n3A_1205 = arith.select %eq3A_1197, %broadcast_in_dim3A_1204, %select_n3A_1190 : vector<16xi1>, vector<16xf32>
        %mul3A_1206 = arith.constant 256 : i32
        %mul3A_1207 = arith.muli %scan3A_1144, %mul3A_1206 : i32
        %add3A_1208 = arith.constant 64 : i32
        %add3A_1209 = arith.addi %mul3A_1207, %add3A_1208 : i32
        %eq3A_1210 = arith.constant 4 : i32
        %eq3A_1211 = vector.broadcast %eq3A_1210 : i32 to vector<16xi32>
        %eq3A_1212 = arith.cmpi eq, %iota3A, %eq3A_1211 : vector<16xi32>
        %get3A_1213 = arith.index_cast %add3A_1209 : i32 to index
        %get3A_1214 = tpu.vector_load %arg8[%get3A_1213] {strides = array<i32>} : memref<20224xf32, #tpu.memory_space<vmem>>, vector<16xf32>,
        %reduce_max3A_1215 = arith.constant true
        %reduce_max3A_1216 = vector.broadcast %reduce_max3A_1215 : i1 to vector<16xi1>
        %reduce_max3A_1217 = tpu.scan <max>, %get3A_1214 masked %reduce_max3A_1216 : vector<16xf32>, vector<16xi1> -> vector<16xf32>
        %reduce_max3A_1218 = vector.extract %reduce_max3A_1217[15] : f32 from vector<16xf32>
        %broadcast_in_dim3A_1219 = vector.broadcast %reduce_max3A_1218 : f32 to vector<16xf32>
        %select_n3A_1220 = arith.select %eq3A_1212, %broadcast_in_dim3A_1219, %select_n3A_1205 : vector<16xi1>, vector<16xf32>
        %mul3A_1221 = arith.constant 256 : i32
        %mul3A_1222 = arith.muli %scan3A_1144, %mul3A_1221 : i32
        %add3A_1223 = arith.constant 80 : i32
        %add3A_1224 = arith.addi %mul3A_1222, %add3A_1223 : i32
        %eq3A_1225 = arith.constant 5 : i32
        %eq3A_1226 = vector.broadcast %eq3A_1225 : i32 to vector<16xi32>
        %eq3A_1227 = arith.cmpi eq, %iota3A, %eq3A_1226 : vector<16xi32>
        %get3A_1228 = arith.index_cast %add3A_1224 : i32 to index
        %get3A_1229 = tpu.vector_load %arg8[%get3A_1228] {strides = array<i32>} : memref<20224xf32, #tpu.memory_space<vmem>>, vector<16xf32>,
        %reduce_max3A_1230 = arith.constant true
        %reduce_max3A_1231 = vector.broadcast %reduce_max3A_1230 : i1 to vector<16xi1>
        %reduce_max3A_1232 = tpu.scan <max>, %get3A_1229 masked %reduce_max3A_1231 : vector<16xf32>, vector<16xi1> -> vector<16xf32>
        %reduce_max3A_1233 = vector.extract %reduce_max3A_1232[15] : f32 from vector<16xf32>
        %broadcast_in_dim3A_1234 = vector.broadcast %reduce_max3A_1233 : f32 to vector<16xf32>
        %select_n3A_1235 = arith.select %eq3A_1227, %broadcast_in_dim3A_1234, %select_n3A_1220 : vector<16xi1>, vector<16xf32>
        %mul3A_1236 = arith.constant 256 : i32
        %mul3A_1237 = arith.muli %scan3A_1144, %mul3A_1236 : i32
        %add3A_1238 = arith.constant 96 : i32
        %add3A_1239 = arith.addi %mul3A_1237, %add3A_1238 : i32
        %eq3A_1240 = arith.constant 6 : i32
        %eq3A_1241 = vector.broadcast %eq3A_1240 : i32 to vector<16xi32>
        %eq3A_1242 = arith.cmpi eq, %iota3A, %eq3A_1241 : vector<16xi32>
        %get3A_1243 = arith.index_cast %add3A_1239 : i32 to index
        %get3A_1244 = tpu.vector_load %arg8[%get3A_1243] {strides = array<i32>} : memref<20224xf32, #tpu.memory_space<vmem>>, vector<16xf32>,
        %reduce_max3A_1245 = arith.constant true
        %reduce_max3A_1246 = vector.broadcast %reduce_max3A_1245 : i1 to vector<16xi1>
        %reduce_max3A_1247 = tpu.scan <max>, %get3A_1244 masked %reduce_max3A_1246 : vector<16xf32>, vector<16xi1> -> vector<16xf32>
        %reduce_max3A_1248 = vector.extract %reduce_max3A_1247[15] : f32 from vector<16xf32>
        %broadcast_in_dim3A_1249 = vector.broadcast %reduce_max3A_1248 : f32 to vector<16xf32>
        %select_n3A_1250 = arith.select %eq3A_1242, %broadcast_in_dim3A_1249, %select_n3A_1235 : vector<16xi1>, vector<16xf32>
        %mul3A_1251 = arith.constant 256 : i32
        %mul3A_1252 = arith.muli %scan3A_1144, %mul3A_1251 : i32
        %add3A_1253 = arith.constant 112 : i32
        %add3A_1254 = arith.addi %mul3A_1252, %add3A_1253 : i32
        %eq3A_1255 = arith.constant 7 : i32
        %eq3A_1256 = vector.broadcast %eq3A_1255 : i32 to vector<16xi32>
        %eq3A_1257 = arith.cmpi eq, %iota3A, %eq3A_1256 : vector<16xi32>
        %get3A_1258 = arith.index_cast %add3A_1254 : i32 to index
        %get3A_1259 = tpu.vector_load %arg8[%get3A_1258] {strides = array<i32>} : memref<20224xf32, #tpu.memory_space<vmem>>, vector<16xf32>,
        %reduce_max3A_1260 = arith.constant true
        %reduce_max3A_1261 = vector.broadcast %reduce_max3A_1260 : i1 to vector<16xi1>
        %reduce_max3A_1262 = tpu.scan <max>, %get3A_1259 masked %reduce_max3A_1261 : vector<16xf32>, vector<16xi1> -> vector<16xf32>
        %reduce_max3A_1263 = vector.extract %reduce_max3A_1262[15] : f32 from vector<16xf32>
        %broadcast_in_dim3A_1264 = vector.broadcast %reduce_max3A_1263 : f32 to vector<16xf32>
        %select_n3A_1265 = arith.select %eq3A_1257, %broadcast_in_dim3A_1264, %select_n3A_1250 : vector<16xi1>, vector<16xf32>
        %mul3A_1266 = arith.constant 256 : i32
        %mul3A_1267 = arith.muli %scan3A_1144, %mul3A_1266 : i32
        %add3A_1268 = arith.constant 128 : i32
        %add3A_1269 = arith.addi %mul3A_1267, %add3A_1268 : i32
        %eq3A_1270 = arith.constant 8 : i32
        %eq3A_1271 = vector.broadcast %eq3A_1270 : i32 to vector<16xi32>
        %eq3A_1272 = arith.cmpi eq, %iota3A, %eq3A_1271 : vector<16xi32>
        %get3A_1273 = arith.index_cast %add3A_1269 : i32 to index
        %get3A_1274 = tpu.vector_load %arg8[%get3A_1273] {strides = array<i32>} : memref<20224xf32, #tpu.memory_space<vmem>>, vector<16xf32>,
        %reduce_max3A_1275 = arith.constant true
        %reduce_max3A_1276 = vector.broadcast %reduce_max3A_1275 : i1 to vector<16xi1>
        %reduce_max3A_1277 = tpu.scan <max>, %get3A_1274 masked %reduce_max3A_1276 : vector<16xf32>, vector<16xi1> -> vector<16xf32>
        %reduce_max3A_1278 = vector.extract %reduce_max3A_1277[15] : f32 from vector<16xf32>
        %broadcast_in_dim3A_1279 = vector.broadcast %reduce_max3A_1278 : f32 to vector<16xf32>
        %select_n3A_1280 = arith.select %eq3A_1272, %broadcast_in_dim3A_1279, %select_n3A_1265 : vector<16xi1>, vector<16xf32>
        %mul3A_1281 = arith.constant 256 : i32
        %mul3A_1282 = arith.muli %scan3A_1144, %mul3A_1281 : i32
        %add3A_1283 = arith.constant 144 : i32
        %add3A_1284 = arith.addi %mul3A_1282, %add3A_1283 : i32
        %eq3A_1285 = arith.constant 9 : i32
        %eq3A_1286 = vector.broadcast %eq3A_1285 : i32 to vector<16xi32>
        %eq3A_1287 = arith.cmpi eq, %iota3A, %eq3A_1286 : vector<16xi32>
        %get3A_1288 = arith.index_cast %add3A_1284 : i32 to index
        %get3A_1289 = tpu.vector_load %arg8[%get3A_1288] {strides = array<i32>} : memref<20224xf32, #tpu.memory_space<vmem>>, vector<16xf32>,
        %reduce_max3A_1290 = arith.constant true
        %reduce_max3A_1291 = vector.broadcast %reduce_max3A_1290 : i1 to vector<16xi1>
        %reduce_max3A_1292 = tpu.scan <max>, %get3A_1289 masked %reduce_max3A_1291 : vector<16xf32>, vector<16xi1> -> vector<16xf32>
        %reduce_max3A_1293 = vector.extract %reduce_max3A_1292[15] : f32 from vector<16xf32>
        %broadcast_in_dim3A_1294 = vector.broadcast %reduce_max3A_1293 : f32 to vector<16xf32>
        %select_n3A_1295 = arith.select %eq3A_1287, %broadcast_in_dim3A_1294, %select_n3A_1280 : vector<16xi1>, vector<16xf32>
        %mul3A_1296 = arith.constant 256 : i32
        %mul3A_1297 = arith.muli %scan3A_1144, %mul3A_1296 : i32
        %add3A_1298 = arith.constant 160 : i32
        %add3A_1299 = arith.addi %mul3A_1297, %add3A_1298 : i32
        %eq3A_1300 = arith.constant 10 : i32
        %eq3A_1301 = vector.broadcast %eq3A_1300 : i32 to vector<16xi32>
        %eq3A_1302 = arith.cmpi eq, %iota3A, %eq3A_1301 : vector<16xi32>
        %get3A_1303 = arith.index_cast %add3A_1299 : i32 to index
        %get3A_1304 = tpu.vector_load %arg8[%get3A_1303] {strides = array<i32>} : memref<20224xf32, #tpu.memory_space<vmem>>, vector<16xf32>,
        %reduce_max3A_1305 = arith.constant true
        %reduce_max3A_1306 = vector.broadcast %reduce_max3A_1305 : i1 to vector<16xi1>
        %reduce_max3A_1307 = tpu.scan <max>, %get3A_1304 masked %reduce_max3A_1306 : vector<16xf32>, vector<16xi1> -> vector<16xf32>
        %reduce_max3A_1308 = vector.extract %reduce_max3A_1307[15] : f32 from vector<16xf32>
        %broadcast_in_dim3A_1309 = vector.broadcast %reduce_max3A_1308 : f32 to vector<16xf32>
        %select_n3A_1310 = arith.select %eq3A_1302, %broadcast_in_dim3A_1309, %select_n3A_1295 : vector<16xi1>, vector<16xf32>
        %mul3A_1311 = arith.constant 256 : i32
        %mul3A_1312 = arith.muli %scan3A_1144, %mul3A_1311 : i32
        %add3A_1313 = arith.constant 176 : i32
        %add3A_1314 = arith.addi %mul3A_1312, %add3A_1313 : i32
        %eq3A_1315 = arith.constant 11 : i32
        %eq3A_1316 = vector.broadcast %eq3A_1315 : i32 to vector<16xi32>
        %eq3A_1317 = arith.cmpi eq, %iota3A, %eq3A_1316 : vector<16xi32>
        %get3A_1318 = arith.index_cast %add3A_1314 : i32 to index
        %get3A_1319 = tpu.vector_load %arg8[%get3A_1318] {strides = array<i32>} : memref<20224xf32, #tpu.memory_space<vmem>>, vector<16xf32>,
        %reduce_max3A_1320 = arith.constant true
        %reduce_max3A_1321 = vector.broadcast %reduce_max3A_1320 : i1 to vector<16xi1>
        %reduce_max3A_1322 = tpu.scan <max>, %get3A_1319 masked %reduce_max3A_1321 : vector<16xf32>, vector<16xi1> -> vector<16xf32>
        %reduce_max3A_1323 = vector.extract %reduce_max3A_1322[15] : f32 from vector<16xf32>
        %broadcast_in_dim3A_1324 = vector.broadcast %reduce_max3A_1323 : f32 to vector<16xf32>
        %select_n3A_1325 = arith.select %eq3A_1317, %broadcast_in_dim3A_1324, %select_n3A_1310 : vector<16xi1>, vector<16xf32>
        %mul3A_1326 = arith.constant 256 : i32
        %mul3A_1327 = arith.muli %scan3A_1144, %mul3A_1326 : i32
        %add3A_1328 = arith.constant 192 : i32
        %add3A_1329 = arith.addi %mul3A_1327, %add3A_1328 : i32
        %eq3A_1330 = arith.constant 12 : i32
        %eq3A_1331 = vector.broadcast %eq3A_1330 : i32 to vector<16xi32>
        %eq3A_1332 = arith.cmpi eq, %iota3A, %eq3A_1331 : vector<16xi32>
        %get3A_1333 = arith.index_cast %add3A_1329 : i32 to index
        %get3A_1334 = tpu.vector_load %arg8[%get3A_1333] {strides = array<i32>} : memref<20224xf32, #tpu.memory_space<vmem>>, vector<16xf32>,
        %reduce_max3A_1335 = arith.constant true
        %reduce_max3A_1336 = vector.broadcast %reduce_max3A_1335 : i1 to vector<16xi1>
        %reduce_max3A_1337 = tpu.scan <max>, %get3A_1334 masked %reduce_max3A_1336 : vector<16xf32>, vector<16xi1> -> vector<16xf32>
        %reduce_max3A_1338 = vector.extract %reduce_max3A_1337[15] : f32 from vector<16xf32>
        %broadcast_in_dim3A_1339 = vector.broadcast %reduce_max3A_1338 : f32 to vector<16xf32>
        %select_n3A_1340 = arith.select %eq3A_1332, %broadcast_in_dim3A_1339, %select_n3A_1325 : vector<16xi1>, vector<16xf32>
        %mul3A_1341 = arith.constant 256 : i32
        %mul3A_1342 = arith.muli %scan3A_1144, %mul3A_1341 : i32
        %add3A_1343 = arith.constant 208 : i32
        %add3A_1344 = arith.addi %mul3A_1342, %add3A_1343 : i32
        %eq3A_1345 = arith.constant 13 : i32
        %eq3A_1346 = vector.broadcast %eq3A_1345 : i32 to vector<16xi32>
        %eq3A_1347 = arith.cmpi eq, %iota3A, %eq3A_1346 : vector<16xi32>
        %get3A_1348 = arith.index_cast %add3A_1344 : i32 to index
        %get3A_1349 = tpu.vector_load %arg8[%get3A_1348] {strides = array<i32>} : memref<20224xf32, #tpu.memory_space<vmem>>, vector<16xf32>,
        %reduce_max3A_1350 = arith.constant true
        %reduce_max3A_1351 = vector.broadcast %reduce_max3A_1350 : i1 to vector<16xi1>
        %reduce_max3A_1352 = tpu.scan <max>, %get3A_1349 masked %reduce_max3A_1351 : vector<16xf32>, vector<16xi1> -> vector<16xf32>
        %reduce_max3A_1353 = vector.extract %reduce_max3A_1352[15] : f32 from vector<16xf32>
        %broadcast_in_dim3A_1354 = vector.broadcast %reduce_max3A_1353 : f32 to vector<16xf32>
        %select_n3A_1355 = arith.select %eq3A_1347, %broadcast_in_dim3A_1354, %select_n3A_1340 : vector<16xi1>, vector<16xf32>
        %mul3A_1356 = arith.constant 256 : i32
        %mul3A_1357 = arith.muli %scan3A_1144, %mul3A_1356 : i32
        %add3A_1358 = arith.constant 224 : i32
        %add3A_1359 = arith.addi %mul3A_1357, %add3A_1358 : i32
        %eq3A_1360 = arith.constant 14 : i32
        %eq3A_1361 = vector.broadcast %eq3A_1360 : i32 to vector<16xi32>
        %eq3A_1362 = arith.cmpi eq, %iota3A, %eq3A_1361 : vector<16xi32>
        %get3A_1363 = arith.index_cast %add3A_1359 : i32 to index
        %get3A_1364 = tpu.vector_load %arg8[%get3A_1363] {strides = array<i32>} : memref<20224xf32, #tpu.memory_space<vmem>>, vector<16xf32>,
        %reduce_max3A_1365 = arith.constant true
        %reduce_max3A_1366 = vector.broadcast %reduce_max3A_1365 : i1 to vector<16xi1>
        %reduce_max3A_1367 = tpu.scan <max>, %get3A_1364 masked %reduce_max3A_1366 : vector<16xf32>, vector<16xi1> -> vector<16xf32>
        %reduce_max3A_1368 = vector.extract %reduce_max3A_1367[15] : f32 from vector<16xf32>
        %broadcast_in_dim3A_1369 = vector.broadcast %reduce_max3A_1368 : f32 to vector<16xf32>
        %select_n3A_1370 = arith.select %eq3A_1362, %broadcast_in_dim3A_1369, %select_n3A_1355 : vector<16xi1>, vector<16xf32>
        %mul3A_1371 = arith.constant 256 : i32
        %mul3A_1372 = arith.muli %scan3A_1144, %mul3A_1371 : i32
        %add3A_1373 = arith.constant 240 : i32
        %add3A_1374 = arith.addi %mul3A_1372, %add3A_1373 : i32
        %eq3A_1375 = arith.constant 15 : i32
        %eq3A_1376 = vector.broadcast %eq3A_1375 : i32 to vector<16xi32>
        %eq3A_1377 = arith.cmpi eq, %iota3A, %eq3A_1376 : vector<16xi32>
        %get3A_1378 = arith.index_cast %add3A_1374 : i32 to index
        %get3A_1379 = tpu.vector_load %arg8[%get3A_1378] {strides = array<i32>} : memref<20224xf32, #tpu.memory_space<vmem>>, vector<16xf32>,
        %reduce_max3A_1380 = arith.constant true
        %reduce_max3A_1381 = vector.broadcast %reduce_max3A_1380 : i1 to vector<16xi1>
        %reduce_max3A_1382 = tpu.scan <max>, %get3A_1379 masked %reduce_max3A_1381 : vector<16xf32>, vector<16xi1> -> vector<16xf32>
        %reduce_max3A_1383 = vector.extract %reduce_max3A_1382[15] : f32 from vector<16xf32>
        %broadcast_in_dim3A_1384 = vector.broadcast %reduce_max3A_1383 : f32 to vector<16xf32>
        %select_n3A_1385 = arith.select %eq3A_1377, %broadcast_in_dim3A_1384, %select_n3A_1370 : vector<16xi1>, vector<16xf32>
        %mul3A_1386 = arith.constant 16 : i32
        %mul3A_1387 = arith.muli %scan3A_1144, %mul3A_1386 : i32
        %swap3A_1388 = arith.index_cast %mul3A_1387 : i32 to index
        %swap3A_1389 = tpu.vector_load %arg14[%swap3A_1388] {strides = array<i32>} : memref<1264xf32, #tpu.memory_space<vmem>>, vector<16xf32>,
        tpu.vector_store %arg14[%swap3A_1388], %select_n3A_1385 {strides = array<i32>} : memref<1264xf32, #tpu.memory_space<vmem>>, vector<16xf32>,
        %scan3A_1390 = arith.constant 0 : i32
        scf.yield %scan3A_1390 : i32
      }
      %scan3A_91 = arith.constant 79 : i32
      %eq3A = arith.constant 0 : i32
      %eq3A_92 = vector.broadcast %eq3A : i32 to vector<16xi32>
      %eq3A_93 = arith.cmpi eq, %iota3A, %eq3A_92 : vector<16xi32>
      %get3A = arith.constant 0 : index
      %get3A_94 = tpu.vector_load %arg14[%get3A] {strides = array<i32>} : memref<1264xf32, #tpu.memory_space<vmem>>, vector<16xf32>,
      %reduce_max3A = arith.constant true
      %reduce_max3A_95 = vector.broadcast %reduce_max3A : i1 to vector<16xi1>
      %reduce_max3A_96 = tpu.scan <max>, %get3A_94 masked %reduce_max3A_95 : vector<16xf32>, vector<16xi1> -> vector<16xf32>
      %reduce_max3A_97 = vector.extract %reduce_max3A_96[15] : f32 from vector<16xf32>
      %broadcast_in_dim3A_98 = vector.broadcast %reduce_max3A_97 : f32 to vector<16xf32>
      %select_n3A = arith.select %eq3A_93, %broadcast_in_dim3A_98, %broadcast_in_dim3A_31 : vector<16xi1>, vector<16xf32>
      %eq3A_99 = arith.constant 1 : i32
      %eq3A_100 = vector.broadcast %eq3A_99 : i32 to vector<16xi32>
      %eq3A_101 = arith.cmpi eq, %iota3A, %eq3A_100 : vector<16xi32>
      %get3A_102 = arith.constant 16 : index
      %get3A_103 = tpu.vector_load %arg14[%get3A_102] {strides = array<i32>} : memref<1264xf32, #tpu.memory_space<vmem>>, vector<16xf32>,
      %reduce_max3A_104 = arith.constant true
      %reduce_max3A_105 = vector.broadcast %reduce_max3A_104 : i1 to vector<16xi1>
      %reduce_max3A_106 = tpu.scan <max>, %get3A_103 masked %reduce_max3A_105 : vector<16xf32>, vector<16xi1> -> vector<16xf32>
      %reduce_max3A_107 = vector.extract %reduce_max3A_106[15] : f32 from vector<16xf32>
      %broadcast_in_dim3A_108 = vector.broadcast %reduce_max3A_107 : f32 to vector<16xf32>
      %select_n3A_109 = arith.select %eq3A_101, %broadcast_in_dim3A_108, %select_n3A : vector<16xi1>, vector<16xf32>
      %eq3A_110 = arith.constant 2 : i32
      %eq3A_111 = vector.broadcast %eq3A_110 : i32 to vector<16xi32>
      %eq3A_112 = arith.cmpi eq, %iota3A, %eq3A_111 : vector<16xi32>
      %get3A_113 = arith.constant 32 : index
      %get3A_114 = tpu.vector_load %arg14[%get3A_113] {strides = array<i32>} : memref<1264xf32, #tpu.memory_space<vmem>>, vector<16xf32>,
      %reduce_max3A_115 = arith.constant true
      %reduce_max3A_116 = vector.broadcast %reduce_max3A_115 : i1 to vector<16xi1>
      %reduce_max3A_117 = tpu.scan <max>, %get3A_114 masked %reduce_max3A_116 : vector<16xf32>, vector<16xi1> -> vector<16xf32>
      %reduce_max3A_118 = vector.extract %reduce_max3A_117[15] : f32 from vector<16xf32>
      %broadcast_in_dim3A_119 = vector.broadcast %reduce_max3A_118 : f32 to vector<16xf32>
      %select_n3A_120 = arith.select %eq3A_112, %broadcast_in_dim3A_119, %select_n3A_109 : vector<16xi1>, vector<16xf32>
      %eq3A_121 = arith.constant 3 : i32
      %eq3A_122 = vector.broadcast %eq3A_121 : i32 to vector<16xi32>
      %eq3A_123 = arith.cmpi eq, %iota3A, %eq3A_122 : vector<16xi32>
      %get3A_124 = arith.constant 48 : index
      %get3A_125 = tpu.vector_load %arg14[%get3A_124] {strides = array<i32>} : memref<1264xf32, #tpu.memory_space<vmem>>, vector<16xf32>,
      %reduce_max3A_126 = arith.constant true
      %reduce_max3A_127 = vector.broadcast %reduce_max3A_126 : i1 to vector<16xi1>
      %reduce_max3A_128 = tpu.scan <max>, %get3A_125 masked %reduce_max3A_127 : vector<16xf32>, vector<16xi1> -> vector<16xf32>
      %reduce_max3A_129 = vector.extract %reduce_max3A_128[15] : f32 from vector<16xf32>
      %broadcast_in_dim3A_130 = vector.broadcast %reduce_max3A_129 : f32 to vector<16xf32>
      %select_n3A_131 = arith.select %eq3A_123, %broadcast_in_dim3A_130, %select_n3A_120 : vector<16xi1>, vector<16xf32>
      %eq3A_132 = arith.constant 4 : i32
      %eq3A_133 = vector.broadcast %eq3A_132 : i32 to vector<16xi32>
      %eq3A_134 = arith.cmpi eq, %iota3A, %eq3A_133 : vector<16xi32>
      %get3A_135 = arith.constant 64 : index
      %get3A_136 = tpu.vector_load %arg14[%get3A_135] {strides = array<i32>} : memref<1264xf32, #tpu.memory_space<vmem>>, vector<16xf32>,
      %reduce_max3A_137 = arith.constant true
      %reduce_max3A_138 = vector.broadcast %reduce_max3A_137 : i1 to vector<16xi1>
      %reduce_max3A_139 = tpu.scan <max>, %get3A_136 masked %reduce_max3A_138 : vector<16xf32>, vector<16xi1> -> vector<16xf32>
      %reduce_max3A_140 = vector.extract %reduce_max3A_139[15] : f32 from vector<16xf32>
      %broadcast_in_dim3A_141 = vector.broadcast %reduce_max3A_140 : f32 to vector<16xf32>
      %select_n3A_142 = arith.select %eq3A_134, %broadcast_in_dim3A_141, %select_n3A_131 : vector<16xi1>, vector<16xf32>
      %eq3A_143 = arith.constant 5 : i32
      %eq3A_144 = vector.broadcast %eq3A_143 : i32 to vector<16xi32>
      %eq3A_145 = arith.cmpi eq, %iota3A, %eq3A_144 : vector<16xi32>
      %get3A_146 = arith.constant 80 : index
      %get3A_147 = tpu.vector_load %arg14[%get3A_146] {strides = array<i32>} : memref<1264xf32, #tpu.memory_space<vmem>>, vector<16xf32>,
      %reduce_max3A_148 = arith.constant true
      %reduce_max3A_149 = vector.broadcast %reduce_max3A_148 : i1 to vector<16xi1>
      %reduce_max3A_150 = tpu.scan <max>, %get3A_147 masked %reduce_max3A_149 : vector<16xf32>, vector<16xi1> -> vector<16xf32>
      %reduce_max3A_151 = vector.extract %reduce_max3A_150[15] : f32 from vector<16xf32>
      %broadcast_in_dim3A_152 = vector.broadcast %reduce_max3A_151 : f32 to vector<16xf32>
      %select_n3A_153 = arith.select %eq3A_145, %broadcast_in_dim3A_152, %select_n3A_142 : vector<16xi1>, vector<16xf32>
      %eq3A_154 = arith.constant 6 : i32
      %eq3A_155 = vector.broadcast %eq3A_154 : i32 to vector<16xi32>
      %eq3A_156 = arith.cmpi eq, %iota3A, %eq3A_155 : vector<16xi32>
      %get3A_157 = arith.constant 96 : index
      %get3A_158 = tpu.vector_load %arg14[%get3A_157] {strides = array<i32>} : memref<1264xf32, #tpu.memory_space<vmem>>, vector<16xf32>,
      %reduce_max3A_159 = arith.constant true
      %reduce_max3A_160 = vector.broadcast %reduce_max3A_159 : i1 to vector<16xi1>
      %reduce_max3A_161 = tpu.scan <max>, %get3A_158 masked %reduce_max3A_160 : vector<16xf32>, vector<16xi1> -> vector<16xf32>
      %reduce_max3A_162 = vector.extract %reduce_max3A_161[15] : f32 from vector<16xf32>
      %broadcast_in_dim3A_163 = vector.broadcast %reduce_max3A_162 : f32 to vector<16xf32>
      %select_n3A_164 = arith.select %eq3A_156, %broadcast_in_dim3A_163, %select_n3A_153 : vector<16xi1>, vector<16xf32>
      %eq3A_165 = arith.constant 7 : i32
      %eq3A_166 = vector.broadcast %eq3A_165 : i32 to vector<16xi32>
      %eq3A_167 = arith.cmpi eq, %iota3A, %eq3A_166 : vector<16xi32>
      %get3A_168 = arith.constant 112 : index
      %get3A_169 = tpu.vector_load %arg14[%get3A_168] {strides = array<i32>} : memref<1264xf32, #tpu.memory_space<vmem>>, vector<16xf32>,
      %reduce_max3A_170 = arith.constant true
      %reduce_max3A_171 = vector.broadcast %reduce_max3A_170 : i1 to vector<16xi1>
      %reduce_max3A_172 = tpu.scan <max>, %get3A_169 masked %reduce_max3A_171 : vector<16xf32>, vector<16xi1> -> vector<16xf32>
      %reduce_max3A_173 = vector.extract %reduce_max3A_172[15] : f32 from vector<16xf32>
      %broadcast_in_dim3A_174 = vector.broadcast %reduce_max3A_173 : f32 to vector<16xf32>
      %select_n3A_175 = arith.select %eq3A_167, %broadcast_in_dim3A_174, %select_n3A_164 : vector<16xi1>, vector<16xf32>
      %eq3A_176 = arith.constant 8 : i32
      %eq3A_177 = vector.broadcast %eq3A_176 : i32 to vector<16xi32>
      %eq3A_178 = arith.cmpi eq, %iota3A, %eq3A_177 : vector<16xi32>
      %get3A_179 = arith.constant 128 : index
      %get3A_180 = tpu.vector_load %arg14[%get3A_179] {strides = array<i32>} : memref<1264xf32, #tpu.memory_space<vmem>>, vector<16xf32>,
      %reduce_max3A_181 = arith.constant true
      %reduce_max3A_182 = vector.broadcast %reduce_max3A_181 : i1 to vector<16xi1>
      %reduce_max3A_183 = tpu.scan <max>, %get3A_180 masked %reduce_max3A_182 : vector<16xf32>, vector<16xi1> -> vector<16xf32>
      %reduce_max3A_184 = vector.extract %reduce_max3A_183[15] : f32 from vector<16xf32>
      %broadcast_in_dim3A_185 = vector.broadcast %reduce_max3A_184 : f32 to vector<16xf32>
      %select_n3A_186 = arith.select %eq3A_178, %broadcast_in_dim3A_185, %select_n3A_175 : vector<16xi1>, vector<16xf32>
      %eq3A_187 = arith.constant 9 : i32
      %eq3A_188 = vector.broadcast %eq3A_187 : i32 to vector<16xi32>
      %eq3A_189 = arith.cmpi eq, %iota3A, %eq3A_188 : vector<16xi32>
      %get3A_190 = arith.constant 144 : index
      %get3A_191 = tpu.vector_load %arg14[%get3A_190] {strides = array<i32>} : memref<1264xf32, #tpu.memory_space<vmem>>, vector<16xf32>,
      %reduce_max3A_192 = arith.constant true
      %reduce_max3A_193 = vector.broadcast %reduce_max3A_192 : i1 to vector<16xi1>
      %reduce_max3A_194 = tpu.scan <max>, %get3A_191 masked %reduce_max3A_193 : vector<16xf32>, vector<16xi1> -> vector<16xf32>
      %reduce_max3A_195 = vector.extract %reduce_max3A_194[15] : f32 from vector<16xf32>
      %broadcast_in_dim3A_196 = vector.broadcast %reduce_max3A_195 : f32 to vector<16xf32>
      %select_n3A_197 = arith.select %eq3A_189, %broadcast_in_dim3A_196, %select_n3A_186 : vector<16xi1>, vector<16xf32>
      %eq3A_198 = arith.constant 10 : i32
      %eq3A_199 = vector.broadcast %eq3A_198 : i32 to vector<16xi32>
      %eq3A_200 = arith.cmpi eq, %iota3A, %eq3A_199 : vector<16xi32>
      %get3A_201 = arith.constant 160 : index
      %get3A_202 = tpu.vector_load %arg14[%get3A_201] {strides = array<i32>} : memref<1264xf32, #tpu.memory_space<vmem>>, vector<16xf32>,
      %reduce_max3A_203 = arith.constant true
      %reduce_max3A_204 = vector.broadcast %reduce_max3A_203 : i1 to vector<16xi1>
      %reduce_max3A_205 = tpu.scan <max>, %get3A_202 masked %reduce_max3A_204 : vector<16xf32>, vector<16xi1> -> vector<16xf32>
      %reduce_max3A_206 = vector.extract %reduce_max3A_205[15] : f32 from vector<16xf32>
      %broadcast_in_dim3A_207 = vector.broadcast %reduce_max3A_206 : f32 to vector<16xf32>
      %select_n3A_208 = arith.select %eq3A_200, %broadcast_in_dim3A_207, %select_n3A_197 : vector<16xi1>, vector<16xf32>
      %eq3A_209 = arith.constant 11 : i32
      %eq3A_210 = vector.broadcast %eq3A_209 : i32 to vector<16xi32>
      %eq3A_211 = arith.cmpi eq, %iota3A, %eq3A_210 : vector<16xi32>
      %get3A_212 = arith.constant 176 : index
      %get3A_213 = tpu.vector_load %arg14[%get3A_212] {strides = array<i32>} : memref<1264xf32, #tpu.memory_space<vmem>>, vector<16xf32>,
      %reduce_max3A_214 = arith.constant true
      %reduce_max3A_215 = vector.broadcast %reduce_max3A_214 : i1 to vector<16xi1>
      %reduce_max3A_216 = tpu.scan <max>, %get3A_213 masked %reduce_max3A_215 : vector<16xf32>, vector<16xi1> -> vector<16xf32>
      %reduce_max3A_217 = vector.extract %reduce_max3A_216[15] : f32 from vector<16xf32>
      %broadcast_in_dim3A_218 = vector.broadcast %reduce_max3A_217 : f32 to vector<16xf32>
      %select_n3A_219 = arith.select %eq3A_211, %broadcast_in_dim3A_218, %select_n3A_208 : vector<16xi1>, vector<16xf32>
      %eq3A_220 = arith.constant 12 : i32
      %eq3A_221 = vector.broadcast %eq3A_220 : i32 to vector<16xi32>
      %eq3A_222 = arith.cmpi eq, %iota3A, %eq3A_221 : vector<16xi32>
      %get3A_223 = arith.constant 192 : index
      %get3A_224 = tpu.vector_load %arg14[%get3A_223] {strides = array<i32>} : memref<1264xf32, #tpu.memory_space<vmem>>, vector<16xf32>,
      %reduce_max3A_225 = arith.constant true
      %reduce_max3A_226 = vector.broadcast %reduce_max3A_225 : i1 to vector<16xi1>
      %reduce_max3A_227 = tpu.scan <max>, %get3A_224 masked %reduce_max3A_226 : vector<16xf32>, vector<16xi1> -> vector<16xf32>
      %reduce_max3A_228 = vector.extract %reduce_max3A_227[15] : f32 from vector<16xf32>
      %broadcast_in_dim3A_229 = vector.broadcast %reduce_max3A_228 : f32 to vector<16xf32>
      %select_n3A_230 = arith.select %eq3A_222, %broadcast_in_dim3A_229, %select_n3A_219 : vector<16xi1>, vector<16xf32>
      %eq3A_231 = arith.constant 13 : i32
      %eq3A_232 = vector.broadcast %eq3A_231 : i32 to vector<16xi32>
      %eq3A_233 = arith.cmpi eq, %iota3A, %eq3A_232 : vector<16xi32>
      %get3A_234 = arith.constant 208 : index
      %get3A_235 = tpu.vector_load %arg14[%get3A_234] {strides = array<i32>} : memref<1264xf32, #tpu.memory_space<vmem>>, vector<16xf32>,
      %reduce_max3A_236 = arith.constant true
      %reduce_max3A_237 = vector.broadcast %reduce_max3A_236 : i1 to vector<16xi1>
      %reduce_max3A_238 = tpu.scan <max>, %get3A_235 masked %reduce_max3A_237 : vector<16xf32>, vector<16xi1> -> vector<16xf32>
      %reduce_max3A_239 = vector.extract %reduce_max3A_238[15] : f32 from vector<16xf32>
      %broadcast_in_dim3A_240 = vector.broadcast %reduce_max3A_239 : f32 to vector<16xf32>
      %select_n3A_241 = arith.select %eq3A_233, %broadcast_in_dim3A_240, %select_n3A_230 : vector<16xi1>, vector<16xf32>
      %eq3A_242 = arith.constant 14 : i32
      %eq3A_243 = vector.broadcast %eq3A_242 : i32 to vector<16xi32>
      %eq3A_244 = arith.cmpi eq, %iota3A, %eq3A_243 : vector<16xi32>
      %get3A_245 = arith.constant 224 : index
      %get3A_246 = tpu.vector_load %arg14[%get3A_245] {strides = array<i32>} : memref<1264xf32, #tpu.memory_space<vmem>>, vector<16xf32>,
      %reduce_max3A_247 = arith.constant true
      %reduce_max3A_248 = vector.broadcast %reduce_max3A_247 : i1 to vector<16xi1>
      %reduce_max3A_249 = tpu.scan <max>, %get3A_246 masked %reduce_max3A_248 : vector<16xf32>, vector<16xi1> -> vector<16xf32>
      %reduce_max3A_250 = vector.extract %reduce_max3A_249[15] : f32 from vector<16xf32>
      %broadcast_in_dim3A_251 = vector.broadcast %reduce_max3A_250 : f32 to vector<16xf32>
      %select_n3A_252 = arith.select %eq3A_244, %broadcast_in_dim3A_251, %select_n3A_241 : vector<16xi1>, vector<16xf32>
      %eq3A_253 = arith.constant 15 : i32
      %eq3A_254 = vector.broadcast %eq3A_253 : i32 to vector<16xi32>
      %eq3A_255 = arith.cmpi eq, %iota3A, %eq3A_254 : vector<16xi32>
      %get3A_256 = arith.constant 240 : index
      %get3A_257 = tpu.vector_load %arg14[%get3A_256] {strides = array<i32>} : memref<1264xf32, #tpu.memory_space<vmem>>, vector<16xf32>,
      %reduce_max3A_258 = arith.constant true
      %reduce_max3A_259 = vector.broadcast %reduce_max3A_258 : i1 to vector<16xi1>
      %reduce_max3A_260 = tpu.scan <max>, %get3A_257 masked %reduce_max3A_259 : vector<16xf32>, vector<16xi1> -> vector<16xf32>
      %reduce_max3A_261 = vector.extract %reduce_max3A_260[15] : f32 from vector<16xf32>
      %broadcast_in_dim3A_262 = vector.broadcast %reduce_max3A_261 : f32 to vector<16xf32>
      %select_n3A_263 = arith.select %eq3A_255, %broadcast_in_dim3A_262, %select_n3A_252 : vector<16xi1>, vector<16xf32>
      %swap3A_264 = arith.constant 0 : index
      %swap3A_265 = tpu.vector_load %arg15[%swap3A_264] {strides = array<i32>} : memref<80xf32, #tpu.memory_space<vmem>>, vector<16xf32>,
      tpu.vector_store %arg15[%swap3A_264], %select_n3A_263 {strides = array<i32>} : memref<80xf32, #tpu.memory_space<vmem>>, vector<16xf32>,
      %eq3A_266 = arith.constant 0 : i32
      %eq3A_267 = vector.broadcast %eq3A_266 : i32 to vector<16xi32>
      %eq3A_268 = arith.cmpi eq, %iota3A, %eq3A_267 : vector<16xi32>
      %get3A_269 = arith.constant 256 : index
      %get3A_270 = tpu.vector_load %arg14[%get3A_269] {strides = array<i32>} : memref<1264xf32, #tpu.memory_space<vmem>>, vector<16xf32>,
      %reduce_max3A_271 = arith.constant true
      %reduce_max3A_272 = vector.broadcast %reduce_max3A_271 : i1 to vector<16xi1>
      %reduce_max3A_273 = tpu.scan <max>, %get3A_270 masked %reduce_max3A_272 : vector<16xf32>, vector<16xi1> -> vector<16xf32>
      %reduce_max3A_274 = vector.extract %reduce_max3A_273[15] : f32 from vector<16xf32>
      %broadcast_in_dim3A_275 = vector.broadcast %reduce_max3A_274 : f32 to vector<16xf32>
      %select_n3A_276 = arith.select %eq3A_268, %broadcast_in_dim3A_275, %broadcast_in_dim3A_31 : vector<16xi1>, vector<16xf32>
      %eq3A_277 = arith.constant 1 : i32
      %eq3A_278 = vector.broadcast %eq3A_277 : i32 to vector<16xi32>
      %eq3A_279 = arith.cmpi eq, %iota3A, %eq3A_278 : vector<16xi32>
      %get3A_280 = arith.constant 272 : index
      %get3A_281 = tpu.vector_load %arg14[%get3A_280] {strides = array<i32>} : memref<1264xf32, #tpu.memory_space<vmem>>, vector<16xf32>,
      %reduce_max3A_282 = arith.constant true
      %reduce_max3A_283 = vector.broadcast %reduce_max3A_282 : i1 to vector<16xi1>
      %reduce_max3A_284 = tpu.scan <max>, %get3A_281 masked %reduce_max3A_283 : vector<16xf32>, vector<16xi1> -> vector<16xf32>
      %reduce_max3A_285 = vector.extract %reduce_max3A_284[15] : f32 from vector<16xf32>
      %broadcast_in_dim3A_286 = vector.broadcast %reduce_max3A_285 : f32 to vector<16xf32>
      %select_n3A_287 = arith.select %eq3A_279, %broadcast_in_dim3A_286, %select_n3A_276 : vector<16xi1>, vector<16xf32>
      %eq3A_288 = arith.constant 2 : i32
      %eq3A_289 = vector.broadcast %eq3A_288 : i32 to vector<16xi32>
      %eq3A_290 = arith.cmpi eq, %iota3A, %eq3A_289 : vector<16xi32>
      %get3A_291 = arith.constant 288 : index
      %get3A_292 = tpu.vector_load %arg14[%get3A_291] {strides = array<i32>} : memref<1264xf32, #tpu.memory_space<vmem>>, vector<16xf32>,
      %reduce_max3A_293 = arith.constant true
      %reduce_max3A_294 = vector.broadcast %reduce_max3A_293 : i1 to vector<16xi1>
      %reduce_max3A_295 = tpu.scan <max>, %get3A_292 masked %reduce_max3A_294 : vector<16xf32>, vector<16xi1> -> vector<16xf32>
      %reduce_max3A_296 = vector.extract %reduce_max3A_295[15] : f32 from vector<16xf32>
      %broadcast_in_dim3A_297 = vector.broadcast %reduce_max3A_296 : f32 to vector<16xf32>
      %select_n3A_298 = arith.select %eq3A_290, %broadcast_in_dim3A_297, %select_n3A_287 : vector<16xi1>, vector<16xf32>
      %eq3A_299 = arith.constant 3 : i32
      %eq3A_300 = vector.broadcast %eq3A_299 : i32 to vector<16xi32>
      %eq3A_301 = arith.cmpi eq, %iota3A, %eq3A_300 : vector<16xi32>
      %get3A_302 = arith.constant 304 : index
      %get3A_303 = tpu.vector_load %arg14[%get3A_302] {strides = array<i32>} : memref<1264xf32, #tpu.memory_space<vmem>>, vector<16xf32>,
      %reduce_max3A_304 = arith.constant true
      %reduce_max3A_305 = vector.broadcast %reduce_max3A_304 : i1 to vector<16xi1>
      %reduce_max3A_306 = tpu.scan <max>, %get3A_303 masked %reduce_max3A_305 : vector<16xf32>, vector<16xi1> -> vector<16xf32>
      %reduce_max3A_307 = vector.extract %reduce_max3A_306[15] : f32 from vector<16xf32>
      %broadcast_in_dim3A_308 = vector.broadcast %reduce_max3A_307 : f32 to vector<16xf32>
      %select_n3A_309 = arith.select %eq3A_301, %broadcast_in_dim3A_308, %select_n3A_298 : vector<16xi1>, vector<16xf32>
      %eq3A_310 = arith.constant 4 : i32
      %eq3A_311 = vector.broadcast %eq3A_310 : i32 to vector<16xi32>
      %eq3A_312 = arith.cmpi eq, %iota3A, %eq3A_311 : vector<16xi32>
      %get3A_313 = arith.constant 320 : index
      %get3A_314 = tpu.vector_load %arg14[%get3A_313] {strides = array<i32>} : memref<1264xf32, #tpu.memory_space<vmem>>, vector<16xf32>,
      %reduce_max3A_315 = arith.constant true
      %reduce_max3A_316 = vector.broadcast %reduce_max3A_315 : i1 to vector<16xi1>
      %reduce_max3A_317 = tpu.scan <max>, %get3A_314 masked %reduce_max3A_316 : vector<16xf32>, vector<16xi1> -> vector<16xf32>
      %reduce_max3A_318 = vector.extract %reduce_max3A_317[15] : f32 from vector<16xf32>
      %broadcast_in_dim3A_319 = vector.broadcast %reduce_max3A_318 : f32 to vector<16xf32>
      %select_n3A_320 = arith.select %eq3A_312, %broadcast_in_dim3A_319, %select_n3A_309 : vector<16xi1>, vector<16xf32>
      %eq3A_321 = arith.constant 5 : i32
      %eq3A_322 = vector.broadcast %eq3A_321 : i32 to vector<16xi32>
      %eq3A_323 = arith.cmpi eq, %iota3A, %eq3A_322 : vector<16xi32>
      %get3A_324 = arith.constant 336 : index
      %get3A_325 = tpu.vector_load %arg14[%get3A_324] {strides = array<i32>} : memref<1264xf32, #tpu.memory_space<vmem>>, vector<16xf32>,
      %reduce_max3A_326 = arith.constant true
      %reduce_max3A_327 = vector.broadcast %reduce_max3A_326 : i1 to vector<16xi1>
      %reduce_max3A_328 = tpu.scan <max>, %get3A_325 masked %reduce_max3A_327 : vector<16xf32>, vector<16xi1> -> vector<16xf32>
      %reduce_max3A_329 = vector.extract %reduce_max3A_328[15] : f32 from vector<16xf32>
      %broadcast_in_dim3A_330 = vector.broadcast %reduce_max3A_329 : f32 to vector<16xf32>
      %select_n3A_331 = arith.select %eq3A_323, %broadcast_in_dim3A_330, %select_n3A_320 : vector<16xi1>, vector<16xf32>
      %eq3A_332 = arith.constant 6 : i32
      %eq3A_333 = vector.broadcast %eq3A_332 : i32 to vector<16xi32>
      %eq3A_334 = arith.cmpi eq, %iota3A, %eq3A_333 : vector<16xi32>
      %get3A_335 = arith.constant 352 : index
      %get3A_336 = tpu.vector_load %arg14[%get3A_335] {strides = array<i32>} : memref<1264xf32, #tpu.memory_space<vmem>>, vector<16xf32>,
      %reduce_max3A_337 = arith.constant true
      %reduce_max3A_338 = vector.broadcast %reduce_max3A_337 : i1 to vector<16xi1>
      %reduce_max3A_339 = tpu.scan <max>, %get3A_336 masked %reduce_max3A_338 : vector<16xf32>, vector<16xi1> -> vector<16xf32>
      %reduce_max3A_340 = vector.extract %reduce_max3A_339[15] : f32 from vector<16xf32>
      %broadcast_in_dim3A_341 = vector.broadcast %reduce_max3A_340 : f32 to vector<16xf32>
      %select_n3A_342 = arith.select %eq3A_334, %broadcast_in_dim3A_341, %select_n3A_331 : vector<16xi1>, vector<16xf32>
      %eq3A_343 = arith.constant 7 : i32
      %eq3A_344 = vector.broadcast %eq3A_343 : i32 to vector<16xi32>
      %eq3A_345 = arith.cmpi eq, %iota3A, %eq3A_344 : vector<16xi32>
      %get3A_346 = arith.constant 368 : index
      %get3A_347 = tpu.vector_load %arg14[%get3A_346] {strides = array<i32>} : memref<1264xf32, #tpu.memory_space<vmem>>, vector<16xf32>,
      %reduce_max3A_348 = arith.constant true
      %reduce_max3A_349 = vector.broadcast %reduce_max3A_348 : i1 to vector<16xi1>
      %reduce_max3A_350 = tpu.scan <max>, %get3A_347 masked %reduce_max3A_349 : vector<16xf32>, vector<16xi1> -> vector<16xf32>
      %reduce_max3A_351 = vector.extract %reduce_max3A_350[15] : f32 from vector<16xf32>
      %broadcast_in_dim3A_352 = vector.broadcast %reduce_max3A_351 : f32 to vector<16xf32>
      %select_n3A_353 = arith.select %eq3A_345, %broadcast_in_dim3A_352, %select_n3A_342 : vector<16xi1>, vector<16xf32>
      %eq3A_354 = arith.constant 8 : i32
      %eq3A_355 = vector.broadcast %eq3A_354 : i32 to vector<16xi32>
      %eq3A_356 = arith.cmpi eq, %iota3A, %eq3A_355 : vector<16xi32>
      %get3A_357 = arith.constant 384 : index
      %get3A_358 = tpu.vector_load %arg14[%get3A_357] {strides = array<i32>} : memref<1264xf32, #tpu.memory_space<vmem>>, vector<16xf32>,
      %reduce_max3A_359 = arith.constant true
      %reduce_max3A_360 = vector.broadcast %reduce_max3A_359 : i1 to vector<16xi1>
      %reduce_max3A_361 = tpu.scan <max>, %get3A_358 masked %reduce_max3A_360 : vector<16xf32>, vector<16xi1> -> vector<16xf32>
      %reduce_max3A_362 = vector.extract %reduce_max3A_361[15] : f32 from vector<16xf32>
      %broadcast_in_dim3A_363 = vector.broadcast %reduce_max3A_362 : f32 to vector<16xf32>
      %select_n3A_364 = arith.select %eq3A_356, %broadcast_in_dim3A_363, %select_n3A_353 : vector<16xi1>, vector<16xf32>
      %eq3A_365 = arith.constant 9 : i32
      %eq3A_366 = vector.broadcast %eq3A_365 : i32 to vector<16xi32>
      %eq3A_367 = arith.cmpi eq, %iota3A, %eq3A_366 : vector<16xi32>
      %get3A_368 = arith.constant 400 : index
      %get3A_369 = tpu.vector_load %arg14[%get3A_368] {strides = array<i32>} : memref<1264xf32, #tpu.memory_space<vmem>>, vector<16xf32>,
      %reduce_max3A_370 = arith.constant true
      %reduce_max3A_371 = vector.broadcast %reduce_max3A_370 : i1 to vector<16xi1>
      %reduce_max3A_372 = tpu.scan <max>, %get3A_369 masked %reduce_max3A_371 : vector<16xf32>, vector<16xi1> -> vector<16xf32>
      %reduce_max3A_373 = vector.extract %reduce_max3A_372[15] : f32 from vector<16xf32>
      %broadcast_in_dim3A_374 = vector.broadcast %reduce_max3A_373 : f32 to vector<16xf32>
      %select_n3A_375 = arith.select %eq3A_367, %broadcast_in_dim3A_374, %select_n3A_364 : vector<16xi1>, vector<16xf32>
      %eq3A_376 = arith.constant 10 : i32
      %eq3A_377 = vector.broadcast %eq3A_376 : i32 to vector<16xi32>
      %eq3A_378 = arith.cmpi eq, %iota3A, %eq3A_377 : vector<16xi32>
      %get3A_379 = arith.constant 416 : index
      %get3A_380 = tpu.vector_load %arg14[%get3A_379] {strides = array<i32>} : memref<1264xf32, #tpu.memory_space<vmem>>, vector<16xf32>,
      %reduce_max3A_381 = arith.constant true
      %reduce_max3A_382 = vector.broadcast %reduce_max3A_381 : i1 to vector<16xi1>
      %reduce_max3A_383 = tpu.scan <max>, %get3A_380 masked %reduce_max3A_382 : vector<16xf32>, vector<16xi1> -> vector<16xf32>
      %reduce_max3A_384 = vector.extract %reduce_max3A_383[15] : f32 from vector<16xf32>
      %broadcast_in_dim3A_385 = vector.broadcast %reduce_max3A_384 : f32 to vector<16xf32>
      %select_n3A_386 = arith.select %eq3A_378, %broadcast_in_dim3A_385, %select_n3A_375 : vector<16xi1>, vector<16xf32>
      %eq3A_387 = arith.constant 11 : i32
      %eq3A_388 = vector.broadcast %eq3A_387 : i32 to vector<16xi32>
      %eq3A_389 = arith.cmpi eq, %iota3A, %eq3A_388 : vector<16xi32>
      %get3A_390 = arith.constant 432 : index
      %get3A_391 = tpu.vector_load %arg14[%get3A_390] {strides = array<i32>} : memref<1264xf32, #tpu.memory_space<vmem>>, vector<16xf32>,
      %reduce_max3A_392 = arith.constant true
      %reduce_max3A_393 = vector.broadcast %reduce_max3A_392 : i1 to vector<16xi1>
      %reduce_max3A_394 = tpu.scan <max>, %get3A_391 masked %reduce_max3A_393 : vector<16xf32>, vector<16xi1> -> vector<16xf32>
      %reduce_max3A_395 = vector.extract %reduce_max3A_394[15] : f32 from vector<16xf32>
      %broadcast_in_dim3A_396 = vector.broadcast %reduce_max3A_395 : f32 to vector<16xf32>
      %select_n3A_397 = arith.select %eq3A_389, %broadcast_in_dim3A_396, %select_n3A_386 : vector<16xi1>, vector<16xf32>
      %eq3A_398 = arith.constant 12 : i32
      %eq3A_399 = vector.broadcast %eq3A_398 : i32 to vector<16xi32>
      %eq3A_400 = arith.cmpi eq, %iota3A, %eq3A_399 : vector<16xi32>
      %get3A_401 = arith.constant 448 : index
      %get3A_402 = tpu.vector_load %arg14[%get3A_401] {strides = array<i32>} : memref<1264xf32, #tpu.memory_space<vmem>>, vector<16xf32>,
      %reduce_max3A_403 = arith.constant true
      %reduce_max3A_404 = vector.broadcast %reduce_max3A_403 : i1 to vector<16xi1>
      %reduce_max3A_405 = tpu.scan <max>, %get3A_402 masked %reduce_max3A_404 : vector<16xf32>, vector<16xi1> -> vector<16xf32>
      %reduce_max3A_406 = vector.extract %reduce_max3A_405[15] : f32 from vector<16xf32>
      %broadcast_in_dim3A_407 = vector.broadcast %reduce_max3A_406 : f32 to vector<16xf32>
      %select_n3A_408 = arith.select %eq3A_400, %broadcast_in_dim3A_407, %select_n3A_397 : vector<16xi1>, vector<16xf32>
      %eq3A_409 = arith.constant 13 : i32
      %eq3A_410 = vector.broadcast %eq3A_409 : i32 to vector<16xi32>
      %eq3A_411 = arith.cmpi eq, %iota3A, %eq3A_410 : vector<16xi32>
      %get3A_412 = arith.constant 464 : index
      %get3A_413 = tpu.vector_load %arg14[%get3A_412] {strides = array<i32>} : memref<1264xf32, #tpu.memory_space<vmem>>, vector<16xf32>,
      %reduce_max3A_414 = arith.constant true
      %reduce_max3A_415 = vector.broadcast %reduce_max3A_414 : i1 to vector<16xi1>
      %reduce_max3A_416 = tpu.scan <max>, %get3A_413 masked %reduce_max3A_415 : vector<16xf32>, vector<16xi1> -> vector<16xf32>
      %reduce_max3A_417 = vector.extract %reduce_max3A_416[15] : f32 from vector<16xf32>
      %broadcast_in_dim3A_418 = vector.broadcast %reduce_max3A_417 : f32 to vector<16xf32>
      %select_n3A_419 = arith.select %eq3A_411, %broadcast_in_dim3A_418, %select_n3A_408 : vector<16xi1>, vector<16xf32>
      %eq3A_420 = arith.constant 14 : i32
      %eq3A_421 = vector.broadcast %eq3A_420 : i32 to vector<16xi32>
      %eq3A_422 = arith.cmpi eq, %iota3A, %eq3A_421 : vector<16xi32>
      %get3A_423 = arith.constant 480 : index
      %get3A_424 = tpu.vector_load %arg14[%get3A_423] {strides = array<i32>} : memref<1264xf32, #tpu.memory_space<vmem>>, vector<16xf32>,
      %reduce_max3A_425 = arith.constant true
      %reduce_max3A_426 = vector.broadcast %reduce_max3A_425 : i1 to vector<16xi1>
      %reduce_max3A_427 = tpu.scan <max>, %get3A_424 masked %reduce_max3A_426 : vector<16xf32>, vector<16xi1> -> vector<16xf32>
      %reduce_max3A_428 = vector.extract %reduce_max3A_427[15] : f32 from vector<16xf32>
      %broadcast_in_dim3A_429 = vector.broadcast %reduce_max3A_428 : f32 to vector<16xf32>
      %select_n3A_430 = arith.select %eq3A_422, %broadcast_in_dim3A_429, %select_n3A_419 : vector<16xi1>, vector<16xf32>
      %eq3A_431 = arith.constant 15 : i32
      %eq3A_432 = vector.broadcast %eq3A_431 : i32 to vector<16xi32>
      %eq3A_433 = arith.cmpi eq, %iota3A, %eq3A_432 : vector<16xi32>
      %get3A_434 = arith.constant 496 : index
      %get3A_435 = tpu.vector_load %arg14[%get3A_434] {strides = array<i32>} : memref<1264xf32, #tpu.memory_space<vmem>>, vector<16xf32>,
      %reduce_max3A_436 = arith.constant true
      %reduce_max3A_437 = vector.broadcast %reduce_max3A_436 : i1 to vector<16xi1>
      %reduce_max3A_438 = tpu.scan <max>, %get3A_435 masked %reduce_max3A_437 : vector<16xf32>, vector<16xi1> -> vector<16xf32>
      %reduce_max3A_439 = vector.extract %reduce_max3A_438[15] : f32 from vector<16xf32>
      %broadcast_in_dim3A_440 = vector.broadcast %reduce_max3A_439 : f32 to vector<16xf32>
      %select_n3A_441 = arith.select %eq3A_433, %broadcast_in_dim3A_440, %select_n3A_430 : vector<16xi1>, vector<16xf32>
      %swap3A_442 = arith.constant 16 : index
      %swap3A_443 = tpu.vector_load %arg15[%swap3A_442] {strides = array<i32>} : memref<80xf32, #tpu.memory_space<vmem>>, vector<16xf32>,
      tpu.vector_store %arg15[%swap3A_442], %select_n3A_441 {strides = array<i32>} : memref<80xf32, #tpu.memory_space<vmem>>, vector<16xf32>,
      %eq3A_444 = arith.constant 0 : i32
      %eq3A_445 = vector.broadcast %eq3A_444 : i32 to vector<16xi32>
      %eq3A_446 = arith.cmpi eq, %iota3A, %eq3A_445 : vector<16xi32>
      %get3A_447 = arith.constant 512 : index
      %get3A_448 = tpu.vector_load %arg14[%get3A_447] {strides = array<i32>} : memref<1264xf32, #tpu.memory_space<vmem>>, vector<16xf32>,
      %reduce_max3A_449 = arith.constant true
      %reduce_max3A_450 = vector.broadcast %reduce_max3A_449 : i1 to vector<16xi1>
      %reduce_max3A_451 = tpu.scan <max>, %get3A_448 masked %reduce_max3A_450 : vector<16xf32>, vector<16xi1> -> vector<16xf32>
      %reduce_max3A_452 = vector.extract %reduce_max3A_451[15] : f32 from vector<16xf32>
      %broadcast_in_dim3A_453 = vector.broadcast %reduce_max3A_452 : f32 to vector<16xf32>
      %select_n3A_454 = arith.select %eq3A_446, %broadcast_in_dim3A_453, %broadcast_in_dim3A_31 : vector<16xi1>, vector<16xf32>
      %eq3A_455 = arith.constant 1 : i32
      %eq3A_456 = vector.broadcast %eq3A_455 : i32 to vector<16xi32>
      %eq3A_457 = arith.cmpi eq, %iota3A, %eq3A_456 : vector<16xi32>
      %get3A_458 = arith.constant 528 : index
      %get3A_459 = tpu.vector_load %arg14[%get3A_458] {strides = array<i32>} : memref<1264xf32, #tpu.memory_space<vmem>>, vector<16xf32>,
      %reduce_max3A_460 = arith.constant true
      %reduce_max3A_461 = vector.broadcast %reduce_max3A_460 : i1 to vector<16xi1>
      %reduce_max3A_462 = tpu.scan <max>, %get3A_459 masked %reduce_max3A_461 : vector<16xf32>, vector<16xi1> -> vector<16xf32>
      %reduce_max3A_463 = vector.extract %reduce_max3A_462[15] : f32 from vector<16xf32>
      %broadcast_in_dim3A_464 = vector.broadcast %reduce_max3A_463 : f32 to vector<16xf32>
      %select_n3A_465 = arith.select %eq3A_457, %broadcast_in_dim3A_464, %select_n3A_454 : vector<16xi1>, vector<16xf32>
      %eq3A_466 = arith.constant 2 : i32
      %eq3A_467 = vector.broadcast %eq3A_466 : i32 to vector<16xi32>
      %eq3A_468 = arith.cmpi eq, %iota3A, %eq3A_467 : vector<16xi32>
      %get3A_469 = arith.constant 544 : index
      %get3A_470 = tpu.vector_load %arg14[%get3A_469] {strides = array<i32>} : memref<1264xf32, #tpu.memory_space<vmem>>, vector<16xf32>,
      %reduce_max3A_471 = arith.constant true
      %reduce_max3A_472 = vector.broadcast %reduce_max3A_471 : i1 to vector<16xi1>
      %reduce_max3A_473 = tpu.scan <max>, %get3A_470 masked %reduce_max3A_472 : vector<16xf32>, vector<16xi1> -> vector<16xf32>
      %reduce_max3A_474 = vector.extract %reduce_max3A_473[15] : f32 from vector<16xf32>
      %broadcast_in_dim3A_475 = vector.broadcast %reduce_max3A_474 : f32 to vector<16xf32>
      %select_n3A_476 = arith.select %eq3A_468, %broadcast_in_dim3A_475, %select_n3A_465 : vector<16xi1>, vector<16xf32>
      %eq3A_477 = arith.constant 3 : i32
      %eq3A_478 = vector.broadcast %eq3A_477 : i32 to vector<16xi32>
      %eq3A_479 = arith.cmpi eq, %iota3A, %eq3A_478 : vector<16xi32>
      %get3A_480 = arith.constant 560 : index
      %get3A_481 = tpu.vector_load %arg14[%get3A_480] {strides = array<i32>} : memref<1264xf32, #tpu.memory_space<vmem>>, vector<16xf32>,
      %reduce_max3A_482 = arith.constant true
      %reduce_max3A_483 = vector.broadcast %reduce_max3A_482 : i1 to vector<16xi1>
      %reduce_max3A_484 = tpu.scan <max>, %get3A_481 masked %reduce_max3A_483 : vector<16xf32>, vector<16xi1> -> vector<16xf32>
      %reduce_max3A_485 = vector.extract %reduce_max3A_484[15] : f32 from vector<16xf32>
      %broadcast_in_dim3A_486 = vector.broadcast %reduce_max3A_485 : f32 to vector<16xf32>
      %select_n3A_487 = arith.select %eq3A_479, %broadcast_in_dim3A_486, %select_n3A_476 : vector<16xi1>, vector<16xf32>
      %eq3A_488 = arith.constant 4 : i32
      %eq3A_489 = vector.broadcast %eq3A_488 : i32 to vector<16xi32>
      %eq3A_490 = arith.cmpi eq, %iota3A, %eq3A_489 : vector<16xi32>
      %get3A_491 = arith.constant 576 : index
      %get3A_492 = tpu.vector_load %arg14[%get3A_491] {strides = array<i32>} : memref<1264xf32, #tpu.memory_space<vmem>>, vector<16xf32>,
      %reduce_max3A_493 = arith.constant true
      %reduce_max3A_494 = vector.broadcast %reduce_max3A_493 : i1 to vector<16xi1>
      %reduce_max3A_495 = tpu.scan <max>, %get3A_492 masked %reduce_max3A_494 : vector<16xf32>, vector<16xi1> -> vector<16xf32>
      %reduce_max3A_496 = vector.extract %reduce_max3A_495[15] : f32 from vector<16xf32>
      %broadcast_in_dim3A_497 = vector.broadcast %reduce_max3A_496 : f32 to vector<16xf32>
      %select_n3A_498 = arith.select %eq3A_490, %broadcast_in_dim3A_497, %select_n3A_487 : vector<16xi1>, vector<16xf32>
      %eq3A_499 = arith.constant 5 : i32
      %eq3A_500 = vector.broadcast %eq3A_499 : i32 to vector<16xi32>
      %eq3A_501 = arith.cmpi eq, %iota3A, %eq3A_500 : vector<16xi32>
      %get3A_502 = arith.constant 592 : index
      %get3A_503 = tpu.vector_load %arg14[%get3A_502] {strides = array<i32>} : memref<1264xf32, #tpu.memory_space<vmem>>, vector<16xf32>,
      %reduce_max3A_504 = arith.constant true
      %reduce_max3A_505 = vector.broadcast %reduce_max3A_504 : i1 to vector<16xi1>
      %reduce_max3A_506 = tpu.scan <max>, %get3A_503 masked %reduce_max3A_505 : vector<16xf32>, vector<16xi1> -> vector<16xf32>
      %reduce_max3A_507 = vector.extract %reduce_max3A_506[15] : f32 from vector<16xf32>
      %broadcast_in_dim3A_508 = vector.broadcast %reduce_max3A_507 : f32 to vector<16xf32>
      %select_n3A_509 = arith.select %eq3A_501, %broadcast_in_dim3A_508, %select_n3A_498 : vector<16xi1>, vector<16xf32>
      %eq3A_510 = arith.constant 6 : i32
      %eq3A_511 = vector.broadcast %eq3A_510 : i32 to vector<16xi32>
      %eq3A_512 = arith.cmpi eq, %iota3A, %eq3A_511 : vector<16xi32>
      %get3A_513 = arith.constant 608 : index
      %get3A_514 = tpu.vector_load %arg14[%get3A_513] {strides = array<i32>} : memref<1264xf32, #tpu.memory_space<vmem>>, vector<16xf32>,
      %reduce_max3A_515 = arith.constant true
      %reduce_max3A_516 = vector.broadcast %reduce_max3A_515 : i1 to vector<16xi1>
      %reduce_max3A_517 = tpu.scan <max>, %get3A_514 masked %reduce_max3A_516 : vector<16xf32>, vector<16xi1> -> vector<16xf32>
      %reduce_max3A_518 = vector.extract %reduce_max3A_517[15] : f32 from vector<16xf32>
      %broadcast_in_dim3A_519 = vector.broadcast %reduce_max3A_518 : f32 to vector<16xf32>
      %select_n3A_520 = arith.select %eq3A_512, %broadcast_in_dim3A_519, %select_n3A_509 : vector<16xi1>, vector<16xf32>
      %eq3A_521 = arith.constant 7 : i32
      %eq3A_522 = vector.broadcast %eq3A_521 : i32 to vector<16xi32>
      %eq3A_523 = arith.cmpi eq, %iota3A, %eq3A_522 : vector<16xi32>
      %get3A_524 = arith.constant 624 : index
      %get3A_525 = tpu.vector_load %arg14[%get3A_524] {strides = array<i32>} : memref<1264xf32, #tpu.memory_space<vmem>>, vector<16xf32>,
      %reduce_max3A_526 = arith.constant true
      %reduce_max3A_527 = vector.broadcast %reduce_max3A_526 : i1 to vector<16xi1>
      %reduce_max3A_528 = tpu.scan <max>, %get3A_525 masked %reduce_max3A_527 : vector<16xf32>, vector<16xi1> -> vector<16xf32>
      %reduce_max3A_529 = vector.extract %reduce_max3A_528[15] : f32 from vector<16xf32>
      %broadcast_in_dim3A_530 = vector.broadcast %reduce_max3A_529 : f32 to vector<16xf32>
      %select_n3A_531 = arith.select %eq3A_523, %broadcast_in_dim3A_530, %select_n3A_520 : vector<16xi1>, vector<16xf32>
      %eq3A_532 = arith.constant 8 : i32
      %eq3A_533 = vector.broadcast %eq3A_532 : i32 to vector<16xi32>
      %eq3A_534 = arith.cmpi eq, %iota3A, %eq3A_533 : vector<16xi32>
      %get3A_535 = arith.constant 640 : index
      %get3A_536 = tpu.vector_load %arg14[%get3A_535] {strides = array<i32>} : memref<1264xf32, #tpu.memory_space<vmem>>, vector<16xf32>,
      %reduce_max3A_537 = arith.constant true
      %reduce_max3A_538 = vector.broadcast %reduce_max3A_537 : i1 to vector<16xi1>
      %reduce_max3A_539 = tpu.scan <max>, %get3A_536 masked %reduce_max3A_538 : vector<16xf32>, vector<16xi1> -> vector<16xf32>
      %reduce_max3A_540 = vector.extract %reduce_max3A_539[15] : f32 from vector<16xf32>
      %broadcast_in_dim3A_541 = vector.broadcast %reduce_max3A_540 : f32 to vector<16xf32>
      %select_n3A_542 = arith.select %eq3A_534, %broadcast_in_dim3A_541, %select_n3A_531 : vector<16xi1>, vector<16xf32>
      %eq3A_543 = arith.constant 9 : i32
      %eq3A_544 = vector.broadcast %eq3A_543 : i32 to vector<16xi32>
      %eq3A_545 = arith.cmpi eq, %iota3A, %eq3A_544 : vector<16xi32>
      %get3A_546 = arith.constant 656 : index
      %get3A_547 = tpu.vector_load %arg14[%get3A_546] {strides = array<i32>} : memref<1264xf32, #tpu.memory_space<vmem>>, vector<16xf32>,
      %reduce_max3A_548 = arith.constant true
      %reduce_max3A_549 = vector.broadcast %reduce_max3A_548 : i1 to vector<16xi1>
      %reduce_max3A_550 = tpu.scan <max>, %get3A_547 masked %reduce_max3A_549 : vector<16xf32>, vector<16xi1> -> vector<16xf32>
      %reduce_max3A_551 = vector.extract %reduce_max3A_550[15] : f32 from vector<16xf32>
      %broadcast_in_dim3A_552 = vector.broadcast %reduce_max3A_551 : f32 to vector<16xf32>
      %select_n3A_553 = arith.select %eq3A_545, %broadcast_in_dim3A_552, %select_n3A_542 : vector<16xi1>, vector<16xf32>
      %eq3A_554 = arith.constant 10 : i32
      %eq3A_555 = vector.broadcast %eq3A_554 : i32 to vector<16xi32>
      %eq3A_556 = arith.cmpi eq, %iota3A, %eq3A_555 : vector<16xi32>
      %get3A_557 = arith.constant 672 : index
      %get3A_558 = tpu.vector_load %arg14[%get3A_557] {strides = array<i32>} : memref<1264xf32, #tpu.memory_space<vmem>>, vector<16xf32>,
      %reduce_max3A_559 = arith.constant true
      %reduce_max3A_560 = vector.broadcast %reduce_max3A_559 : i1 to vector<16xi1>
      %reduce_max3A_561 = tpu.scan <max>, %get3A_558 masked %reduce_max3A_560 : vector<16xf32>, vector<16xi1> -> vector<16xf32>
      %reduce_max3A_562 = vector.extract %reduce_max3A_561[15] : f32 from vector<16xf32>
      %broadcast_in_dim3A_563 = vector.broadcast %reduce_max3A_562 : f32 to vector<16xf32>
      %select_n3A_564 = arith.select %eq3A_556, %broadcast_in_dim3A_563, %select_n3A_553 : vector<16xi1>, vector<16xf32>
      %eq3A_565 = arith.constant 11 : i32
      %eq3A_566 = vector.broadcast %eq3A_565 : i32 to vector<16xi32>
      %eq3A_567 = arith.cmpi eq, %iota3A, %eq3A_566 : vector<16xi32>
      %get3A_568 = arith.constant 688 : index
      %get3A_569 = tpu.vector_load %arg14[%get3A_568] {strides = array<i32>} : memref<1264xf32, #tpu.memory_space<vmem>>, vector<16xf32>,
      %reduce_max3A_570 = arith.constant true
      %reduce_max3A_571 = vector.broadcast %reduce_max3A_570 : i1 to vector<16xi1>
      %reduce_max3A_572 = tpu.scan <max>, %get3A_569 masked %reduce_max3A_571 : vector<16xf32>, vector<16xi1> -> vector<16xf32>
      %reduce_max3A_573 = vector.extract %reduce_max3A_572[15] : f32 from vector<16xf32>
      %broadcast_in_dim3A_574 = vector.broadcast %reduce_max3A_573 : f32 to vector<16xf32>
      %select_n3A_575 = arith.select %eq3A_567, %broadcast_in_dim3A_574, %select_n3A_564 : vector<16xi1>, vector<16xf32>
      %eq3A_576 = arith.constant 12 : i32
      %eq3A_577 = vector.broadcast %eq3A_576 : i32 to vector<16xi32>
      %eq3A_578 = arith.cmpi eq, %iota3A, %eq3A_577 : vector<16xi32>
      %get3A_579 = arith.constant 704 : index
      %get3A_580 = tpu.vector_load %arg14[%get3A_579] {strides = array<i32>} : memref<1264xf32, #tpu.memory_space<vmem>>, vector<16xf32>,
      %reduce_max3A_581 = arith.constant true
      %reduce_max3A_582 = vector.broadcast %reduce_max3A_581 : i1 to vector<16xi1>
      %reduce_max3A_583 = tpu.scan <max>, %get3A_580 masked %reduce_max3A_582 : vector<16xf32>, vector<16xi1> -> vector<16xf32>
      %reduce_max3A_584 = vector.extract %reduce_max3A_583[15] : f32 from vector<16xf32>
      %broadcast_in_dim3A_585 = vector.broadcast %reduce_max3A_584 : f32 to vector<16xf32>
      %select_n3A_586 = arith.select %eq3A_578, %broadcast_in_dim3A_585, %select_n3A_575 : vector<16xi1>, vector<16xf32>
      %eq3A_587 = arith.constant 13 : i32
      %eq3A_588 = vector.broadcast %eq3A_587 : i32 to vector<16xi32>
      %eq3A_589 = arith.cmpi eq, %iota3A, %eq3A_588 : vector<16xi32>
      %get3A_590 = arith.constant 720 : index
      %get3A_591 = tpu.vector_load %arg14[%get3A_590] {strides = array<i32>} : memref<1264xf32, #tpu.memory_space<vmem>>, vector<16xf32>,
      %reduce_max3A_592 = arith.constant true
      %reduce_max3A_593 = vector.broadcast %reduce_max3A_592 : i1 to vector<16xi1>
      %reduce_max3A_594 = tpu.scan <max>, %get3A_591 masked %reduce_max3A_593 : vector<16xf32>, vector<16xi1> -> vector<16xf32>
      %reduce_max3A_595 = vector.extract %reduce_max3A_594[15] : f32 from vector<16xf32>
      %broadcast_in_dim3A_596 = vector.broadcast %reduce_max3A_595 : f32 to vector<16xf32>
      %select_n3A_597 = arith.select %eq3A_589, %broadcast_in_dim3A_596, %select_n3A_586 : vector<16xi1>, vector<16xf32>
      %eq3A_598 = arith.constant 14 : i32
      %eq3A_599 = vector.broadcast %eq3A_598 : i32 to vector<16xi32>
      %eq3A_600 = arith.cmpi eq, %iota3A, %eq3A_599 : vector<16xi32>
      %get3A_601 = arith.constant 736 : index
      %get3A_602 = tpu.vector_load %arg14[%get3A_601] {strides = array<i32>} : memref<1264xf32, #tpu.memory_space<vmem>>, vector<16xf32>,
      %reduce_max3A_603 = arith.constant true
      %reduce_max3A_604 = vector.broadcast %reduce_max3A_603 : i1 to vector<16xi1>
      %reduce_max3A_605 = tpu.scan <max>, %get3A_602 masked %reduce_max3A_604 : vector<16xf32>, vector<16xi1> -> vector<16xf32>
      %reduce_max3A_606 = vector.extract %reduce_max3A_605[15] : f32 from vector<16xf32>
      %broadcast_in_dim3A_607 = vector.broadcast %reduce_max3A_606 : f32 to vector<16xf32>
      %select_n3A_608 = arith.select %eq3A_600, %broadcast_in_dim3A_607, %select_n3A_597 : vector<16xi1>, vector<16xf32>
      %eq3A_609 = arith.constant 15 : i32
      %eq3A_610 = vector.broadcast %eq3A_609 : i32 to vector<16xi32>
      %eq3A_611 = arith.cmpi eq, %iota3A, %eq3A_610 : vector<16xi32>
      %get3A_612 = arith.constant 752 : index
      %get3A_613 = tpu.vector_load %arg14[%get3A_612] {strides = array<i32>} : memref<1264xf32, #tpu.memory_space<vmem>>, vector<16xf32>,
      %reduce_max3A_614 = arith.constant true
      %reduce_max3A_615 = vector.broadcast %reduce_max3A_614 : i1 to vector<16xi1>
      %reduce_max3A_616 = tpu.scan <max>, %get3A_613 masked %reduce_max3A_615 : vector<16xf32>, vector<16xi1> -> vector<16xf32>
      %reduce_max3A_617 = vector.extract %reduce_max3A_616[15] : f32 from vector<16xf32>
      %broadcast_in_dim3A_618 = vector.broadcast %reduce_max3A_617 : f32 to vector<16xf32>
      %select_n3A_619 = arith.select %eq3A_611, %broadcast_in_dim3A_618, %select_n3A_608 : vector<16xi1>, vector<16xf32>
      %swap3A_620 = arith.constant 32 : index
      %swap3A_621 = tpu.vector_load %arg15[%swap3A_620] {strides = array<i32>} : memref<80xf32, #tpu.memory_space<vmem>>, vector<16xf32>,
      tpu.vector_store %arg15[%swap3A_620], %select_n3A_619 {strides = array<i32>} : memref<80xf32, #tpu.memory_space<vmem>>, vector<16xf32>,
      %eq3A_622 = arith.constant 0 : i32
      %eq3A_623 = vector.broadcast %eq3A_622 : i32 to vector<16xi32>
      %eq3A_624 = arith.cmpi eq, %iota3A, %eq3A_623 : vector<16xi32>
      %get3A_625 = arith.constant 768 : index
      %get3A_626 = tpu.vector_load %arg14[%get3A_625] {strides = array<i32>} : memref<1264xf32, #tpu.memory_space<vmem>>, vector<16xf32>,
      %reduce_max3A_627 = arith.constant true
      %reduce_max3A_628 = vector.broadcast %reduce_max3A_627 : i1 to vector<16xi1>
      %reduce_max3A_629 = tpu.scan <max>, %get3A_626 masked %reduce_max3A_628 : vector<16xf32>, vector<16xi1> -> vector<16xf32>
      %reduce_max3A_630 = vector.extract %reduce_max3A_629[15] : f32 from vector<16xf32>
      %broadcast_in_dim3A_631 = vector.broadcast %reduce_max3A_630 : f32 to vector<16xf32>
      %select_n3A_632 = arith.select %eq3A_624, %broadcast_in_dim3A_631, %broadcast_in_dim3A_31 : vector<16xi1>, vector<16xf32>
      %eq3A_633 = arith.constant 1 : i32
      %eq3A_634 = vector.broadcast %eq3A_633 : i32 to vector<16xi32>
      %eq3A_635 = arith.cmpi eq, %iota3A, %eq3A_634 : vector<16xi32>
      %get3A_636 = arith.constant 784 : index
      %get3A_637 = tpu.vector_load %arg14[%get3A_636] {strides = array<i32>} : memref<1264xf32, #tpu.memory_space<vmem>>, vector<16xf32>,
      %reduce_max3A_638 = arith.constant true
      %reduce_max3A_639 = vector.broadcast %reduce_max3A_638 : i1 to vector<16xi1>
      %reduce_max3A_640 = tpu.scan <max>, %get3A_637 masked %reduce_max3A_639 : vector<16xf32>, vector<16xi1> -> vector<16xf32>
      %reduce_max3A_641 = vector.extract %reduce_max3A_640[15] : f32 from vector<16xf32>
      %broadcast_in_dim3A_642 = vector.broadcast %reduce_max3A_641 : f32 to vector<16xf32>
      %select_n3A_643 = arith.select %eq3A_635, %broadcast_in_dim3A_642, %select_n3A_632 : vector<16xi1>, vector<16xf32>
      %eq3A_644 = arith.constant 2 : i32
      %eq3A_645 = vector.broadcast %eq3A_644 : i32 to vector<16xi32>
      %eq3A_646 = arith.cmpi eq, %iota3A, %eq3A_645 : vector<16xi32>
      %get3A_647 = arith.constant 800 : index
      %get3A_648 = tpu.vector_load %arg14[%get3A_647] {strides = array<i32>} : memref<1264xf32, #tpu.memory_space<vmem>>, vector<16xf32>,
      %reduce_max3A_649 = arith.constant true
      %reduce_max3A_650 = vector.broadcast %reduce_max3A_649 : i1 to vector<16xi1>
      %reduce_max3A_651 = tpu.scan <max>, %get3A_648 masked %reduce_max3A_650 : vector<16xf32>, vector<16xi1> -> vector<16xf32>
      %reduce_max3A_652 = vector.extract %reduce_max3A_651[15] : f32 from vector<16xf32>
      %broadcast_in_dim3A_653 = vector.broadcast %reduce_max3A_652 : f32 to vector<16xf32>
      %select_n3A_654 = arith.select %eq3A_646, %broadcast_in_dim3A_653, %select_n3A_643 : vector<16xi1>, vector<16xf32>
      %eq3A_655 = arith.constant 3 : i32
      %eq3A_656 = vector.broadcast %eq3A_655 : i32 to vector<16xi32>
      %eq3A_657 = arith.cmpi eq, %iota3A, %eq3A_656 : vector<16xi32>
      %get3A_658 = arith.constant 816 : index
      %get3A_659 = tpu.vector_load %arg14[%get3A_658] {strides = array<i32>} : memref<1264xf32, #tpu.memory_space<vmem>>, vector<16xf32>,
      %reduce_max3A_660 = arith.constant true
      %reduce_max3A_661 = vector.broadcast %reduce_max3A_660 : i1 to vector<16xi1>
      %reduce_max3A_662 = tpu.scan <max>, %get3A_659 masked %reduce_max3A_661 : vector<16xf32>, vector<16xi1> -> vector<16xf32>
      %reduce_max3A_663 = vector.extract %reduce_max3A_662[15] : f32 from vector<16xf32>
      %broadcast_in_dim3A_664 = vector.broadcast %reduce_max3A_663 : f32 to vector<16xf32>
      %select_n3A_665 = arith.select %eq3A_657, %broadcast_in_dim3A_664, %select_n3A_654 : vector<16xi1>, vector<16xf32>
      %eq3A_666 = arith.constant 4 : i32
      %eq3A_667 = vector.broadcast %eq3A_666 : i32 to vector<16xi32>
      %eq3A_668 = arith.cmpi eq, %iota3A, %eq3A_667 : vector<16xi32>
      %get3A_669 = arith.constant 832 : index
      %get3A_670 = tpu.vector_load %arg14[%get3A_669] {strides = array<i32>} : memref<1264xf32, #tpu.memory_space<vmem>>, vector<16xf32>,
      %reduce_max3A_671 = arith.constant true
      %reduce_max3A_672 = vector.broadcast %reduce_max3A_671 : i1 to vector<16xi1>
      %reduce_max3A_673 = tpu.scan <max>, %get3A_670 masked %reduce_max3A_672 : vector<16xf32>, vector<16xi1> -> vector<16xf32>
      %reduce_max3A_674 = vector.extract %reduce_max3A_673[15] : f32 from vector<16xf32>
      %broadcast_in_dim3A_675 = vector.broadcast %reduce_max3A_674 : f32 to vector<16xf32>
      %select_n3A_676 = arith.select %eq3A_668, %broadcast_in_dim3A_675, %select_n3A_665 : vector<16xi1>, vector<16xf32>
      %eq3A_677 = arith.constant 5 : i32
      %eq3A_678 = vector.broadcast %eq3A_677 : i32 to vector<16xi32>
      %eq3A_679 = arith.cmpi eq, %iota3A, %eq3A_678 : vector<16xi32>
      %get3A_680 = arith.constant 848 : index
      %get3A_681 = tpu.vector_load %arg14[%get3A_680] {strides = array<i32>} : memref<1264xf32, #tpu.memory_space<vmem>>, vector<16xf32>,
      %reduce_max3A_682 = arith.constant true
      %reduce_max3A_683 = vector.broadcast %reduce_max3A_682 : i1 to vector<16xi1>
      %reduce_max3A_684 = tpu.scan <max>, %get3A_681 masked %reduce_max3A_683 : vector<16xf32>, vector<16xi1> -> vector<16xf32>
      %reduce_max3A_685 = vector.extract %reduce_max3A_684[15] : f32 from vector<16xf32>
      %broadcast_in_dim3A_686 = vector.broadcast %reduce_max3A_685 : f32 to vector<16xf32>
      %select_n3A_687 = arith.select %eq3A_679, %broadcast_in_dim3A_686, %select_n3A_676 : vector<16xi1>, vector<16xf32>
      %eq3A_688 = arith.constant 6 : i32
      %eq3A_689 = vector.broadcast %eq3A_688 : i32 to vector<16xi32>
      %eq3A_690 = arith.cmpi eq, %iota3A, %eq3A_689 : vector<16xi32>
      %get3A_691 = arith.constant 864 : index
      %get3A_692 = tpu.vector_load %arg14[%get3A_691] {strides = array<i32>} : memref<1264xf32, #tpu.memory_space<vmem>>, vector<16xf32>,
      %reduce_max3A_693 = arith.constant true
      %reduce_max3A_694 = vector.broadcast %reduce_max3A_693 : i1 to vector<16xi1>
      %reduce_max3A_695 = tpu.scan <max>, %get3A_692 masked %reduce_max3A_694 : vector<16xf32>, vector<16xi1> -> vector<16xf32>
      %reduce_max3A_696 = vector.extract %reduce_max3A_695[15] : f32 from vector<16xf32>
      %broadcast_in_dim3A_697 = vector.broadcast %reduce_max3A_696 : f32 to vector<16xf32>
      %select_n3A_698 = arith.select %eq3A_690, %broadcast_in_dim3A_697, %select_n3A_687 : vector<16xi1>, vector<16xf32>
      %eq3A_699 = arith.constant 7 : i32
      %eq3A_700 = vector.broadcast %eq3A_699 : i32 to vector<16xi32>
      %eq3A_701 = arith.cmpi eq, %iota3A, %eq3A_700 : vector<16xi32>
      %get3A_702 = arith.constant 880 : index
      %get3A_703 = tpu.vector_load %arg14[%get3A_702] {strides = array<i32>} : memref<1264xf32, #tpu.memory_space<vmem>>, vector<16xf32>,
      %reduce_max3A_704 = arith.constant true
      %reduce_max3A_705 = vector.broadcast %reduce_max3A_704 : i1 to vector<16xi1>
      %reduce_max3A_706 = tpu.scan <max>, %get3A_703 masked %reduce_max3A_705 : vector<16xf32>, vector<16xi1> -> vector<16xf32>
      %reduce_max3A_707 = vector.extract %reduce_max3A_706[15] : f32 from vector<16xf32>
      %broadcast_in_dim3A_708 = vector.broadcast %reduce_max3A_707 : f32 to vector<16xf32>
      %select_n3A_709 = arith.select %eq3A_701, %broadcast_in_dim3A_708, %select_n3A_698 : vector<16xi1>, vector<16xf32>
      %eq3A_710 = arith.constant 8 : i32
      %eq3A_711 = vector.broadcast %eq3A_710 : i32 to vector<16xi32>
      %eq3A_712 = arith.cmpi eq, %iota3A, %eq3A_711 : vector<16xi32>
      %get3A_713 = arith.constant 896 : index
      %get3A_714 = tpu.vector_load %arg14[%get3A_713] {strides = array<i32>} : memref<1264xf32, #tpu.memory_space<vmem>>, vector<16xf32>,
      %reduce_max3A_715 = arith.constant true
      %reduce_max3A_716 = vector.broadcast %reduce_max3A_715 : i1 to vector<16xi1>
      %reduce_max3A_717 = tpu.scan <max>, %get3A_714 masked %reduce_max3A_716 : vector<16xf32>, vector<16xi1> -> vector<16xf32>
      %reduce_max3A_718 = vector.extract %reduce_max3A_717[15] : f32 from vector<16xf32>
      %broadcast_in_dim3A_719 = vector.broadcast %reduce_max3A_718 : f32 to vector<16xf32>
      %select_n3A_720 = arith.select %eq3A_712, %broadcast_in_dim3A_719, %select_n3A_709 : vector<16xi1>, vector<16xf32>
      %eq3A_721 = arith.constant 9 : i32
      %eq3A_722 = vector.broadcast %eq3A_721 : i32 to vector<16xi32>
      %eq3A_723 = arith.cmpi eq, %iota3A, %eq3A_722 : vector<16xi32>
      %get3A_724 = arith.constant 912 : index
      %get3A_725 = tpu.vector_load %arg14[%get3A_724] {strides = array<i32>} : memref<1264xf32, #tpu.memory_space<vmem>>, vector<16xf32>,
      %reduce_max3A_726 = arith.constant true
      %reduce_max3A_727 = vector.broadcast %reduce_max3A_726 : i1 to vector<16xi1>
      %reduce_max3A_728 = tpu.scan <max>, %get3A_725 masked %reduce_max3A_727 : vector<16xf32>, vector<16xi1> -> vector<16xf32>
      %reduce_max3A_729 = vector.extract %reduce_max3A_728[15] : f32 from vector<16xf32>
      %broadcast_in_dim3A_730 = vector.broadcast %reduce_max3A_729 : f32 to vector<16xf32>
      %select_n3A_731 = arith.select %eq3A_723, %broadcast_in_dim3A_730, %select_n3A_720 : vector<16xi1>, vector<16xf32>
      %eq3A_732 = arith.constant 10 : i32
      %eq3A_733 = vector.broadcast %eq3A_732 : i32 to vector<16xi32>
      %eq3A_734 = arith.cmpi eq, %iota3A, %eq3A_733 : vector<16xi32>
      %get3A_735 = arith.constant 928 : index
      %get3A_736 = tpu.vector_load %arg14[%get3A_735] {strides = array<i32>} : memref<1264xf32, #tpu.memory_space<vmem>>, vector<16xf32>,
      %reduce_max3A_737 = arith.constant true
      %reduce_max3A_738 = vector.broadcast %reduce_max3A_737 : i1 to vector<16xi1>
      %reduce_max3A_739 = tpu.scan <max>, %get3A_736 masked %reduce_max3A_738 : vector<16xf32>, vector<16xi1> -> vector<16xf32>
      %reduce_max3A_740 = vector.extract %reduce_max3A_739[15] : f32 from vector<16xf32>
      %broadcast_in_dim3A_741 = vector.broadcast %reduce_max3A_740 : f32 to vector<16xf32>
      %select_n3A_742 = arith.select %eq3A_734, %broadcast_in_dim3A_741, %select_n3A_731 : vector<16xi1>, vector<16xf32>
      %eq3A_743 = arith.constant 11 : i32
      %eq3A_744 = vector.broadcast %eq3A_743 : i32 to vector<16xi32>
      %eq3A_745 = arith.cmpi eq, %iota3A, %eq3A_744 : vector<16xi32>
      %get3A_746 = arith.constant 944 : index
      %get3A_747 = tpu.vector_load %arg14[%get3A_746] {strides = array<i32>} : memref<1264xf32, #tpu.memory_space<vmem>>, vector<16xf32>,
      %reduce_max3A_748 = arith.constant true
      %reduce_max3A_749 = vector.broadcast %reduce_max3A_748 : i1 to vector<16xi1>
      %reduce_max3A_750 = tpu.scan <max>, %get3A_747 masked %reduce_max3A_749 : vector<16xf32>, vector<16xi1> -> vector<16xf32>
      %reduce_max3A_751 = vector.extract %reduce_max3A_750[15] : f32 from vector<16xf32>
      %broadcast_in_dim3A_752 = vector.broadcast %reduce_max3A_751 : f32 to vector<16xf32>
      %select_n3A_753 = arith.select %eq3A_745, %broadcast_in_dim3A_752, %select_n3A_742 : vector<16xi1>, vector<16xf32>
      %eq3A_754 = arith.constant 12 : i32
      %eq3A_755 = vector.broadcast %eq3A_754 : i32 to vector<16xi32>
      %eq3A_756 = arith.cmpi eq, %iota3A, %eq3A_755 : vector<16xi32>
      %get3A_757 = arith.constant 960 : index
      %get3A_758 = tpu.vector_load %arg14[%get3A_757] {strides = array<i32>} : memref<1264xf32, #tpu.memory_space<vmem>>, vector<16xf32>,
      %reduce_max3A_759 = arith.constant true
      %reduce_max3A_760 = vector.broadcast %reduce_max3A_759 : i1 to vector<16xi1>
      %reduce_max3A_761 = tpu.scan <max>, %get3A_758 masked %reduce_max3A_760 : vector<16xf32>, vector<16xi1> -> vector<16xf32>
      %reduce_max3A_762 = vector.extract %reduce_max3A_761[15] : f32 from vector<16xf32>
      %broadcast_in_dim3A_763 = vector.broadcast %reduce_max3A_762 : f32 to vector<16xf32>
      %select_n3A_764 = arith.select %eq3A_756, %broadcast_in_dim3A_763, %select_n3A_753 : vector<16xi1>, vector<16xf32>
      %eq3A_765 = arith.constant 13 : i32
      %eq3A_766 = vector.broadcast %eq3A_765 : i32 to vector<16xi32>
      %eq3A_767 = arith.cmpi eq, %iota3A, %eq3A_766 : vector<16xi32>
      %get3A_768 = arith.constant 976 : index
      %get3A_769 = tpu.vector_load %arg14[%get3A_768] {strides = array<i32>} : memref<1264xf32, #tpu.memory_space<vmem>>, vector<16xf32>,
      %reduce_max3A_770 = arith.constant true
      %reduce_max3A_771 = vector.broadcast %reduce_max3A_770 : i1 to vector<16xi1>
      %reduce_max3A_772 = tpu.scan <max>, %get3A_769 masked %reduce_max3A_771 : vector<16xf32>, vector<16xi1> -> vector<16xf32>
      %reduce_max3A_773 = vector.extract %reduce_max3A_772[15] : f32 from vector<16xf32>
      %broadcast_in_dim3A_774 = vector.broadcast %reduce_max3A_773 : f32 to vector<16xf32>
      %select_n3A_775 = arith.select %eq3A_767, %broadcast_in_dim3A_774, %select_n3A_764 : vector<16xi1>, vector<16xf32>
      %eq3A_776 = arith.constant 14 : i32
      %eq3A_777 = vector.broadcast %eq3A_776 : i32 to vector<16xi32>
      %eq3A_778 = arith.cmpi eq, %iota3A, %eq3A_777 : vector<16xi32>
      %get3A_779 = arith.constant 992 : index
      %get3A_780 = tpu.vector_load %arg14[%get3A_779] {strides = array<i32>} : memref<1264xf32, #tpu.memory_space<vmem>>, vector<16xf32>,
      %reduce_max3A_781 = arith.constant true
      %reduce_max3A_782 = vector.broadcast %reduce_max3A_781 : i1 to vector<16xi1>
      %reduce_max3A_783 = tpu.scan <max>, %get3A_780 masked %reduce_max3A_782 : vector<16xf32>, vector<16xi1> -> vector<16xf32>
      %reduce_max3A_784 = vector.extract %reduce_max3A_783[15] : f32 from vector<16xf32>
      %broadcast_in_dim3A_785 = vector.broadcast %reduce_max3A_784 : f32 to vector<16xf32>
      %select_n3A_786 = arith.select %eq3A_778, %broadcast_in_dim3A_785, %select_n3A_775 : vector<16xi1>, vector<16xf32>
      %eq3A_787 = arith.constant 15 : i32
      %eq3A_788 = vector.broadcast %eq3A_787 : i32 to vector<16xi32>
      %eq3A_789 = arith.cmpi eq, %iota3A, %eq3A_788 : vector<16xi32>
      %get3A_790 = arith.constant 1008 : index
      %get3A_791 = tpu.vector_load %arg14[%get3A_790] {strides = array<i32>} : memref<1264xf32, #tpu.memory_space<vmem>>, vector<16xf32>,
      %reduce_max3A_792 = arith.constant true
      %reduce_max3A_793 = vector.broadcast %reduce_max3A_792 : i1 to vector<16xi1>
      %reduce_max3A_794 = tpu.scan <max>, %get3A_791 masked %reduce_max3A_793 : vector<16xf32>, vector<16xi1> -> vector<16xf32>
      %reduce_max3A_795 = vector.extract %reduce_max3A_794[15] : f32 from vector<16xf32>
      %broadcast_in_dim3A_796 = vector.broadcast %reduce_max3A_795 : f32 to vector<16xf32>
      %select_n3A_797 = arith.select %eq3A_789, %broadcast_in_dim3A_796, %select_n3A_786 : vector<16xi1>, vector<16xf32>
      %swap3A_798 = arith.constant 48 : index
      %swap3A_799 = tpu.vector_load %arg15[%swap3A_798] {strides = array<i32>} : memref<80xf32, #tpu.memory_space<vmem>>, vector<16xf32>,
      tpu.vector_store %arg15[%swap3A_798], %select_n3A_797 {strides = array<i32>} : memref<80xf32, #tpu.memory_space<vmem>>, vector<16xf32>,
      %eq3A_800 = arith.constant 0 : i32
      %eq3A_801 = vector.broadcast %eq3A_800 : i32 to vector<16xi32>
      %eq3A_802 = arith.cmpi eq, %iota3A, %eq3A_801 : vector<16xi32>
      %get3A_803 = arith.constant 1024 : index
      %get3A_804 = tpu.vector_load %arg14[%get3A_803] {strides = array<i32>} : memref<1264xf32, #tpu.memory_space<vmem>>, vector<16xf32>,
      %reduce_max3A_805 = arith.constant true
      %reduce_max3A_806 = vector.broadcast %reduce_max3A_805 : i1 to vector<16xi1>
      %reduce_max3A_807 = tpu.scan <max>, %get3A_804 masked %reduce_max3A_806 : vector<16xf32>, vector<16xi1> -> vector<16xf32>
      %reduce_max3A_808 = vector.extract %reduce_max3A_807[15] : f32 from vector<16xf32>
      %broadcast_in_dim3A_809 = vector.broadcast %reduce_max3A_808 : f32 to vector<16xf32>
      %select_n3A_810 = arith.select %eq3A_802, %broadcast_in_dim3A_809, %broadcast_in_dim3A_31 : vector<16xi1>, vector<16xf32>
      %eq3A_811 = arith.constant 1 : i32
      %eq3A_812 = vector.broadcast %eq3A_811 : i32 to vector<16xi32>
      %eq3A_813 = arith.cmpi eq, %iota3A, %eq3A_812 : vector<16xi32>
      %get3A_814 = arith.constant 1040 : index
      %get3A_815 = tpu.vector_load %arg14[%get3A_814] {strides = array<i32>} : memref<1264xf32, #tpu.memory_space<vmem>>, vector<16xf32>,
      %reduce_max3A_816 = arith.constant true
      %reduce_max3A_817 = vector.broadcast %reduce_max3A_816 : i1 to vector<16xi1>
      %reduce_max3A_818 = tpu.scan <max>, %get3A_815 masked %reduce_max3A_817 : vector<16xf32>, vector<16xi1> -> vector<16xf32>
      %reduce_max3A_819 = vector.extract %reduce_max3A_818[15] : f32 from vector<16xf32>
      %broadcast_in_dim3A_820 = vector.broadcast %reduce_max3A_819 : f32 to vector<16xf32>
      %select_n3A_821 = arith.select %eq3A_813, %broadcast_in_dim3A_820, %select_n3A_810 : vector<16xi1>, vector<16xf32>
      %eq3A_822 = arith.constant 2 : i32
      %eq3A_823 = vector.broadcast %eq3A_822 : i32 to vector<16xi32>
      %eq3A_824 = arith.cmpi eq, %iota3A, %eq3A_823 : vector<16xi32>
      %get3A_825 = arith.constant 1056 : index
      %get3A_826 = tpu.vector_load %arg14[%get3A_825] {strides = array<i32>} : memref<1264xf32, #tpu.memory_space<vmem>>, vector<16xf32>,
      %reduce_max3A_827 = arith.constant true
      %reduce_max3A_828 = vector.broadcast %reduce_max3A_827 : i1 to vector<16xi1>
      %reduce_max3A_829 = tpu.scan <max>, %get3A_826 masked %reduce_max3A_828 : vector<16xf32>, vector<16xi1> -> vector<16xf32>
      %reduce_max3A_830 = vector.extract %reduce_max3A_829[15] : f32 from vector<16xf32>
      %broadcast_in_dim3A_831 = vector.broadcast %reduce_max3A_830 : f32 to vector<16xf32>
      %select_n3A_832 = arith.select %eq3A_824, %broadcast_in_dim3A_831, %select_n3A_821 : vector<16xi1>, vector<16xf32>
      %eq3A_833 = arith.constant 3 : i32
      %eq3A_834 = vector.broadcast %eq3A_833 : i32 to vector<16xi32>
      %eq3A_835 = arith.cmpi eq, %iota3A, %eq3A_834 : vector<16xi32>
      %get3A_836 = arith.constant 1072 : index
      %get3A_837 = tpu.vector_load %arg14[%get3A_836] {strides = array<i32>} : memref<1264xf32, #tpu.memory_space<vmem>>, vector<16xf32>,
      %reduce_max3A_838 = arith.constant true
      %reduce_max3A_839 = vector.broadcast %reduce_max3A_838 : i1 to vector<16xi1>
      %reduce_max3A_840 = tpu.scan <max>, %get3A_837 masked %reduce_max3A_839 : vector<16xf32>, vector<16xi1> -> vector<16xf32>
      %reduce_max3A_841 = vector.extract %reduce_max3A_840[15] : f32 from vector<16xf32>
      %broadcast_in_dim3A_842 = vector.broadcast %reduce_max3A_841 : f32 to vector<16xf32>
      %select_n3A_843 = arith.select %eq3A_835, %broadcast_in_dim3A_842, %select_n3A_832 : vector<16xi1>, vector<16xf32>
      %eq3A_844 = arith.constant 4 : i32
      %eq3A_845 = vector.broadcast %eq3A_844 : i32 to vector<16xi32>
      %eq3A_846 = arith.cmpi eq, %iota3A, %eq3A_845 : vector<16xi32>
      %get3A_847 = arith.constant 1088 : index
      %get3A_848 = tpu.vector_load %arg14[%get3A_847] {strides = array<i32>} : memref<1264xf32, #tpu.memory_space<vmem>>, vector<16xf32>,
      %reduce_max3A_849 = arith.constant true
      %reduce_max3A_850 = vector.broadcast %reduce_max3A_849 : i1 to vector<16xi1>
      %reduce_max3A_851 = tpu.scan <max>, %get3A_848 masked %reduce_max3A_850 : vector<16xf32>, vector<16xi1> -> vector<16xf32>
      %reduce_max3A_852 = vector.extract %reduce_max3A_851[15] : f32 from vector<16xf32>
      %broadcast_in_dim3A_853 = vector.broadcast %reduce_max3A_852 : f32 to vector<16xf32>
      %select_n3A_854 = arith.select %eq3A_846, %broadcast_in_dim3A_853, %select_n3A_843 : vector<16xi1>, vector<16xf32>
      %eq3A_855 = arith.constant 5 : i32
      %eq3A_856 = vector.broadcast %eq3A_855 : i32 to vector<16xi32>
      %eq3A_857 = arith.cmpi eq, %iota3A, %eq3A_856 : vector<16xi32>
      %get3A_858 = arith.constant 1104 : index
      %get3A_859 = tpu.vector_load %arg14[%get3A_858] {strides = array<i32>} : memref<1264xf32, #tpu.memory_space<vmem>>, vector<16xf32>,
      %reduce_max3A_860 = arith.constant true
      %reduce_max3A_861 = vector.broadcast %reduce_max3A_860 : i1 to vector<16xi1>
      %reduce_max3A_862 = tpu.scan <max>, %get3A_859 masked %reduce_max3A_861 : vector<16xf32>, vector<16xi1> -> vector<16xf32>
      %reduce_max3A_863 = vector.extract %reduce_max3A_862[15] : f32 from vector<16xf32>
      %broadcast_in_dim3A_864 = vector.broadcast %reduce_max3A_863 : f32 to vector<16xf32>
      %select_n3A_865 = arith.select %eq3A_857, %broadcast_in_dim3A_864, %select_n3A_854 : vector<16xi1>, vector<16xf32>
      %eq3A_866 = arith.constant 6 : i32
      %eq3A_867 = vector.broadcast %eq3A_866 : i32 to vector<16xi32>
      %eq3A_868 = arith.cmpi eq, %iota3A, %eq3A_867 : vector<16xi32>
      %get3A_869 = arith.constant 1120 : index
      %get3A_870 = tpu.vector_load %arg14[%get3A_869] {strides = array<i32>} : memref<1264xf32, #tpu.memory_space<vmem>>, vector<16xf32>,
      %reduce_max3A_871 = arith.constant true
      %reduce_max3A_872 = vector.broadcast %reduce_max3A_871 : i1 to vector<16xi1>
      %reduce_max3A_873 = tpu.scan <max>, %get3A_870 masked %reduce_max3A_872 : vector<16xf32>, vector<16xi1> -> vector<16xf32>
      %reduce_max3A_874 = vector.extract %reduce_max3A_873[15] : f32 from vector<16xf32>
      %broadcast_in_dim3A_875 = vector.broadcast %reduce_max3A_874 : f32 to vector<16xf32>
      %select_n3A_876 = arith.select %eq3A_868, %broadcast_in_dim3A_875, %select_n3A_865 : vector<16xi1>, vector<16xf32>
      %eq3A_877 = arith.constant 7 : i32
      %eq3A_878 = vector.broadcast %eq3A_877 : i32 to vector<16xi32>
      %eq3A_879 = arith.cmpi eq, %iota3A, %eq3A_878 : vector<16xi32>
      %get3A_880 = arith.constant 1136 : index
      %get3A_881 = tpu.vector_load %arg14[%get3A_880] {strides = array<i32>} : memref<1264xf32, #tpu.memory_space<vmem>>, vector<16xf32>,
      %reduce_max3A_882 = arith.constant true
      %reduce_max3A_883 = vector.broadcast %reduce_max3A_882 : i1 to vector<16xi1>
      %reduce_max3A_884 = tpu.scan <max>, %get3A_881 masked %reduce_max3A_883 : vector<16xf32>, vector<16xi1> -> vector<16xf32>
      %reduce_max3A_885 = vector.extract %reduce_max3A_884[15] : f32 from vector<16xf32>
      %broadcast_in_dim3A_886 = vector.broadcast %reduce_max3A_885 : f32 to vector<16xf32>
      %select_n3A_887 = arith.select %eq3A_879, %broadcast_in_dim3A_886, %select_n3A_876 : vector<16xi1>, vector<16xf32>
      %eq3A_888 = arith.constant 8 : i32
      %eq3A_889 = vector.broadcast %eq3A_888 : i32 to vector<16xi32>
      %eq3A_890 = arith.cmpi eq, %iota3A, %eq3A_889 : vector<16xi32>
      %get3A_891 = arith.constant 1152 : index
      %get3A_892 = tpu.vector_load %arg14[%get3A_891] {strides = array<i32>} : memref<1264xf32, #tpu.memory_space<vmem>>, vector<16xf32>,
      %reduce_max3A_893 = arith.constant true
      %reduce_max3A_894 = vector.broadcast %reduce_max3A_893 : i1 to vector<16xi1>
      %reduce_max3A_895 = tpu.scan <max>, %get3A_892 masked %reduce_max3A_894 : vector<16xf32>, vector<16xi1> -> vector<16xf32>
      %reduce_max3A_896 = vector.extract %reduce_max3A_895[15] : f32 from vector<16xf32>
      %broadcast_in_dim3A_897 = vector.broadcast %reduce_max3A_896 : f32 to vector<16xf32>
      %select_n3A_898 = arith.select %eq3A_890, %broadcast_in_dim3A_897, %select_n3A_887 : vector<16xi1>, vector<16xf32>
      %eq3A_899 = arith.constant 9 : i32
      %eq3A_900 = vector.broadcast %eq3A_899 : i32 to vector<16xi32>
      %eq3A_901 = arith.cmpi eq, %iota3A, %eq3A_900 : vector<16xi32>
      %get3A_902 = arith.constant 1168 : index
      %get3A_903 = tpu.vector_load %arg14[%get3A_902] {strides = array<i32>} : memref<1264xf32, #tpu.memory_space<vmem>>, vector<16xf32>,
      %reduce_max3A_904 = arith.constant true
      %reduce_max3A_905 = vector.broadcast %reduce_max3A_904 : i1 to vector<16xi1>
      %reduce_max3A_906 = tpu.scan <max>, %get3A_903 masked %reduce_max3A_905 : vector<16xf32>, vector<16xi1> -> vector<16xf32>
      %reduce_max3A_907 = vector.extract %reduce_max3A_906[15] : f32 from vector<16xf32>
      %broadcast_in_dim3A_908 = vector.broadcast %reduce_max3A_907 : f32 to vector<16xf32>
      %select_n3A_909 = arith.select %eq3A_901, %broadcast_in_dim3A_908, %select_n3A_898 : vector<16xi1>, vector<16xf32>
      %eq3A_910 = arith.constant 10 : i32
      %eq3A_911 = vector.broadcast %eq3A_910 : i32 to vector<16xi32>
      %eq3A_912 = arith.cmpi eq, %iota3A, %eq3A_911 : vector<16xi32>
      %get3A_913 = arith.constant 1184 : index
      %get3A_914 = tpu.vector_load %arg14[%get3A_913] {strides = array<i32>} : memref<1264xf32, #tpu.memory_space<vmem>>, vector<16xf32>,
      %reduce_max3A_915 = arith.constant true
      %reduce_max3A_916 = vector.broadcast %reduce_max3A_915 : i1 to vector<16xi1>
      %reduce_max3A_917 = tpu.scan <max>, %get3A_914 masked %reduce_max3A_916 : vector<16xf32>, vector<16xi1> -> vector<16xf32>
      %reduce_max3A_918 = vector.extract %reduce_max3A_917[15] : f32 from vector<16xf32>
      %broadcast_in_dim3A_919 = vector.broadcast %reduce_max3A_918 : f32 to vector<16xf32>
      %select_n3A_920 = arith.select %eq3A_912, %broadcast_in_dim3A_919, %select_n3A_909 : vector<16xi1>, vector<16xf32>
      %eq3A_921 = arith.constant 11 : i32
      %eq3A_922 = vector.broadcast %eq3A_921 : i32 to vector<16xi32>
      %eq3A_923 = arith.cmpi eq, %iota3A, %eq3A_922 : vector<16xi32>
      %get3A_924 = arith.constant 1200 : index
      %get3A_925 = tpu.vector_load %arg14[%get3A_924] {strides = array<i32>} : memref<1264xf32, #tpu.memory_space<vmem>>, vector<16xf32>,
      %reduce_max3A_926 = arith.constant true
      %reduce_max3A_927 = vector.broadcast %reduce_max3A_926 : i1 to vector<16xi1>
      %reduce_max3A_928 = tpu.scan <max>, %get3A_925 masked %reduce_max3A_927 : vector<16xf32>, vector<16xi1> -> vector<16xf32>
      %reduce_max3A_929 = vector.extract %reduce_max3A_928[15] : f32 from vector<16xf32>
      %broadcast_in_dim3A_930 = vector.broadcast %reduce_max3A_929 : f32 to vector<16xf32>
      %select_n3A_931 = arith.select %eq3A_923, %broadcast_in_dim3A_930, %select_n3A_920 : vector<16xi1>, vector<16xf32>
      %eq3A_932 = arith.constant 12 : i32
      %eq3A_933 = vector.broadcast %eq3A_932 : i32 to vector<16xi32>
      %eq3A_934 = arith.cmpi eq, %iota3A, %eq3A_933 : vector<16xi32>
      %get3A_935 = arith.constant 1216 : index
      %get3A_936 = tpu.vector_load %arg14[%get3A_935] {strides = array<i32>} : memref<1264xf32, #tpu.memory_space<vmem>>, vector<16xf32>,
      %reduce_max3A_937 = arith.constant true
      %reduce_max3A_938 = vector.broadcast %reduce_max3A_937 : i1 to vector<16xi1>
      %reduce_max3A_939 = tpu.scan <max>, %get3A_936 masked %reduce_max3A_938 : vector<16xf32>, vector<16xi1> -> vector<16xf32>
      %reduce_max3A_940 = vector.extract %reduce_max3A_939[15] : f32 from vector<16xf32>
      %broadcast_in_dim3A_941 = vector.broadcast %reduce_max3A_940 : f32 to vector<16xf32>
      %select_n3A_942 = arith.select %eq3A_934, %broadcast_in_dim3A_941, %select_n3A_931 : vector<16xi1>, vector<16xf32>
      %eq3A_943 = arith.constant 13 : i32
      %eq3A_944 = vector.broadcast %eq3A_943 : i32 to vector<16xi32>
      %eq3A_945 = arith.cmpi eq, %iota3A, %eq3A_944 : vector<16xi32>
      %get3A_946 = arith.constant 1232 : index
      %get3A_947 = tpu.vector_load %arg14[%get3A_946] {strides = array<i32>} : memref<1264xf32, #tpu.memory_space<vmem>>, vector<16xf32>,
      %reduce_max3A_948 = arith.constant true
      %reduce_max3A_949 = vector.broadcast %reduce_max3A_948 : i1 to vector<16xi1>
      %reduce_max3A_950 = tpu.scan <max>, %get3A_947 masked %reduce_max3A_949 : vector<16xf32>, vector<16xi1> -> vector<16xf32>
      %reduce_max3A_951 = vector.extract %reduce_max3A_950[15] : f32 from vector<16xf32>
      %broadcast_in_dim3A_952 = vector.broadcast %reduce_max3A_951 : f32 to vector<16xf32>
      %select_n3A_953 = arith.select %eq3A_945, %broadcast_in_dim3A_952, %select_n3A_942 : vector<16xi1>, vector<16xf32>
      %eq3A_954 = arith.constant 14 : i32
      %eq3A_955 = vector.broadcast %eq3A_954 : i32 to vector<16xi32>
      %eq3A_956 = arith.cmpi eq, %iota3A, %eq3A_955 : vector<16xi32>
      %get3A_957 = arith.constant 1248 : index
      %get3A_958 = tpu.vector_load %arg14[%get3A_957] {strides = array<i32>} : memref<1264xf32, #tpu.memory_space<vmem>>, vector<16xf32>,
      %reduce_max3A_959 = arith.constant true
      %reduce_max3A_960 = vector.broadcast %reduce_max3A_959 : i1 to vector<16xi1>
      %reduce_max3A_961 = tpu.scan <max>, %get3A_958 masked %reduce_max3A_960 : vector<16xf32>, vector<16xi1> -> vector<16xf32>
      %reduce_max3A_962 = vector.extract %reduce_max3A_961[15] : f32 from vector<16xf32>
      %broadcast_in_dim3A_963 = vector.broadcast %reduce_max3A_962 : f32 to vector<16xf32>
      %select_n3A_964 = arith.select %eq3A_956, %broadcast_in_dim3A_963, %select_n3A_953 : vector<16xi1>, vector<16xf32>
      %swap3A_965 = arith.constant 64 : index
      %swap3A_966 = tpu.vector_load %arg15[%swap3A_965] {strides = array<i32>} : memref<80xf32, #tpu.memory_space<vmem>>, vector<16xf32>,
      tpu.vector_store %arg15[%swap3A_965], %select_n3A_964 {strides = array<i32>} : memref<80xf32, #tpu.memory_space<vmem>>, vector<16xf32>,
      %get3A_967 = arith.constant 0 : index
      %get3A_968 = tpu.vector_load %arg15[%get3A_967] {strides = array<i32>} : memref<80xf32, #tpu.memory_space<vmem>>, vector<16xf32>,
      %get3A_969 = arith.constant 16 : index
      %get3A_970 = tpu.vector_load %arg15[%get3A_969] {strides = array<i32>} : memref<80xf32, #tpu.memory_space<vmem>>, vector<16xf32>,
      %get3A_971 = arith.constant 32 : index
      %get3A_972 = tpu.vector_load %arg15[%get3A_971] {strides = array<i32>} : memref<80xf32, #tpu.memory_space<vmem>>, vector<16xf32>,
      %get3A_973 = arith.constant 48 : index
      %get3A_974 = tpu.vector_load %arg15[%get3A_973] {strides = array<i32>} : memref<80xf32, #tpu.memory_space<vmem>>, vector<16xf32>,
      %get3A_975 = arith.constant 64 : index
      %get3A_976 = tpu.vector_load %arg15[%get3A_975] {strides = array<i32>} : memref<80xf32, #tpu.memory_space<vmem>>, vector<16xf32>,
      %max3A = arith.maximumf %get3A_968, %get3A_970 : vector<16xf32>
      %max3A_977 = arith.maximumf %max3A, %get3A_972 : vector<16xf32>
      %max3A_978 = arith.maximumf %max3A_977, %get3A_974 : vector<16xf32>
      %max3A_979 = arith.maximumf %max3A_978, %get3A_976 : vector<16xf32>
      %reduce_max3A_980 = arith.constant true
      %reduce_max3A_981 = vector.broadcast %reduce_max3A_980 : i1 to vector<16xi1>
      %reduce_max3A_982 = tpu.scan <max>, %max3A_979 masked %reduce_max3A_981 : vector<16xf32>, vector<16xi1> -> vector<16xf32>
      %reduce_max3A_983 = vector.extract %reduce_max3A_982[15] : f32 from vector<16xf32>
      %gt3A = arith.constant 5.000000e-02 : f32
      %gt3A_984 = arith.cmpf ogt, %reduce_max3A_983, %gt3A : f32
      %broadcast_in_dim3A_985 = arith.constant 1073741824 : i32
      %broadcast_in_dim3A_986 = vector.broadcast %broadcast_in_dim3A_985 : i32 to vector<16xi32>
      %eq3A_987 = vector.broadcast %reduce_max3A_983 : f32 to vector<16xf32>
      %eq3A_988 = arith.cmpf oeq, %get3A_976, %eq3A_987 : vector<16xf32>
      %all_reduce_ffs3A = tpu.all_reduce %eq3A_988 {dim = 0 : i64, kind = #tpu.reduction_kind<find_first_set>} : vector<16xi1> -> vector<16xi32>
      %lt3A_989 = arith.constant 16 : i32
      %lt3A_990 = vector.broadcast %lt3A_989 : i32 to vector<16xi32>
      %lt3A_991 = arith.cmpi slt, %all_reduce_ffs3A, %lt3A_990 : vector<16xi32>
      %add3A_992 = arith.constant 64 : i32
      %add3A_993 = vector.broadcast %add3A_992 : i32 to vector<16xi32>
      %add3A_994 = arith.addi %all_reduce_ffs3A, %add3A_993 : vector<16xi32>
      %select_n3A_995 = arith.select %lt3A_991, %add3A_994, %broadcast_in_dim3A_986 : vector<16xi1>, vector<16xi32>
      %eq3A_996 = vector.broadcast %reduce_max3A_983 : f32 to vector<16xf32>
      %eq3A_997 = arith.cmpf oeq, %get3A_974, %eq3A_996 : vector<16xf32>
      %all_reduce_ffs3A_998 = tpu.all_reduce %eq3A_997 {dim = 0 : i64, kind = #tpu.reduction_kind<find_first_set>} : vector<16xi1> -> vector<16xi32>
      %lt3A_999 = arith.constant 16 : i32
      %lt3A_1000 = vector.broadcast %lt3A_999 : i32 to vector<16xi32>
      %lt3A_1001 = arith.cmpi slt, %all_reduce_ffs3A_998, %lt3A_1000 : vector<16xi32>
      %add3A_1002 = arith.constant 48 : i32
      %add3A_1003 = vector.broadcast %add3A_1002 : i32 to vector<16xi32>
      %add3A_1004 = arith.addi %all_reduce_ffs3A_998, %add3A_1003 : vector<16xi32>
      %select_n3A_1005 = arith.select %lt3A_1001, %add3A_1004, %select_n3A_995 : vector<16xi1>, vector<16xi32>
      %eq3A_1006 = vector.broadcast %reduce_max3A_983 : f32 to vector<16xf32>
      %eq3A_1007 = arith.cmpf oeq, %get3A_972, %eq3A_1006 : vector<16xf32>
      %all_reduce_ffs3A_1008 = tpu.all_reduce %eq3A_1007 {dim = 0 : i64, kind = #tpu.reduction_kind<find_first_set>} : vector<16xi1> -> vector<16xi32>
      %lt3A_1009 = arith.constant 16 : i32
      %lt3A_1010 = vector.broadcast %lt3A_1009 : i32 to vector<16xi32>
      %lt3A_1011 = arith.cmpi slt, %all_reduce_ffs3A_1008, %lt3A_1010 : vector<16xi32>
      %add3A_1012 = arith.constant 32 : i32
      %add3A_1013 = vector.broadcast %add3A_1012 : i32 to vector<16xi32>
      %add3A_1014 = arith.addi %all_reduce_ffs3A_1008, %add3A_1013 : vector<16xi32>
      %select_n3A_1015 = arith.select %lt3A_1011, %add3A_1014, %select_n3A_1005 : vector<16xi1>, vector<16xi32>
      %eq3A_1016 = vector.broadcast %reduce_max3A_983 : f32 to vector<16xf32>
      %eq3A_1017 = arith.cmpf oeq, %get3A_970, %eq3A_1016 : vector<16xf32>
      %all_reduce_ffs3A_1018 = tpu.all_reduce %eq3A_1017 {dim = 0 : i64, kind = #tpu.reduction_kind<find_first_set>} : vector<16xi1> -> vector<16xi32>
      %lt3A_1019 = arith.constant 16 : i32
      %lt3A_1020 = vector.broadcast %lt3A_1019 : i32 to vector<16xi32>
      %lt3A_1021 = arith.cmpi slt, %all_reduce_ffs3A_1018, %lt3A_1020 : vector<16xi32>
      %add3A_1022 = arith.constant 16 : i32
      %add3A_1023 = vector.broadcast %add3A_1022 : i32 to vector<16xi32>
      %add3A_1024 = arith.addi %all_reduce_ffs3A_1018, %add3A_1023 : vector<16xi32>
      %select_n3A_1025 = arith.select %lt3A_1021, %add3A_1024, %select_n3A_1015 : vector<16xi1>, vector<16xi32>
      %eq3A_1026 = vector.broadcast %reduce_max3A_983 : f32 to vector<16xf32>
      %eq3A_1027 = arith.cmpf oeq, %get3A_968, %eq3A_1026 : vector<16xf32>
      %all_reduce_ffs3A_1028 = tpu.all_reduce %eq3A_1027 {dim = 0 : i64, kind = #tpu.reduction_kind<find_first_set>} : vector<16xi1> -> vector<16xi32>
      %lt3A_1029 = arith.constant 16 : i32
      %lt3A_1030 = vector.broadcast %lt3A_1029 : i32 to vector<16xi32>
      %lt3A_1031 = arith.cmpi slt, %all_reduce_ffs3A_1028, %lt3A_1030 : vector<16xi32>
      %add3A_1032 = arith.constant 0 : i32
      %add3A_1033 = vector.broadcast %add3A_1032 : i32 to vector<16xi32>
      %add3A_1034 = arith.addi %all_reduce_ffs3A_1028, %add3A_1033 : vector<16xi32>
      %select_n3A_1035 = arith.select %lt3A_1031, %add3A_1034, %select_n3A_1025 : vector<16xi1>, vector<16xi32>
      %min3A = arith.constant 78 : i32
      %min3A_1036 = vector.broadcast %min3A : i32 to vector<16xi32>
      %min3A_1037 = arith.minsi %select_n3A_1035, %min3A_1036 : vector<16xi32>
      %mul3A_1038 = arith.constant 16 : i32
      %mul3A_1039 = vector.broadcast %mul3A_1038 : i32 to vector<16xi32>
      %mul3A_1040 = arith.muli %min3A_1037, %mul3A_1039 : vector<16xi32>
      %add3A_1041 = arith.addi %mul3A_1040, %iota3A : vector<16xi32>
      %gather3A = tpu.vector_load_idx %arg14[%add3A_1041] : memref<1264xf32, #tpu.memory_space<vmem>>[vector<16xi32>], vector<16xf32>,
      %eq3A_1042 = vector.broadcast %reduce_max3A_983 : f32 to vector<16xf32>
      %eq3A_1043 = arith.cmpf oeq, %gather3A, %eq3A_1042 : vector<16xf32>
      %all_reduce_ffs3A_1044 = tpu.all_reduce %eq3A_1043 {dim = 0 : i64, kind = #tpu.reduction_kind<find_first_set>} : vector<16xi1> -> vector<16xi32>
      %mul3A_1045 = arith.constant 16 : i32
      %mul3A_1046 = vector.broadcast %mul3A_1045 : i32 to vector<16xi32>
      %mul3A_1047 = arith.muli %min3A_1037, %mul3A_1046 : vector<16xi32>
      %min3A_1048 = arith.constant 15 : i32
      %min3A_1049 = vector.broadcast %min3A_1048 : i32 to vector<16xi32>
      %min3A_1050 = arith.minsi %all_reduce_ffs3A_1044, %min3A_1049 : vector<16xi32>
      %add3A_1051 = arith.addi %mul3A_1047, %min3A_1050 : vector<16xi32>
      %mul3A_1052 = arith.constant 16 : i32
      %mul3A_1053 = vector.broadcast %mul3A_1052 : i32 to vector<16xi32>
      %mul3A_1054 = arith.muli %add3A_1051, %mul3A_1053 : vector<16xi32>
      %add3A_1055 = arith.addi %mul3A_1054, %iota3A : vector<16xi32>
      %gather3A_1056 = tpu.vector_load_idx %arg8[%add3A_1055] : memref<20224xf32, #tpu.memory_space<vmem>>[vector<16xi32>], vector<16xf32>,
      %eq3A_1057 = vector.broadcast %reduce_max3A_983 : f32 to vector<16xf32>
      %eq3A_1058 = arith.cmpf oeq, %gather3A_1056, %eq3A_1057 : vector<16xf32>
      %all_reduce_ffs3A_1059 = tpu.all_reduce %eq3A_1058 {dim = 0 : i64, kind = #tpu.reduction_kind<find_first_set>} : vector<16xi1> -> vector<16xi32>
      %min3A_1060 = arith.constant 15 : i32
      %min3A_1061 = vector.broadcast %min3A_1060 : i32 to vector<16xi32>
      %min3A_1062 = arith.minsi %all_reduce_ffs3A_1059, %min3A_1061 : vector<16xi32>
      %mul3A_1063 = arith.constant 16 : i32
      %mul3A_1064 = vector.broadcast %mul3A_1063 : i32 to vector<16xi32>
      %mul3A_1065 = arith.muli %add3A_1051, %mul3A_1064 : vector<16xi32>
      %add3A_1066 = arith.addi %mul3A_1065, %min3A_1062 : vector<16xi32>
      %eq3A_1067 = arith.cmpi eq, %iota3A, %min3A_1062 : vector<16xi32>
      %jit3A = arith.constant -3.000000e+38 : f32
      %broadcast_in_dim3A_1068 = vector.broadcast %jit3A : f32 to vector<16xf32>
      %select_n3A_1069 = arith.select %eq3A_1067, %broadcast_in_dim3A_1068, %gather3A_1056 : vector<16xi1>, vector<16xf32>
      %mul3A_1070 = arith.constant 16 : i32
      %mul3A_1071 = vector.broadcast %mul3A_1070 : i32 to vector<16xi32>
      %mul3A_1072 = arith.muli %add3A_1051, %mul3A_1071 : vector<16xi32>
      %add3A_1073 = arith.addi %mul3A_1072, %iota3A : vector<16xi32>
      tpu.vector_store_idx %arg8[%add3A_1073], %select_n3A_1069 : memref<20224xf32, #tpu.memory_space<vmem>>[vector<16xi32>], vector<16xf32>,
      %eq3A_1074 = arith.cmpi eq, %iota3A, %all_reduce_ffs3A_1044 : vector<16xi32>
      %reduce_max3A_1075 = arith.constant true
      %reduce_max3A_1076 = vector.broadcast %reduce_max3A_1075 : i1 to vector<16xi1>
      %reduce_max3A_1077 = tpu.scan <max>, %select_n3A_1069 masked %reduce_max3A_1076 : vector<16xf32>, vector<16xi1> -> vector<16xf32>
      %reduce_max3A_1078 = vector.extract %reduce_max3A_1077[15] : f32 from vector<16xf32>
      %broadcast_in_dim3A_1079 = vector.broadcast %reduce_max3A_1078 : f32 to vector<16xf32>
      %select_n3A_1080 = arith.select %eq3A_1074, %broadcast_in_dim3A_1079, %gather3A : vector<16xi1>, vector<16xf32>
      %mul3A_1081 = arith.constant 16 : i32
      %mul3A_1082 = vector.broadcast %mul3A_1081 : i32 to vector<16xi32>
      %mul3A_1083 = arith.muli %min3A_1037, %mul3A_1082 : vector<16xi32>
      %add3A_1084 = arith.addi %mul3A_1083, %iota3A : vector<16xi32>
      tpu.vector_store_idx %arg14[%add3A_1084], %select_n3A_1080 : memref<1264xf32, #tpu.memory_space<vmem>>[vector<16xi32>], vector<16xf32>,
      %jit3A_1085 = arith.constant 16 : i32
      %div3A = vector.broadcast %jit3A_1085 : i32 to vector<16xi32>
      %div3A_1086 = arith.divsi %min3A_1037, %div3A : vector<16xi32>
      %sign3A = arith.constant 0 : i32
      %sign3A_1087 = vector.broadcast %sign3A : i32 to vector<16xi32>
      %sign3A_1088 = arith.cmpi sgt, %min3A_1037, %sign3A_1087 : vector<16xi32>
      %sign3A_1089 = arith.extui %sign3A_1088 : vector<16xi1> to vector<16xi32>
      %sign3A_1090 = arith.constant 0 : i32
      %sign3A_1091 = vector.broadcast %sign3A_1090 : i32 to vector<16xi32>
      %sign3A_1092 = arith.cmpi slt, %min3A_1037, %sign3A_1091 : vector<16xi32>
      %sign3A_1093 = arith.extui %sign3A_1092 : vector<16xi1> to vector<16xi32>
      %sign3A_1094 = arith.subi %sign3A_1089, %sign3A_1093 : vector<16xi32>
      %sign3A_1095 = arith.constant 0 : i32
      %sign3A_1096 = arith.cmpi sgt, %jit3A_1085, %sign3A_1095 : i32
      %sign3A_1097 = arith.extui %sign3A_1096 : i1 to i32
      %sign3A_1098 = arith.constant 0 : i32
      %sign3A_1099 = arith.cmpi slt, %jit3A_1085, %sign3A_1098 : i32
      %sign3A_1100 = arith.extui %sign3A_1099 : i1 to i32
      %sign3A_1101 = arith.subi %sign3A_1097, %sign3A_1100 : i32
      %ne3A = vector.broadcast %sign3A_1101 : i32 to vector<16xi32>
      %ne3A_1102 = arith.cmpi ne, %sign3A_1094, %ne3A : vector<16xi32>
      %rem3A = vector.broadcast %jit3A_1085 : i32 to vector<16xi32>
      %rem3A_1103 = arith.remsi %min3A_1037, %rem3A : vector<16xi32>
      %ne3A_1104 = arith.constant 0 : i32
      %ne3A_1105 = vector.broadcast %ne3A_1104 : i32 to vector<16xi32>
      %ne3A_1106 = arith.cmpi ne, %rem3A_1103, %ne3A_1105 : vector<16xi32>
      %and3A = arith.andi %ne3A_1102, %ne3A_1106 : vector<16xi1>
      %sub3A = arith.constant 1 : i32
      %sub3A_1107 = vector.broadcast %sub3A : i32 to vector<16xi32>
      %sub3A_1108 = arith.subi %div3A_1086, %sub3A_1107 : vector<16xi32>
      %select_n3A_1109 = arith.select %and3A, %sub3A_1108, %div3A_1086 : vector<16xi1>, vector<16xi32>
      %mul3A_1110 = arith.constant 16 : i32
      %mul3A_1111 = vector.broadcast %mul3A_1110 : i32 to vector<16xi32>
      %mul3A_1112 = arith.muli %select_n3A_1109, %mul3A_1111 : vector<16xi32>
      %sub3A_1113 = arith.subi %min3A_1037, %mul3A_1112 : vector<16xi32>
      %mul3A_1114 = arith.constant 16 : i32
      %mul3A_1115 = vector.broadcast %mul3A_1114 : i32 to vector<16xi32>
      %mul3A_1116 = arith.muli %select_n3A_1109, %mul3A_1115 : vector<16xi32>
      %add3A_1117 = arith.addi %mul3A_1116, %iota3A : vector<16xi32>
      %gather3A_1118 = tpu.vector_load_idx %arg15[%add3A_1117] : memref<80xf32, #tpu.memory_space<vmem>>[vector<16xi32>], vector<16xf32>,
      %eq3A_1119 = arith.cmpi eq, %iota3A, %sub3A_1113 : vector<16xi32>
      %reduce_max3A_1120 = arith.constant true
      %reduce_max3A_1121 = vector.broadcast %reduce_max3A_1120 : i1 to vector<16xi1>
      %reduce_max3A_1122 = tpu.scan <max>, %select_n3A_1080 masked %reduce_max3A_1121 : vector<16xf32>, vector<16xi1> -> vector<16xf32>
      %reduce_max3A_1123 = vector.extract %reduce_max3A_1122[15] : f32 from vector<16xf32>
      %broadcast_in_dim3A_1124 = vector.broadcast %reduce_max3A_1123 : f32 to vector<16xf32>
      %select_n3A_1125 = arith.select %eq3A_1119, %broadcast_in_dim3A_1124, %gather3A_1118 : vector<16xi1>, vector<16xf32>
      %mul3A_1126 = arith.constant 16 : i32
      %mul3A_1127 = vector.broadcast %mul3A_1126 : i32 to vector<16xi32>
      %mul3A_1128 = arith.muli %select_n3A_1109, %mul3A_1127 : vector<16xi32>
      %add3A_1129 = arith.addi %mul3A_1128, %iota3A : vector<16xi32>
      tpu.vector_store_idx %arg15[%add3A_1129], %select_n3A_1125 : memref<80xf32, #tpu.memory_space<vmem>>[vector<16xi32>], vector<16xf32>,
      %gather3A_1130 = tpu.vector_load_idx %arg9[%add3A_1066] : memref<20000xf32, #tpu.memory_space<vmem>>[vector<16xi32>], vector<16xf32>,
      %gather3A_1131 = tpu.vector_load_idx %arg10[%add3A_1066] : memref<20000xf32, #tpu.memory_space<vmem>>[vector<16xi32>], vector<16xf32>,
      %gather3A_1132 = tpu.vector_load_idx %arg11[%add3A_1066] : memref<20000xf32, #tpu.memory_space<vmem>>[vector<16xi32>], vector<16xf32>,
      %gather3A_1133 = tpu.vector_load_idx %arg12[%add3A_1066] : memref<20000xf32, #tpu.memory_space<vmem>>[vector<16xi32>], vector<16xf32>,
      %gather3A_1134 = tpu.vector_load_idx %arg13[%add3A_1066] : memref<20000xi32, #tpu.memory_space<vmem>>[vector<16xi32>], vector<16xi32>,
      %while3A = arith.constant 0 : i32
      %while3A_1135:8 = scf.while (%while3A_1144 = %while3A, %while3A_1145 = %reduce_max3A_983, %while3A_1146 = %gt3A_984, %while3A_1147 = %gather3A_1130, %while3A_1148 = %gather3A_1131, %while3A_1149 = %gather3A_1132, %while3A_1150 = %gather3A_1133, %while3A_1151 = %gather3A_1134) : (i32, f32, i1, vector<16xf32>, vector<16xf32>, vector<16xf32>, vector<16xf32>, vector<16xi32>) -> (i32, f32, i1, vector<16xf32>, vector<16xf32>, vector<16xf32>, vector<16xf32>, vector<16xi32>) {
        %lt3A_1152 = arith.constant 300 : i32
        %lt3A_1153 = arith.cmpi slt, %while3A_1144, %lt3A_1152 : i32
        %and3A_1154 = arith.andi %lt3A_1153, %while3A_1146 : i1
        scf.condition(%and3A_1154) %while3A_1144, %while3A_1145, %while3A_1146, %while3A_1147, %while3A_1148, %while3A_1149, %while3A_1150, %while3A_1151 : i32, f32, i1, vector<16xf32>, vector<16xf32>, vector<16xf32>, vector<16xf32>, vector<16xi32>
      } do {
      ^bb0(%while3A_1144: i32, %while3A_1145: f32, %while3A_1146: i1, %while3A_1147: vector<16xf32>, %while3A_1148: vector<16xf32>, %while3A_1149: vector<16xf32>, %while3A_1150: vector<16xf32>, %while3A_1151: vector<16xi32>):
        %get3A_1152 = arith.constant 0 : index
        %get3A_1153 = tpu.vector_load %arg15[%get3A_1152] {strides = array<i32>} : memref<80xf32, #tpu.memory_space<vmem>>, vector<16xf32>,
        %get3A_1154 = arith.constant 16 : index
        %get3A_1155 = tpu.vector_load %arg15[%get3A_1154] {strides = array<i32>} : memref<80xf32, #tpu.memory_space<vmem>>, vector<16xf32>,
        %get3A_1156 = arith.constant 32 : index
        %get3A_1157 = tpu.vector_load %arg15[%get3A_1156] {strides = array<i32>} : memref<80xf32, #tpu.memory_space<vmem>>, vector<16xf32>,
        %get3A_1158 = arith.constant 48 : index
        %get3A_1159 = tpu.vector_load %arg15[%get3A_1158] {strides = array<i32>} : memref<80xf32, #tpu.memory_space<vmem>>, vector<16xf32>,
        %get3A_1160 = arith.constant 64 : index
        %get3A_1161 = tpu.vector_load %arg15[%get3A_1160] {strides = array<i32>} : memref<80xf32, #tpu.memory_space<vmem>>, vector<16xf32>,
        %max3A_1162 = arith.maximumf %get3A_1153, %get3A_1155 : vector<16xf32>
        %max3A_1163 = arith.maximumf %max3A_1162, %get3A_1157 : vector<16xf32>
        %max3A_1164 = arith.maximumf %max3A_1163, %get3A_1159 : vector<16xf32>
        %max3A_1165 = arith.maximumf %max3A_1164, %get3A_1161 : vector<16xf32>
        %reduce_max3A_1166 = arith.constant true
        %reduce_max3A_1167 = vector.broadcast %reduce_max3A_1166 : i1 to vector<16xi1>
        %reduce_max3A_1168 = tpu.scan <max>, %max3A_1165 masked %reduce_max3A_1167 : vector<16xf32>, vector<16xi1> -> vector<16xf32>
        %reduce_max3A_1169 = vector.extract %reduce_max3A_1168[15] : f32 from vector<16xf32>
        %gt3A_1170 = arith.constant 5.000000e-02 : f32
        %gt3A_1171 = arith.cmpf ogt, %reduce_max3A_1169, %gt3A_1170 : f32
        %broadcast_in_dim3A_1172 = arith.constant 1073741824 : i32
        %broadcast_in_dim3A_1173 = vector.broadcast %broadcast_in_dim3A_1172 : i32 to vector<16xi32>
        %eq3A_1174 = vector.broadcast %reduce_max3A_1169 : f32 to vector<16xf32>
        %eq3A_1175 = arith.cmpf oeq, %get3A_1161, %eq3A_1174 : vector<16xf32>
        %all_reduce_ffs3A_1176 = tpu.all_reduce %eq3A_1175 {dim = 0 : i64, kind = #tpu.reduction_kind<find_first_set>} : vector<16xi1> -> vector<16xi32>
        %lt3A_1177 = arith.constant 16 : i32
        %lt3A_1178 = vector.broadcast %lt3A_1177 : i32 to vector<16xi32>
        %lt3A_1179 = arith.cmpi slt, %all_reduce_ffs3A_1176, %lt3A_1178 : vector<16xi32>
        %add3A_1180 = arith.constant 64 : i32
        %add3A_1181 = vector.broadcast %add3A_1180 : i32 to vector<16xi32>
        %add3A_1182 = arith.addi %all_reduce_ffs3A_1176, %add3A_1181 : vector<16xi32>
        %select_n3A_1183 = arith.select %lt3A_1179, %add3A_1182, %broadcast_in_dim3A_1173 : vector<16xi1>, vector<16xi32>
        %eq3A_1184 = vector.broadcast %reduce_max3A_1169 : f32 to vector<16xf32>
        %eq3A_1185 = arith.cmpf oeq, %get3A_1159, %eq3A_1184 : vector<16xf32>
        %all_reduce_ffs3A_1186 = tpu.all_reduce %eq3A_1185 {dim = 0 : i64, kind = #tpu.reduction_kind<find_first_set>} : vector<16xi1> -> vector<16xi32>
        %lt3A_1187 = arith.constant 16 : i32
        %lt3A_1188 = vector.broadcast %lt3A_1187 : i32 to vector<16xi32>
        %lt3A_1189 = arith.cmpi slt, %all_reduce_ffs3A_1186, %lt3A_1188 : vector<16xi32>
        %add3A_1190 = arith.constant 48 : i32
        %add3A_1191 = vector.broadcast %add3A_1190 : i32 to vector<16xi32>
        %add3A_1192 = arith.addi %all_reduce_ffs3A_1186, %add3A_1191 : vector<16xi32>
        %select_n3A_1193 = arith.select %lt3A_1189, %add3A_1192, %select_n3A_1183 : vector<16xi1>, vector<16xi32>
        %eq3A_1194 = vector.broadcast %reduce_max3A_1169 : f32 to vector<16xf32>
        %eq3A_1195 = arith.cmpf oeq, %get3A_1157, %eq3A_1194 : vector<16xf32>
        %all_reduce_ffs3A_1196 = tpu.all_reduce %eq3A_1195 {dim = 0 : i64, kind = #tpu.reduction_kind<find_first_set>} : vector<16xi1> -> vector<16xi32>
        %lt3A_1197 = arith.constant 16 : i32
        %lt3A_1198 = vector.broadcast %lt3A_1197 : i32 to vector<16xi32>
        %lt3A_1199 = arith.cmpi slt, %all_reduce_ffs3A_1196, %lt3A_1198 : vector<16xi32>
        %add3A_1200 = arith.constant 32 : i32
        %add3A_1201 = vector.broadcast %add3A_1200 : i32 to vector<16xi32>
        %add3A_1202 = arith.addi %all_reduce_ffs3A_1196, %add3A_1201 : vector<16xi32>
        %select_n3A_1203 = arith.select %lt3A_1199, %add3A_1202, %select_n3A_1193 : vector<16xi1>, vector<16xi32>
        %eq3A_1204 = vector.broadcast %reduce_max3A_1169 : f32 to vector<16xf32>
        %eq3A_1205 = arith.cmpf oeq, %get3A_1155, %eq3A_1204 : vector<16xf32>
        %all_reduce_ffs3A_1206 = tpu.all_reduce %eq3A_1205 {dim = 0 : i64, kind = #tpu.reduction_kind<find_first_set>} : vector<16xi1> -> vector<16xi32>
        %lt3A_1207 = arith.constant 16 : i32
        %lt3A_1208 = vector.broadcast %lt3A_1207 : i32 to vector<16xi32>
        %lt3A_1209 = arith.cmpi slt, %all_reduce_ffs3A_1206, %lt3A_1208 : vector<16xi32>
        %add3A_1210 = arith.constant 16 : i32
        %add3A_1211 = vector.broadcast %add3A_1210 : i32 to vector<16xi32>
        %add3A_1212 = arith.addi %all_reduce_ffs3A_1206, %add3A_1211 : vector<16xi32>
        %select_n3A_1213 = arith.select %lt3A_1209, %add3A_1212, %select_n3A_1203 : vector<16xi1>, vector<16xi32>
        %eq3A_1214 = vector.broadcast %reduce_max3A_1169 : f32 to vector<16xf32>
        %eq3A_1215 = arith.cmpf oeq, %get3A_1153, %eq3A_1214 : vector<16xf32>
        %all_reduce_ffs3A_1216 = tpu.all_reduce %eq3A_1215 {dim = 0 : i64, kind = #tpu.reduction_kind<find_first_set>} : vector<16xi1> -> vector<16xi32>
        %lt3A_1217 = arith.constant 16 : i32
        %lt3A_1218 = vector.broadcast %lt3A_1217 : i32 to vector<16xi32>
        %lt3A_1219 = arith.cmpi slt, %all_reduce_ffs3A_1216, %lt3A_1218 : vector<16xi32>
        %add3A_1220 = arith.constant 0 : i32
        %add3A_1221 = vector.broadcast %add3A_1220 : i32 to vector<16xi32>
        %add3A_1222 = arith.addi %all_reduce_ffs3A_1216, %add3A_1221 : vector<16xi32>
        %select_n3A_1223 = arith.select %lt3A_1219, %add3A_1222, %select_n3A_1213 : vector<16xi1>, vector<16xi32>
        %min3A_1224 = arith.constant 78 : i32
        %min3A_1225 = vector.broadcast %min3A_1224 : i32 to vector<16xi32>
        %min3A_1226 = arith.minsi %select_n3A_1223, %min3A_1225 : vector<16xi32>
        %mul3A_1227 = arith.constant 16 : i32
        %mul3A_1228 = vector.broadcast %mul3A_1227 : i32 to vector<16xi32>
        %mul3A_1229 = arith.muli %min3A_1226, %mul3A_1228 : vector<16xi32>
        %add3A_1230 = arith.addi %mul3A_1229, %iota3A : vector<16xi32>
        %gather3A_1231 = tpu.vector_load_idx %arg14[%add3A_1230] : memref<1264xf32, #tpu.memory_space<vmem>>[vector<16xi32>], vector<16xf32>,
        %eq3A_1232 = vector.broadcast %reduce_max3A_1169 : f32 to vector<16xf32>
        %eq3A_1233 = arith.cmpf oeq, %gather3A_1231, %eq3A_1232 : vector<16xf32>
        %all_reduce_ffs3A_1234 = tpu.all_reduce %eq3A_1233 {dim = 0 : i64, kind = #tpu.reduction_kind<find_first_set>} : vector<16xi1> -> vector<16xi32>
        %mul3A_1235 = arith.constant 16 : i32
        %mul3A_1236 = vector.broadcast %mul3A_1235 : i32 to vector<16xi32>
        %mul3A_1237 = arith.muli %min3A_1226, %mul3A_1236 : vector<16xi32>
        %min3A_1238 = arith.constant 15 : i32
        %min3A_1239 = vector.broadcast %min3A_1238 : i32 to vector<16xi32>
        %min3A_1240 = arith.minsi %all_reduce_ffs3A_1234, %min3A_1239 : vector<16xi32>
        %add3A_1241 = arith.addi %mul3A_1237, %min3A_1240 : vector<16xi32>
        %mul3A_1242 = arith.constant 16 : i32
        %mul3A_1243 = vector.broadcast %mul3A_1242 : i32 to vector<16xi32>
        %mul3A_1244 = arith.muli %add3A_1241, %mul3A_1243 : vector<16xi32>
        %add3A_1245 = arith.addi %mul3A_1244, %iota3A : vector<16xi32>
        %gather3A_1246 = tpu.vector_load_idx %arg8[%add3A_1245] : memref<20224xf32, #tpu.memory_space<vmem>>[vector<16xi32>], vector<16xf32>,
        %eq3A_1247 = vector.broadcast %reduce_max3A_1169 : f32 to vector<16xf32>
        %eq3A_1248 = arith.cmpf oeq, %gather3A_1246, %eq3A_1247 : vector<16xf32>
        %all_reduce_ffs3A_1249 = tpu.all_reduce %eq3A_1248 {dim = 0 : i64, kind = #tpu.reduction_kind<find_first_set>} : vector<16xi1> -> vector<16xi32>
        %min3A_1250 = arith.constant 15 : i32
        %min3A_1251 = vector.broadcast %min3A_1250 : i32 to vector<16xi32>
        %min3A_1252 = arith.minsi %all_reduce_ffs3A_1249, %min3A_1251 : vector<16xi32>
        %mul3A_1253 = arith.constant 16 : i32
        %mul3A_1254 = vector.broadcast %mul3A_1253 : i32 to vector<16xi32>
        %mul3A_1255 = arith.muli %add3A_1241, %mul3A_1254 : vector<16xi32>
        %add3A_1256 = arith.addi %mul3A_1255, %min3A_1252 : vector<16xi32>
        %eq3A_1257 = arith.cmpi eq, %iota3A, %min3A_1252 : vector<16xi32>
        %jit3A_1258 = arith.constant -3.000000e+38 : f32
        %broadcast_in_dim3A_1259 = vector.broadcast %jit3A_1258 : f32 to vector<16xf32>
        %select_n3A_1260 = arith.select %eq3A_1257, %broadcast_in_dim3A_1259, %gather3A_1246 : vector<16xi1>, vector<16xf32>
        %mul3A_1261 = arith.constant 16 : i32
        %mul3A_1262 = vector.broadcast %mul3A_1261 : i32 to vector<16xi32>
        %mul3A_1263 = arith.muli %add3A_1241, %mul3A_1262 : vector<16xi32>
        %add3A_1264 = arith.addi %mul3A_1263, %iota3A : vector<16xi32>
        tpu.vector_store_idx %arg8[%add3A_1264], %select_n3A_1260 : memref<20224xf32, #tpu.memory_space<vmem>>[vector<16xi32>], vector<16xf32>,
        %eq3A_1265 = arith.cmpi eq, %iota3A, %all_reduce_ffs3A_1234 : vector<16xi32>
        %reduce_max3A_1266 = arith.constant true
        %reduce_max3A_1267 = vector.broadcast %reduce_max3A_1266 : i1 to vector<16xi1>
        %reduce_max3A_1268 = tpu.scan <max>, %select_n3A_1260 masked %reduce_max3A_1267 : vector<16xf32>, vector<16xi1> -> vector<16xf32>
        %reduce_max3A_1269 = vector.extract %reduce_max3A_1268[15] : f32 from vector<16xf32>
        %broadcast_in_dim3A_1270 = vector.broadcast %reduce_max3A_1269 : f32 to vector<16xf32>
        %select_n3A_1271 = arith.select %eq3A_1265, %broadcast_in_dim3A_1270, %gather3A_1231 : vector<16xi1>, vector<16xf32>
        %mul3A_1272 = arith.constant 16 : i32
        %mul3A_1273 = vector.broadcast %mul3A_1272 : i32 to vector<16xi32>
        %mul3A_1274 = arith.muli %min3A_1226, %mul3A_1273 : vector<16xi32>
        %add3A_1275 = arith.addi %mul3A_1274, %iota3A : vector<16xi32>
        tpu.vector_store_idx %arg14[%add3A_1275], %select_n3A_1271 : memref<1264xf32, #tpu.memory_space<vmem>>[vector<16xi32>], vector<16xf32>,
        %jit3A_1276 = arith.constant 16 : i32
        %div3A_1277 = vector.broadcast %jit3A_1276 : i32 to vector<16xi32>
        %div3A_1278 = arith.divsi %min3A_1226, %div3A_1277 : vector<16xi32>
        %sign3A_1279 = arith.constant 0 : i32
        %sign3A_1280 = vector.broadcast %sign3A_1279 : i32 to vector<16xi32>
        %sign3A_1281 = arith.cmpi sgt, %min3A_1226, %sign3A_1280 : vector<16xi32>
        %sign3A_1282 = arith.extui %sign3A_1281 : vector<16xi1> to vector<16xi32>
        %sign3A_1283 = arith.constant 0 : i32
        %sign3A_1284 = vector.broadcast %sign3A_1283 : i32 to vector<16xi32>
        %sign3A_1285 = arith.cmpi slt, %min3A_1226, %sign3A_1284 : vector<16xi32>
        %sign3A_1286 = arith.extui %sign3A_1285 : vector<16xi1> to vector<16xi32>
        %sign3A_1287 = arith.subi %sign3A_1282, %sign3A_1286 : vector<16xi32>
        %sign3A_1288 = arith.constant 0 : i32
        %sign3A_1289 = arith.cmpi sgt, %jit3A_1276, %sign3A_1288 : i32
        %sign3A_1290 = arith.extui %sign3A_1289 : i1 to i32
        %sign3A_1291 = arith.constant 0 : i32
        %sign3A_1292 = arith.cmpi slt, %jit3A_1276, %sign3A_1291 : i32
        %sign3A_1293 = arith.extui %sign3A_1292 : i1 to i32
        %sign3A_1294 = arith.subi %sign3A_1290, %sign3A_1293 : i32
        %ne3A_1295 = vector.broadcast %sign3A_1294 : i32 to vector<16xi32>
        %ne3A_1296 = arith.cmpi ne, %sign3A_1287, %ne3A_1295 : vector<16xi32>
        %rem3A_1297 = vector.broadcast %jit3A_1276 : i32 to vector<16xi32>
        %rem3A_1298 = arith.remsi %min3A_1226, %rem3A_1297 : vector<16xi32>
        %ne3A_1299 = arith.constant 0 : i32
        %ne3A_1300 = vector.broadcast %ne3A_1299 : i32 to vector<16xi32>
        %ne3A_1301 = arith.cmpi ne, %rem3A_1298, %ne3A_1300 : vector<16xi32>
        %and3A_1302 = arith.andi %ne3A_1296, %ne3A_1301 : vector<16xi1>
        %sub3A_1303 = arith.constant 1 : i32
        %sub3A_1304 = vector.broadcast %sub3A_1303 : i32 to vector<16xi32>
        %sub3A_1305 = arith.subi %div3A_1278, %sub3A_1304 : vector<16xi32>
        %select_n3A_1306 = arith.select %and3A_1302, %sub3A_1305, %div3A_1278 : vector<16xi1>, vector<16xi32>
        %mul3A_1307 = arith.constant 16 : i32
        %mul3A_1308 = vector.broadcast %mul3A_1307 : i32 to vector<16xi32>
        %mul3A_1309 = arith.muli %select_n3A_1306, %mul3A_1308 : vector<16xi32>
        %sub3A_1310 = arith.subi %min3A_1226, %mul3A_1309 : vector<16xi32>
        %mul3A_1311 = arith.constant 16 : i32
        %mul3A_1312 = vector.broadcast %mul3A_1311 : i32 to vector<16xi32>
        %mul3A_1313 = arith.muli %select_n3A_1306, %mul3A_1312 : vector<16xi32>
        %add3A_1314 = arith.addi %mul3A_1313, %iota3A : vector<16xi32>
        %gather3A_1315 = tpu.vector_load_idx %arg15[%add3A_1314] : memref<80xf32, #tpu.memory_space<vmem>>[vector<16xi32>], vector<16xf32>,
        %eq3A_1316 = arith.cmpi eq, %iota3A, %sub3A_1310 : vector<16xi32>
        %reduce_max3A_1317 = arith.constant true
        %reduce_max3A_1318 = vector.broadcast %reduce_max3A_1317 : i1 to vector<16xi1>
        %reduce_max3A_1319 = tpu.scan <max>, %select_n3A_1271 masked %reduce_max3A_1318 : vector<16xf32>, vector<16xi1> -> vector<16xf32>
        %reduce_max3A_1320 = vector.extract %reduce_max3A_1319[15] : f32 from vector<16xf32>
        %broadcast_in_dim3A_1321 = vector.broadcast %reduce_max3A_1320 : f32 to vector<16xf32>
        %select_n3A_1322 = arith.select %eq3A_1316, %broadcast_in_dim3A_1321, %gather3A_1315 : vector<16xi1>, vector<16xf32>
        %mul3A_1323 = arith.constant 16 : i32
        %mul3A_1324 = vector.broadcast %mul3A_1323 : i32 to vector<16xi32>
        %mul3A_1325 = arith.muli %select_n3A_1306, %mul3A_1324 : vector<16xi32>
        %add3A_1326 = arith.addi %mul3A_1325, %iota3A : vector<16xi32>
        tpu.vector_store_idx %arg15[%add3A_1326], %select_n3A_1322 : memref<80xf32, #tpu.memory_space<vmem>>[vector<16xi32>], vector<16xf32>,
        %gather3A_1327 = tpu.vector_load_idx %arg9[%add3A_1256] : memref<20000xf32, #tpu.memory_space<vmem>>[vector<16xi32>], vector<16xf32>,
        %gather3A_1328 = tpu.vector_load_idx %arg10[%add3A_1256] : memref<20000xf32, #tpu.memory_space<vmem>>[vector<16xi32>], vector<16xf32>,
        %gather3A_1329 = tpu.vector_load_idx %arg11[%add3A_1256] : memref<20000xf32, #tpu.memory_space<vmem>>[vector<16xi32>], vector<16xf32>,
        %gather3A_1330 = tpu.vector_load_idx %arg12[%add3A_1256] : memref<20000xf32, #tpu.memory_space<vmem>>[vector<16xi32>], vector<16xf32>,
        %gather3A_1331 = tpu.vector_load_idx %arg13[%add3A_1256] : memref<20000xi32, #tpu.memory_space<vmem>>[vector<16xi32>], vector<16xi32>,
        %sub3A_1332 = arith.subf %while3A_1149, %while3A_1147 : vector<16xf32>
        %sub3A_1333 = arith.subf %while3A_1150, %while3A_1148 : vector<16xf32>
        %mul3A_1334 = arith.mulf %sub3A_1332, %sub3A_1333 : vector<16xf32>
        %add3A_1335 = arith.constant 31 : i32
        %add3A_1336 = arith.addi %while3A_1144, %add3A_1335 : i32
        %jit3A_1337 = arith.constant 32 : i32
        %div3A_1338 = arith.divsi %add3A_1336, %jit3A_1337 : i32
        %sign3A_1339 = arith.constant 0 : i32
        %sign3A_1340 = arith.cmpi sgt, %add3A_1336, %sign3A_1339 : i32
        %sign3A_1341 = arith.extui %sign3A_1340 : i1 to i32
        %sign3A_1342 = arith.constant 0 : i32
        %sign3A_1343 = arith.cmpi slt, %add3A_1336, %sign3A_1342 : i32
        %sign3A_1344 = arith.extui %sign3A_1343 : i1 to i32
        %sign3A_1345 = arith.subi %sign3A_1341, %sign3A_1344 : i32
        %sign3A_1346 = arith.constant 0 : i32
        %sign3A_1347 = arith.cmpi sgt, %jit3A_1337, %sign3A_1346 : i32
        %sign3A_1348 = arith.extui %sign3A_1347 : i1 to i32
        %sign3A_1349 = arith.constant 0 : i32
        %sign3A_1350 = arith.cmpi slt, %jit3A_1337, %sign3A_1349 : i32
        %sign3A_1351 = arith.extui %sign3A_1350 : i1 to i32
        %sign3A_1352 = arith.subi %sign3A_1348, %sign3A_1351 : i32
        %ne3A_1353 = arith.cmpi ne, %sign3A_1345, %sign3A_1352 : i32
        %rem3A_1354 = arith.remsi %add3A_1336, %jit3A_1337 : i32
        %ne3A_1355 = arith.constant 0 : i32
        %ne3A_1356 = arith.cmpi ne, %rem3A_1354, %ne3A_1355 : i32
        %and3A_1357 = arith.andi %ne3A_1353, %ne3A_1356 : i1
        %sub3A_1358 = arith.constant 1 : i32
        %sub3A_1359 = arith.subi %div3A_1338, %sub3A_1358 : i32
        %select_n3A_1360 = arith.select %and3A_1357, %sub3A_1359, %div3A_1338 : i32
        %lt3A_1361 = arith.constant 0 : i32
        %lt3A_1362 = vector.broadcast %lt3A_1361 : i32 to vector<16xi32>
        %lt3A_1363 = arith.cmpi slt, %iota3A, %lt3A_1362 : vector<16xi32>
        %while3A_1364 = arith.constant 0 : i32
        %while3A_1365 = arith.subi %select_n3A_1360, %while3A_1364 : i32
        %while3A_1366 = arith.addi %while3A_1364, %while3A_1365 : i32
        %while3A_1367 = arith.constant 1 : i32
        %while3A_1368 = arith.divsi %while3A_1365, %while3A_1367 : i32
        %while3A_1369 = arith.muli %while3A_1368, %while3A_1367 : i32
        %while3A_1370 = arith.addi %while3A_1364, %while3A_1369 : i32
        %while3A_1371 = arith.constant 1 : i32
        %while3A_1372 = scf.for %while3A_1392 = %while3A_1364 to %while3A_1370 step %while3A_1371 iter_args(%while3A_1393 = %lt3A_1363) -> (vector<16xi1>)  : i32 {
          %mul3A_1394 = arith.constant 2 : i32
          %mul3A_1395 = arith.muli %while3A_1392, %mul3A_1394 : i32
          %add3A_1396 = arith.constant 0 : i32
          %add3A_1397 = arith.addi %mul3A_1395, %add3A_1396 : i32
          %mul3A_1398 = arith.constant 16 : i32
          %mul3A_1399 = arith.muli %add3A_1397, %mul3A_1398 : i32
          %get3A_1400 = arith.index_cast %mul3A_1399 : i32 to index
          %get3A_1401 = tpu.vector_load %arg16[%get3A_1400] {strides = array<i32>} : memref<320xf32, #tpu.memory_space<vmem>>, vector<16xf32>,
          %mul3A_1402 = arith.constant 16 : i32
          %mul3A_1403 = arith.muli %add3A_1397, %mul3A_1402 : i32
          %get3A_1404 = arith.index_cast %mul3A_1403 : i32 to index
          %get3A_1405 = tpu.vector_load %arg17[%get3A_1404] {strides = array<i32>} : memref<320xf32, #tpu.memory_space<vmem>>, vector<16xf32>,
          %mul3A_1406 = arith.constant 16 : i32
          %mul3A_1407 = arith.muli %add3A_1397, %mul3A_1406 : i32
          %get3A_1408 = arith.index_cast %mul3A_1407 : i32 to index
          %get3A_1409 = tpu.vector_load %arg18[%get3A_1408] {strides = array<i32>} : memref<320xf32, #tpu.memory_space<vmem>>, vector<16xf32>,
          %mul3A_1410 = arith.constant 16 : i32
          %mul3A_1411 = arith.muli %add3A_1397, %mul3A_1410 : i32
          %get3A_1412 = arith.index_cast %mul3A_1411 : i32 to index
          %get3A_1413 = tpu.vector_load %arg19[%get3A_1412] {strides = array<i32>} : memref<320xf32, #tpu.memory_space<vmem>>, vector<16xf32>,
          %sub3A_1414 = arith.subf %get3A_1409, %get3A_1401 : vector<16xf32>
          %sub3A_1415 = arith.subf %get3A_1413, %get3A_1405 : vector<16xf32>
          %mul3A_1416 = arith.mulf %sub3A_1414, %sub3A_1415 : vector<16xf32>
          %max3A_1417 = arith.maximumf %while3A_1147, %get3A_1401 : vector<16xf32>
          %max3A_1418 = arith.maximumf %while3A_1148, %get3A_1405 : vector<16xf32>
          %min3A_1419 = arith.minimumf %while3A_1149, %get3A_1409 : vector<16xf32>
          %min3A_1420 = arith.minimumf %while3A_1150, %get3A_1413 : vector<16xf32>
          %sub3A_1421 = arith.subf %min3A_1419, %max3A_1417 : vector<16xf32>
          %max3A_1422 = arith.constant 0.000000e+00 : f32
          %max3A_1423 = vector.broadcast %max3A_1422 : f32 to vector<16xf32>
          %max3A_1424 = arith.maximumf %max3A_1423, %sub3A_1421 : vector<16xf32>
          %sub3A_1425 = arith.subf %min3A_1420, %max3A_1418 : vector<16xf32>
          %max3A_1426 = arith.constant 0.000000e+00 : f32
          %max3A_1427 = vector.broadcast %max3A_1426 : f32 to vector<16xf32>
          %max3A_1428 = arith.maximumf %max3A_1427, %sub3A_1425 : vector<16xf32>
          %mul3A_1429 = arith.mulf %max3A_1424, %max3A_1428 : vector<16xf32>
          %add3A_1430 = arith.addf %mul3A_1416, %mul3A_1334 : vector<16xf32>
          %sub3A_1431 = arith.subf %add3A_1430, %mul3A_1429 : vector<16xf32>
          %add3A_1432 = arith.constant 9.99999996E-13 : f32
          %add3A_1433 = vector.broadcast %add3A_1432 : f32 to vector<16xf32>
          %add3A_1434 = arith.addf %sub3A_1431, %add3A_1433 : vector<16xf32>
          %div3A_1435 = arith.divf %mul3A_1429, %add3A_1434 : vector<16xf32>
          %gt3A_1436 = arith.constant 5.000000e-01 : f32
          %gt3A_1437 = vector.broadcast %gt3A_1436 : f32 to vector<16xf32>
          %gt3A_1438 = arith.cmpf ogt, %div3A_1435, %gt3A_1437 : vector<16xf32>
          %or3A = arith.ori %while3A_1393, %gt3A_1438 : vector<16xi1>
          %mul3A_1439 = arith.constant 2 : i32
          %mul3A_1440 = arith.muli %while3A_1392, %mul3A_1439 : i32
          %add3A_1441 = arith.constant 1 : i32
          %add3A_1442 = arith.addi %mul3A_1440, %add3A_1441 : i32
          %mul3A_1443 = arith.constant 16 : i32
          %mul3A_1444 = arith.muli %add3A_1442, %mul3A_1443 : i32
          %get3A_1445 = arith.index_cast %mul3A_1444 : i32 to index
          %get3A_1446 = tpu.vector_load %arg16[%get3A_1445] {strides = array<i32>} : memref<320xf32, #tpu.memory_space<vmem>>, vector<16xf32>,
          %mul3A_1447 = arith.constant 16 : i32
          %mul3A_1448 = arith.muli %add3A_1442, %mul3A_1447 : i32
          %get3A_1449 = arith.index_cast %mul3A_1448 : i32 to index
          %get3A_1450 = tpu.vector_load %arg17[%get3A_1449] {strides = array<i32>} : memref<320xf32, #tpu.memory_space<vmem>>, vector<16xf32>,
          %mul3A_1451 = arith.constant 16 : i32
          %mul3A_1452 = arith.muli %add3A_1442, %mul3A_1451 : i32
          %get3A_1453 = arith.index_cast %mul3A_1452 : i32 to index
          %get3A_1454 = tpu.vector_load %arg18[%get3A_1453] {strides = array<i32>} : memref<320xf32, #tpu.memory_space<vmem>>, vector<16xf32>,
          %mul3A_1455 = arith.constant 16 : i32
          %mul3A_1456 = arith.muli %add3A_1442, %mul3A_1455 : i32
          %get3A_1457 = arith.index_cast %mul3A_1456 : i32 to index
          %get3A_1458 = tpu.vector_load %arg19[%get3A_1457] {strides = array<i32>} : memref<320xf32, #tpu.memory_space<vmem>>, vector<16xf32>,
          %sub3A_1459 = arith.subf %get3A_1454, %get3A_1446 : vector<16xf32>
          %sub3A_1460 = arith.subf %get3A_1458, %get3A_1450 : vector<16xf32>
          %mul3A_1461 = arith.mulf %sub3A_1459, %sub3A_1460 : vector<16xf32>
          %max3A_1462 = arith.maximumf %while3A_1147, %get3A_1446 : vector<16xf32>
          %max3A_1463 = arith.maximumf %while3A_1148, %get3A_1450 : vector<16xf32>
          %min3A_1464 = arith.minimumf %while3A_1149, %get3A_1454 : vector<16xf32>
          %min3A_1465 = arith.minimumf %while3A_1150, %get3A_1458 : vector<16xf32>
          %sub3A_1466 = arith.subf %min3A_1464, %max3A_1462 : vector<16xf32>
          %max3A_1467 = arith.constant 0.000000e+00 : f32
          %max3A_1468 = vector.broadcast %max3A_1467 : f32 to vector<16xf32>
          %max3A_1469 = arith.maximumf %max3A_1468, %sub3A_1466 : vector<16xf32>
          %sub3A_1470 = arith.subf %min3A_1465, %max3A_1463 : vector<16xf32>
          %max3A_1471 = arith.constant 0.000000e+00 : f32
          %max3A_1472 = vector.broadcast %max3A_1471 : f32 to vector<16xf32>
          %max3A_1473 = arith.maximumf %max3A_1472, %sub3A_1470 : vector<16xf32>
          %mul3A_1474 = arith.mulf %max3A_1469, %max3A_1473 : vector<16xf32>
          %add3A_1475 = arith.addf %mul3A_1461, %mul3A_1334 : vector<16xf32>
          %sub3A_1476 = arith.subf %add3A_1475, %mul3A_1474 : vector<16xf32>
          %add3A_1477 = arith.constant 9.99999996E-13 : f32
          %add3A_1478 = vector.broadcast %add3A_1477 : f32 to vector<16xf32>
          %add3A_1479 = arith.addf %sub3A_1476, %add3A_1478 : vector<16xf32>
          %div3A_1480 = arith.divf %mul3A_1474, %add3A_1479 : vector<16xf32>
          %gt3A_1481 = arith.constant 5.000000e-01 : f32
          %gt3A_1482 = vector.broadcast %gt3A_1481 : f32 to vector<16xf32>
          %gt3A_1483 = arith.cmpf ogt, %div3A_1480, %gt3A_1482 : vector<16xf32>
          %or3A_1484 = arith.ori %or3A, %gt3A_1483 : vector<16xi1>
          scf.yield %or3A_1484 : vector<16xi1>
        }
        %while3A_1373 = arith.constant 1 : i32
        %while3A_1374 = scf.for %while3A_1392 = %while3A_1370 to %while3A_1366 step %while3A_1373 iter_args(%while3A_1393 = %while3A_1372) -> (vector<16xi1>)  : i32 {
          %mul3A_1394 = arith.constant 2 : i32
          %mul3A_1395 = arith.muli %while3A_1392, %mul3A_1394 : i32
          %add3A_1396 = arith.constant 0 : i32
          %add3A_1397 = arith.addi %mul3A_1395, %add3A_1396 : i32
          %mul3A_1398 = arith.constant 16 : i32
          %mul3A_1399 = arith.muli %add3A_1397, %mul3A_1398 : i32
          %get3A_1400 = arith.index_cast %mul3A_1399 : i32 to index
          %get3A_1401 = tpu.vector_load %arg16[%get3A_1400] {strides = array<i32>} : memref<320xf32, #tpu.memory_space<vmem>>, vector<16xf32>,
          %mul3A_1402 = arith.constant 16 : i32
          %mul3A_1403 = arith.muli %add3A_1397, %mul3A_1402 : i32
          %get3A_1404 = arith.index_cast %mul3A_1403 : i32 to index
          %get3A_1405 = tpu.vector_load %arg17[%get3A_1404] {strides = array<i32>} : memref<320xf32, #tpu.memory_space<vmem>>, vector<16xf32>,
          %mul3A_1406 = arith.constant 16 : i32
          %mul3A_1407 = arith.muli %add3A_1397, %mul3A_1406 : i32
          %get3A_1408 = arith.index_cast %mul3A_1407 : i32 to index
          %get3A_1409 = tpu.vector_load %arg18[%get3A_1408] {strides = array<i32>} : memref<320xf32, #tpu.memory_space<vmem>>, vector<16xf32>,
          %mul3A_1410 = arith.constant 16 : i32
          %mul3A_1411 = arith.muli %add3A_1397, %mul3A_1410 : i32
          %get3A_1412 = arith.index_cast %mul3A_1411 : i32 to index
          %get3A_1413 = tpu.vector_load %arg19[%get3A_1412] {strides = array<i32>} : memref<320xf32, #tpu.memory_space<vmem>>, vector<16xf32>,
          %sub3A_1414 = arith.subf %get3A_1409, %get3A_1401 : vector<16xf32>
          %sub3A_1415 = arith.subf %get3A_1413, %get3A_1405 : vector<16xf32>
          %mul3A_1416 = arith.mulf %sub3A_1414, %sub3A_1415 : vector<16xf32>
          %max3A_1417 = arith.maximumf %while3A_1147, %get3A_1401 : vector<16xf32>
          %max3A_1418 = arith.maximumf %while3A_1148, %get3A_1405 : vector<16xf32>
          %min3A_1419 = arith.minimumf %while3A_1149, %get3A_1409 : vector<16xf32>
          %min3A_1420 = arith.minimumf %while3A_1150, %get3A_1413 : vector<16xf32>
          %sub3A_1421 = arith.subf %min3A_1419, %max3A_1417 : vector<16xf32>
          %max3A_1422 = arith.constant 0.000000e+00 : f32
          %max3A_1423 = vector.broadcast %max3A_1422 : f32 to vector<16xf32>
          %max3A_1424 = arith.maximumf %max3A_1423, %sub3A_1421 : vector<16xf32>
          %sub3A_1425 = arith.subf %min3A_1420, %max3A_1418 : vector<16xf32>
          %max3A_1426 = arith.constant 0.000000e+00 : f32
          %max3A_1427 = vector.broadcast %max3A_1426 : f32 to vector<16xf32>
          %max3A_1428 = arith.maximumf %max3A_1427, %sub3A_1425 : vector<16xf32>
          %mul3A_1429 = arith.mulf %max3A_1424, %max3A_1428 : vector<16xf32>
          %add3A_1430 = arith.addf %mul3A_1416, %mul3A_1334 : vector<16xf32>
          %sub3A_1431 = arith.subf %add3A_1430, %mul3A_1429 : vector<16xf32>
          %add3A_1432 = arith.constant 9.99999996E-13 : f32
          %add3A_1433 = vector.broadcast %add3A_1432 : f32 to vector<16xf32>
          %add3A_1434 = arith.addf %sub3A_1431, %add3A_1433 : vector<16xf32>
          %div3A_1435 = arith.divf %mul3A_1429, %add3A_1434 : vector<16xf32>
          %gt3A_1436 = arith.constant 5.000000e-01 : f32
          %gt3A_1437 = vector.broadcast %gt3A_1436 : f32 to vector<16xf32>
          %gt3A_1438 = arith.cmpf ogt, %div3A_1435, %gt3A_1437 : vector<16xf32>
          %or3A = arith.ori %while3A_1393, %gt3A_1438 : vector<16xi1>
          %mul3A_1439 = arith.constant 2 : i32
          %mul3A_1440 = arith.muli %while3A_1392, %mul3A_1439 : i32
          %add3A_1441 = arith.constant 1 : i32
          %add3A_1442 = arith.addi %mul3A_1440, %add3A_1441 : i32
          %mul3A_1443 = arith.constant 16 : i32
          %mul3A_1444 = arith.muli %add3A_1442, %mul3A_1443 : i32
          %get3A_1445 = arith.index_cast %mul3A_1444 : i32 to index
          %get3A_1446 = tpu.vector_load %arg16[%get3A_1445] {strides = array<i32>} : memref<320xf32, #tpu.memory_space<vmem>>, vector<16xf32>,
          %mul3A_1447 = arith.constant 16 : i32
          %mul3A_1448 = arith.muli %add3A_1442, %mul3A_1447 : i32
          %get3A_1449 = arith.index_cast %mul3A_1448 : i32 to index
          %get3A_1450 = tpu.vector_load %arg17[%get3A_1449] {strides = array<i32>} : memref<320xf32, #tpu.memory_space<vmem>>, vector<16xf32>,
          %mul3A_1451 = arith.constant 16 : i32
          %mul3A_1452 = arith.muli %add3A_1442, %mul3A_1451 : i32
          %get3A_1453 = arith.index_cast %mul3A_1452 : i32 to index
          %get3A_1454 = tpu.vector_load %arg18[%get3A_1453] {strides = array<i32>} : memref<320xf32, #tpu.memory_space<vmem>>, vector<16xf32>,
          %mul3A_1455 = arith.constant 16 : i32
          %mul3A_1456 = arith.muli %add3A_1442, %mul3A_1455 : i32
          %get3A_1457 = arith.index_cast %mul3A_1456 : i32 to index
          %get3A_1458 = tpu.vector_load %arg19[%get3A_1457] {strides = array<i32>} : memref<320xf32, #tpu.memory_space<vmem>>, vector<16xf32>,
          %sub3A_1459 = arith.subf %get3A_1454, %get3A_1446 : vector<16xf32>
          %sub3A_1460 = arith.subf %get3A_1458, %get3A_1450 : vector<16xf32>
          %mul3A_1461 = arith.mulf %sub3A_1459, %sub3A_1460 : vector<16xf32>
          %max3A_1462 = arith.maximumf %while3A_1147, %get3A_1446 : vector<16xf32>
          %max3A_1463 = arith.maximumf %while3A_1148, %get3A_1450 : vector<16xf32>
          %min3A_1464 = arith.minimumf %while3A_1149, %get3A_1454 : vector<16xf32>
          %min3A_1465 = arith.minimumf %while3A_1150, %get3A_1458 : vector<16xf32>
          %sub3A_1466 = arith.subf %min3A_1464, %max3A_1462 : vector<16xf32>
          %max3A_1467 = arith.constant 0.000000e+00 : f32
          %max3A_1468 = vector.broadcast %max3A_1467 : f32 to vector<16xf32>
          %max3A_1469 = arith.maximumf %max3A_1468, %sub3A_1466 : vector<16xf32>
          %sub3A_1470 = arith.subf %min3A_1465, %max3A_1463 : vector<16xf32>
          %max3A_1471 = arith.constant 0.000000e+00 : f32
          %max3A_1472 = vector.broadcast %max3A_1471 : f32 to vector<16xf32>
          %max3A_1473 = arith.maximumf %max3A_1472, %sub3A_1470 : vector<16xf32>
          %mul3A_1474 = arith.mulf %max3A_1469, %max3A_1473 : vector<16xf32>
          %add3A_1475 = arith.addf %mul3A_1461, %mul3A_1334 : vector<16xf32>
          %sub3A_1476 = arith.subf %add3A_1475, %mul3A_1474 : vector<16xf32>
          %add3A_1477 = arith.constant 9.99999996E-13 : f32
          %add3A_1478 = vector.broadcast %add3A_1477 : f32 to vector<16xf32>
          %add3A_1479 = arith.addf %sub3A_1476, %add3A_1478 : vector<16xf32>
          %div3A_1480 = arith.divf %mul3A_1474, %add3A_1479 : vector<16xf32>
          %gt3A_1481 = arith.constant 5.000000e-01 : f32
          %gt3A_1482 = vector.broadcast %gt3A_1481 : f32 to vector<16xf32>
          %gt3A_1483 = arith.cmpf ogt, %div3A_1480, %gt3A_1482 : vector<16xf32>
          %or3A_1484 = arith.ori %or3A, %gt3A_1483 : vector<16xi1>
          scf.yield %or3A_1484 : vector<16xi1>
        }
        %reduce_or3A = arith.constant 1.000000e+00 : f32
        %reduce_or3A_1375 = arith.constant 0.000000e+00 : f32
        %reduce_or3A_1376 = vector.broadcast %reduce_or3A : f32 to vector<16xf32>
        %reduce_or3A_1377 = vector.broadcast %reduce_or3A_1375 : f32 to vector<16xf32>
        %reduce_or3A_1378 = arith.select %while3A_1374, %reduce_or3A_1376, %reduce_or3A_1377 : vector<16xi1>, vector<16xf32>
        %reduce_or3A_1379 = arith.constant true
        %reduce_or3A_1380 = vector.broadcast %reduce_or3A_1379 : i1 to vector<16xi1>
        %reduce_or3A_1381 = tpu.scan <max>, %reduce_or3A_1378 masked %reduce_or3A_1380 : vector<16xf32>, vector<16xi1> -> vector<16xf32>
        %reduce_or3A_1382 = vector.extract %reduce_or3A_1381[15] : f32 from vector<16xf32>
        %reduce_or3A_1383 = arith.constant 0.000000e+00 : f32
        %reduce_or3A_1384 = arith.cmpf ogt, %reduce_or3A_1382, %reduce_or3A_1383 : f32
        %not3A = arith.constant true
        %not3A_1385 = arith.xori %reduce_or3A_1384, %not3A : i1
        %convert_element_type3A_1386 = arith.extui %not3A_1385 : i1 to i32
        %cond3A_1387 = arith.constant 0 : i32
        %cond3A_1388 = arith.cmpi ne, %convert_element_type3A_1386, %cond3A_1387 : i32
        scf.if %cond3A_1388 {
          %broadcast_in_dim3A_1392 = vector.broadcast %while3A_1144 : i32 to vector<16xi32>
          %eq3A_1393 = arith.constant 0 : i32
          %eq3A_1394 = vector.broadcast %eq3A_1393 : i32 to vector<16xi32>
          %eq3A_1395 = arith.cmpi eq, %iota3A, %eq3A_1394 : vector<16xi32>
          tpu.vector_store_idx %arg16[%broadcast_in_dim3A_1392], %while3A_1147 masked %eq3A_1395 : memref<320xf32, #tpu.memory_space<vmem>>[vector<16xi32>], vector<16xf32>, vector<16xi1>
          tpu.vector_store_idx %arg17[%broadcast_in_dim3A_1392], %while3A_1148 masked %eq3A_1395 : memref<320xf32, #tpu.memory_space<vmem>>[vector<16xi32>], vector<16xf32>, vector<16xi1>
          tpu.vector_store_idx %arg18[%broadcast_in_dim3A_1392], %while3A_1149 masked %eq3A_1395 : memref<320xf32, #tpu.memory_space<vmem>>[vector<16xi32>], vector<16xf32>, vector<16xi1>
          tpu.vector_store_idx %arg19[%broadcast_in_dim3A_1392], %while3A_1150 masked %eq3A_1395 : memref<320xf32, #tpu.memory_space<vmem>>[vector<16xi32>], vector<16xf32>, vector<16xi1>
          %broadcast_in_dim3A_1396 = vector.broadcast %while3A_1145 : f32 to vector<16xf32>
          tpu.vector_store_idx %arg21[%broadcast_in_dim3A_1392], %broadcast_in_dim3A_1396 masked %eq3A_1395 : memref<304xf32, #tpu.memory_space<vmem>>[vector<16xi32>], vector<16xf32>, vector<16xi1>
          tpu.vector_store_idx %arg22[%broadcast_in_dim3A_1392], %while3A_1151 masked %eq3A_1395 : memref<304xi32, #tpu.memory_space<vmem>>[vector<16xi32>], vector<16xi32>, vector<16xi1>
          %eq3A_1397 = arith.constant 1 : i32
          %eq3A_1398 = vector.broadcast %eq3A_1397 : i32 to vector<16xi32>
          %eq3A_1399 = arith.cmpi eq, %iota3A, %eq3A_1398 : vector<16xi32>
          %select_n3A_1400 = arith.select %eq3A_1399, %while3A_1148, %while3A_1147 : vector<16xi1>, vector<16xf32>
          %eq3A_1401 = arith.constant 2 : i32
          %eq3A_1402 = vector.broadcast %eq3A_1401 : i32 to vector<16xi32>
          %eq3A_1403 = arith.cmpi eq, %iota3A, %eq3A_1402 : vector<16xi32>
          %select_n3A_1404 = arith.select %eq3A_1403, %while3A_1149, %select_n3A_1400 : vector<16xi1>, vector<16xf32>
          %eq3A_1405 = arith.constant 3 : i32
          %eq3A_1406 = vector.broadcast %eq3A_1405 : i32 to vector<16xi32>
          %eq3A_1407 = arith.cmpi eq, %iota3A, %eq3A_1406 : vector<16xi32>
          %select_n3A_1408 = arith.select %eq3A_1407, %while3A_1150, %select_n3A_1404 : vector<16xi1>, vector<16xf32>
          %mul3A_1409 = arith.constant 4 : i32
          %mul3A_1410 = vector.broadcast %mul3A_1409 : i32 to vector<16xi32>
          %mul3A_1411 = arith.muli %broadcast_in_dim3A_1392, %mul3A_1410 : vector<16xi32>
          %add3A_1412 = arith.addi %mul3A_1411, %iota3A : vector<16xi32>
          %lt3A_1413 = arith.constant 4 : i32
          %lt3A_1414 = vector.broadcast %lt3A_1413 : i32 to vector<16xi32>
          %lt3A_1415 = arith.cmpi slt, %iota3A, %lt3A_1414 : vector<16xi32>
          tpu.vector_store_idx %arg20[%add3A_1412], %select_n3A_1408 masked %lt3A_1415 : memref<1216xf32, #tpu.memory_space<vmem>>[vector<16xi32>], vector<16xf32>, vector<16xi1>
        } else {
        }
        %add3A_1389 = arith.constant 1 : i32
        %add3A_1390 = arith.addi %while3A_1144, %add3A_1389 : i32
        %select_n3A_1391 = arith.select %not3A_1385, %add3A_1390, %while3A_1144 : i32
        scf.yield %select_n3A_1391, %reduce_max3A_1169, %gt3A_1171, %gather3A_1327, %gather3A_1328, %gather3A_1329, %gather3A_1330, %gather3A_1331 : i32, f32, i1, vector<16xf32>, vector<16xf32>, vector<16xf32>, vector<16xf32>, vector<16xi32>
      }
      %mul3A_1136 = arith.constant 304 : i32
      %mul3A_1137 = arith.muli %add3A, %mul3A_1136 : i32
      %mul3A_1138 = arith.constant 4 : i32
      %mul3A_1139 = arith.muli %mul3A_1137, %mul3A_1138 : i32
      "tpu.region"() ({
        %run_scoped3A = tpu.sem_alloc : memref<!tpu.dma_semaphore, #tpu.memory_space<semaphore_mem>>
        %dma_start3A = tpu.memref_slice %arg5[%mul3A_1139] : memref<9728xf32, #tpu.memory_space<hbm>> -> memref<1216xf32, #tpu.memory_space<hbm>>
        %dma_start3A_1144 = tpu.memref_slice %arg5[%mul3A_1139] : memref<9728xf32, #tpu.memory_space<hbm>> -> memref<1216xf32, #tpu.memory_space<hbm>>
        tpu.enqueue_dma source(%arg20 : memref<1216xf32, #tpu.memory_space<vmem>>) target(%dma_start3A_1144 : memref<1216xf32, #tpu.memory_space<hbm>>) target_semaphore(%run_scoped3A : memref<!tpu.dma_semaphore, #tpu.memory_space<semaphore_mem>>)
        %dma_wait3A = tpu.memref_slice %arg5[%mul3A_1139] : memref<9728xf32, #tpu.memory_space<hbm>> -> memref<1216xf32, #tpu.memory_space<hbm>>
        %dma_wait3A_1145 = tpu.memref_slice %arg5[%mul3A_1139] : memref<9728xf32, #tpu.memory_space<hbm>> -> memref<1216xf32, #tpu.memory_space<hbm>>
        tpu.wait_dma2 semaphore(%run_scoped3A : memref<!tpu.dma_semaphore, #tpu.memory_space<semaphore_mem>>) src(%arg20 : memref<1216xf32, #tpu.memory_space<vmem>>) dst(%dma_wait3A_1145 : memref<1216xf32, #tpu.memory_space<hbm>>)
        tpu.yield
      }) : () -> ()
      %mul3A_1140 = arith.constant 304 : i32
      %mul3A_1141 = arith.muli %add3A, %mul3A_1140 : i32
      "tpu.region"() ({
        %run_scoped3A = tpu.sem_alloc : memref<!tpu.dma_semaphore, #tpu.memory_space<semaphore_mem>>
        %dma_start3A = tpu.memref_slice %arg6[%mul3A_1141] : memref<2432xf32, #tpu.memory_space<hbm>> -> memref<304xf32, #tpu.memory_space<hbm>>
        %dma_start3A_1144 = tpu.memref_slice %arg6[%mul3A_1141] : memref<2432xf32, #tpu.memory_space<hbm>> -> memref<304xf32, #tpu.memory_space<hbm>>
        tpu.enqueue_dma source(%arg21 : memref<304xf32, #tpu.memory_space<vmem>>) target(%dma_start3A_1144 : memref<304xf32, #tpu.memory_space<hbm>>) target_semaphore(%run_scoped3A : memref<!tpu.dma_semaphore, #tpu.memory_space<semaphore_mem>>)
        %dma_wait3A = tpu.memref_slice %arg6[%mul3A_1141] : memref<2432xf32, #tpu.memory_space<hbm>> -> memref<304xf32, #tpu.memory_space<hbm>>
        %dma_wait3A_1145 = tpu.memref_slice %arg6[%mul3A_1141] : memref<2432xf32, #tpu.memory_space<hbm>> -> memref<304xf32, #tpu.memory_space<hbm>>
        tpu.wait_dma2 semaphore(%run_scoped3A : memref<!tpu.dma_semaphore, #tpu.memory_space<semaphore_mem>>) src(%arg21 : memref<304xf32, #tpu.memory_space<vmem>>) dst(%dma_wait3A_1145 : memref<304xf32, #tpu.memory_space<hbm>>)
        tpu.yield
      }) : () -> ()
      %mul3A_1142 = arith.constant 304 : i32
      %mul3A_1143 = arith.muli %add3A, %mul3A_1142 : i32
      "tpu.region"() ({
        %run_scoped3A = tpu.sem_alloc : memref<!tpu.dma_semaphore, #tpu.memory_space<semaphore_mem>>
        %dma_start3A = tpu.memref_slice %arg7[%mul3A_1143] : memref<2432xi32, #tpu.memory_space<hbm>> -> memref<304xi32, #tpu.memory_space<hbm>>
        %dma_start3A_1144 = tpu.memref_slice %arg7[%mul3A_1143] : memref<2432xi32, #tpu.memory_space<hbm>> -> memref<304xi32, #tpu.memory_space<hbm>>
        tpu.enqueue_dma source(%arg22 : memref<304xi32, #tpu.memory_space<vmem>>) target(%dma_start3A_1144 : memref<304xi32, #tpu.memory_space<hbm>>) target_semaphore(%run_scoped3A : memref<!tpu.dma_semaphore, #tpu.memory_space<semaphore_mem>>)
        %dma_wait3A = tpu.memref_slice %arg7[%mul3A_1143] : memref<2432xi32, #tpu.memory_space<hbm>> -> memref<304xi32, #tpu.memory_space<hbm>>
        %dma_wait3A_1145 = tpu.memref_slice %arg7[%mul3A_1143] : memref<2432xi32, #tpu.memory_space<hbm>> -> memref<304xi32, #tpu.memory_space<hbm>>
        tpu.wait_dma2 semaphore(%run_scoped3A : memref<!tpu.dma_semaphore, #tpu.memory_space<semaphore_mem>>) src(%arg22 : memref<304xi32, #tpu.memory_space<vmem>>) dst(%dma_wait3A_1145 : memref<304xi32, #tpu.memory_space<hbm>>)
        tpu.yield
      }) : () -> ()
    } else {
    }
    return
  }
}

module attributes {stable_mosaic.version = 14 : i64} {
  func.func @_score_body(%arg0: i32, %arg1: memref<1x80x20000xf32, #tpu.memory_space<vmem>>, %arg2: memref<20480xf32, #tpu.memory_space<vmem>>, %arg3: memref<20480xi32, #tpu.memory_space<vmem>>) attributes {dimension_semantics = [#tpu.dimension_semantics<arbitrary>], iteration_bounds = array<i64: 8>, scalar_prefetch = 0 : i64, scratch_operands = 0 : i64, tpu.core_type = #tpu.core_type<tc>, window_params = [{transform_indices = @transform_0, window_bounds = array<i64: 1, 80, 20000>}, {transform_indices = @transform_1, window_bounds = array<i64: 20480>}, {transform_indices = @transform_2, window_bounds = array<i64: 20480>}]} {
    %get3A = arith.constant 0 : index
    %get3A_0 = arith.constant 0 : index
    %get3A_1 = arith.constant 0 : index
    %get3A_2 = vector.load %arg1[%get3A, %get3A_0, %get3A_1] : memref<1x80x20000xf32, #tpu.memory_space<vmem>>, vector<1x80x20000xf32>
    %get3A_3 = vector.shape_cast %get3A_2 : vector<1x80x20000xf32> to vector<80x20000xf32>
    %reduce_max3A = arith.constant dense<0xFF800000> : vector<20000xf32>
    %reduce_max3A_4 = vector.multi_reduction <maximumf>, %get3A_3, %reduce_max3A [0] : vector<80x20000xf32> to vector<20000xf32>
    %iota3A = tpu.iota {dimensions = array<i32: 0>} : vector<80x20000xi32>
    %broadcast_in_dim3A = vector.shape_cast %reduce_max3A_4 : vector<20000xf32> to vector<1x20000xf32>
    %eq3A = vector.broadcast %broadcast_in_dim3A : vector<1x20000xf32> to vector<80x20000xf32>
    %eq3A_5 = arith.cmpf oeq, %get3A_3, %eq3A : vector<80x20000xf32>
    %jit3A = arith.constant 80 : i32
    %broadcast_in_dim3A_6 = vector.broadcast %jit3A : i32 to vector<80x20000xi32>
    %select_n3A = arith.select %eq3A_5, %iota3A, %broadcast_in_dim3A_6 : vector<80x20000xi1>, vector<80x20000xi32>
    %reduce_min3A = arith.constant dense<2147483647> : vector<20000xi32>
    %reduce_min3A_7 = vector.multi_reduction <minsi>, %select_n3A, %reduce_min3A [0] : vector<80x20000xi32> to vector<20000xi32>
    %swap3A = arith.constant 0 : index
    %swap3A_8 = vector.load %arg2[%swap3A] : memref<20480xf32, #tpu.memory_space<vmem>>, vector<20000xf32>
    tpu.vector_store %arg2[%swap3A], %reduce_max3A_4 {strides = array<i32>} : memref<20480xf32, #tpu.memory_space<vmem>>, vector<20000xf32>,
    %swap3A_9 = arith.constant 0 : index
    %swap3A_10 = vector.load %arg3[%swap3A_9] : memref<20480xi32, #tpu.memory_space<vmem>>, vector<20000xi32>
    tpu.vector_store %arg3[%swap3A_9], %reduce_min3A_7 {strides = array<i32>} : memref<20480xi32, #tpu.memory_space<vmem>>, vector<20000xi32>,
    return
  }
  func.func @transform_0(%arg0: i32) -> (i32, i32, i32) {
    %c0_i32 = arith.constant 0 : i32
    %c0_i32_0 = arith.constant 0 : i32
    %c0_i32_1 = arith.constant 0 : i32
    return %arg0, %c0_i32, %c0_i32_0 : i32, i32, i32
  }
  func.func @transform_1(%arg0: i32) -> i32 {
    %c0_i32 = arith.constant 0 : i32
    return %arg0 : i32
  }
  func.func @transform_2(%arg0: i32) -> i32 {
    %c0_i32 = arith.constant 0 : i32
    return %arg0 : i32
  }
}

</mosaic_0001>

<sc_bundles>
// kernel: kernel.4.cloned.1.call-start
scs
__scs_entry_jumppad:
0x0: {  	(pc) =	sbr.rel $0x88, $3  }
0x1: {  	(tag) =	ssettag $0x0;
	lr =	simm.s32 $0x1  }
0x2: {  	[smem:$0x3F9F] =	sst lr;
	_ =	strace $0xD0000000  }
0x3: {  	_ = 	snop  }
0x4: {  	_ = 	snop  }
0x5: {  	_ = 	snop  }
0x6: {  	_ = 	snop  }
0x7: {  	_ = 	snop  }
__scs_overlays_trampoline_lowered:
0x8: {  	[smem:$0x3FAE] =	sst s0  }
0x9: {  	[smem:$0x3FAF] =	sst s1  }
0xa: {  	[smem:$0x3FB0] =	sst s2  }
0xb: {  	[smem:$0x3FB1] =	sst s3  }
0xc: {  	[smem:$0x3FB2] =	sst s4  }
0xd: {  	[smem:$0x3FB3] =	sst s5  }
0xe: {  	[smem:$0x3FB4] =	sst s6  }
0xf: {  	[smem:$0x3FB5] =	sst s7  }
0x10: {  	[smem:$0x3FB6] =	sst s8  }
0x11: {  	[smem:$0x3FB7] =	sst s9;
	s0 =	simm.s32 @!p0 $0x0  }
0x12: {  	s1 =	sld [smem:$0x3F9D];
	s0 =	simm.s32 @p0 $0x1  }
0x13: {  	[smem:$0x3FB8] =	sst s0;
	s0 =	simm.s32 @!p1 $0x0  }
0x14: {  	s2 =	sld [smem:$0x3F9C];
	s0 =	simm.s32 @p1 $0x1  }
0x15: {  	[smem:$0x3FB9] =	sst s0;
	s0 =	simm.s32 @!p2 $0x0  }
0x16: {  	s3 =	sld [smem:$0x3FDB];
	s0 =	simm.s32 @p2 $0x1  }
0x17: {  	s4 =	simm.s32 $0x1BF5;
	[smem:$0x3FBB] =	sst s0  }
0x18: {  	s0 =	sld [smem:$0x3F9E];
	_ =	swait.ge [sflag:s4], $0x0  }
0x19: {  	s7 =	sld [smem:$0x3F9F]  }
0x1a: {  	s8 =	sadd.s32 $0xFFFFE003, lr  }
0x1b: {  	s9 =	sadd.s32 $0xFFFFFEF7, lr;
	s5 =	simm.s32 $0xFFFFFFFF;
	p2 =	slt.u32 s8, $0xFFFFF086  }
0x1c: {  	p1 =	slt.u32 s9, $0xF7A;
	s5 =	simm.s32 @!p2 $0x0  }
0x1d: {  	s5 =	simm.s32 @p1 $0x1;
	p0 =	seq.s32 s7, s2  }
0x1e: {  	s7 =	smul.u32 @!p0 $0xF7A, s2;
	p2 =	seq.s32 @!p0 s5, $0x0  }
0x1f: {  	s9 =	smul.u32 $0xF7A, s1;
	s8 =	simm.s32 @!p0 $0x1BF5;
	p2 =	por !p2, p0  }
0x20: {  	[sflag:s8] =	ssyncset.s32 @!p0 $0xFFFFF086;
	s6 =	sadd.s32 @!p0 s3, s7;
	s7 =	simm.s32 @!p0 $0x108  }
0x21: {  	s3 =	sadd.s32 s3, s9;
	s6 =	sadd.s32 @!p0 $0x88, s6;
	s7 =	simm.s32 @p2 $0x1082  }
0x22: {  	[simem:s7], [sflag:s8] =	dma.local @!p0 [hbm:s6], $0xF7A  }
0x23: {  	s9 =	sor.u32 $0xD0000000, s2;
	s6 =	simm.s32 $0x108;
	_ =	swait.ge @!p0 [sflag:s8], $0x0  }
0x24: {  	s3 =	sadd.s32 $0x88, s3;
	s6 =	simm.s32 @!p1 $0x1082;
	[sflag:s4] =	ssyncset.s32 $0xFFFFF086  }
0x25: {  	[simem:s6], [sflag:s4] =	dma.local [hbm:s3], $0xF7A  }
0x26: {  	[smem:$0x3F9F] =	sst s1;
	(tag) =	ssettag s2;
	_ =	strace s9  }
0x27: {  	s1 =	sld [smem:$0x3FAF]  }
0x28: {  	s2 =	sld [smem:$0x3FB0]  }
0x29: {  	s4 =	sld [smem:$0x3FB2]  }
0x2a: {  	p0 =	seq.s32 s5, $0x0;
	s5 =	sld [smem:$0x3FB3]  }
0x2b: {  	s6 =	sld [smem:$0x3FB4]  }
0x2c: {  	s7 =	sld [smem:$0x3FB5]  }
0x2d: {  	s3 =	simm.s32 $0x108;
	s8 =	sld [smem:$0x3FB6]  }
0x2e: {  	s3 =	simm.s32 @!p0 $0x1082;
	s9 =	sld [smem:$0x3FB7]  }
0x2f: {  	lr =	sadd.s32 s0, s3;
	s0 =	sld [smem:$0x3FAE]  }
0x30: {  	s3 =	sld [smem:$0x3FB1]  }
0x31: {  	[smem:$0x3FBA] =	sst s10  }
0x32: {  	s10 =	sld [smem:$0x3FB8];
	_ =	sdelay $0x3  }
0x33: {  	p0 =	seq.s32 s10, $0x1;
	s10 =	sld [smem:$0x3FBA];
	_ =	sdelay $0x3  }
0x34: {  	[smem:$0x3FBA] =	sst s10  }
0x35: {  	s10 =	sld [smem:$0x3FB9];
	_ =	sdelay $0x3  }
0x36: {  	p1 =	seq.s32 s10, $0x1;
	s10 =	sld [smem:$0x3FBA];
	_ =	sdelay $0x3  }
0x37: {  	[smem:$0x3FBA] =	sst s10  }
0x38: {  	s10 =	sld [smem:$0x3FBB]  }
0x39: {  	_ = 	snop;
	(pc) =	sbr.ind lr, $3  }
0x3a: {  	_ = 	snop  }
0x3b: {  	_ = 	snop  }
0x3c: {  	p2 =	seq.s32 s10, $0x1;
	s10 =	sld [smem:$0x3FBA]  }
0x3d: {  	_ =	shalt  }
0x3e: {  	_ =	shalt  }
0x3f: {  	_ =	shalt  }
0x40: {  	_ =	shalt  }
0x41: {  	_ =	shalt  }
0x42: {  	_ =	shalt  }
0x43: {  	_ =	shalt  }
0x44: {  	_ =	shalt  }
0x45: {  	_ =	shalt  }
0x46: {  	_ =	shalt  }
0x47: {  	_ =	shalt  }
0x48: {  	_ =	shalt  }
0x49: {  	_ =	shalt  }
0x4a: {  	_ =	shalt  }
0x4b: {  	_ =	shalt  }
0x4c: {  	_ =	shalt  }
0x4d: {  	_ =	shalt  }
0x4e: {  	_ =	shalt  }
0x4f: {  	_ =	shalt  }
0x50: {  	_ =	shalt  }
0x51: {  	_ =	shalt  }
0x52: {  	_ =	shalt  }
0x53: {  	_ =	shalt  }
0x54: {  	_ =	shalt  }
0x55: {  	_ =	shalt  }
0x56: {  	_ =	shalt  }
0x57: {  	_ =	shalt  }
0x58: {  	_ =	shalt  }
0x59: {  	_ =	shalt  }
0x5a: {  	_ =	shalt  }
0x5b: {  	_ =	shalt  }
0x5c: {  	_ =	shalt  }
0x5d: {  	_ =	shalt  }
0x5e: {  	_ =	shalt  }
0x5f: {  	_ =	shalt  }
0x60: {  	_ =	shalt  }
0x61: {  	_ =	shalt  }
0x62: {  	_ =	shalt  }
0x63: {  	_ =	shalt  }
0x64: {  	_ =	shalt  }
0x65: {  	_ =	shalt  }
0x66: {  	_ =	shalt  }
0x67: {  	_ =	shalt  }
0x68: {  	_ =	shalt  }
0x69: {  	_ =	shalt  }
0x6a: {  	_ =	shalt  }
0x6b: {  	_ =	shalt  }
0x6c: {  	_ =	shalt  }
0x6d: {  	_ =	shalt  }
0x6e: {  	_ =	shalt  }
0x6f: {  	_ =	shalt  }
0x70: {  	_ =	shalt  }
0x71: {  	_ =	shalt  }
0x72: {  	_ =	shalt  }
0x73: {  	_ =	shalt  }
0x74: {  	_ =	shalt  }
0x75: {  	_ =	shalt  }
0x76: {  	_ =	shalt  }
0x77: {  	_ =	shalt  }
0x78: {  	_ =	shalt  }
0x79: {  	_ =	shalt  }
0x7a: {  	_ =	shalt  }
0x7b: {  	_ =	shalt  }
0x7c: {  	_ =	shalt  }
0x7d: {  	_ =	shalt  }
0x7e: {  	_ =	shalt  }
0x7f: {  	_ =	shalt  }
0x80: {  	_ =	shalt  }
0x81: {  	_ =	shalt  }
0x82: {  	_ =	shalt  }
0x83: {  	_ =	shalt  }
0x84: {  	_ =	shalt  }
0x85: {  	_ =	shalt  }
0x86: {  	_ =	shalt  }
0x87: {  	_ =	shalt  }
.Lfunc_end0:
.L_simem_size_0:
called_computation_lowered:
.L_overlay_start_0:
0x88: {  	s2 =	sld [smem:$0x3FD9]  }
0x89: {  	s3 =	sld [smem:$0x3FFE];
	_ =	sdelay $0x1  }
0x8a: {  	s1 =	srdreg.scid  }
0x8b: {  	s0 =	sand.u32 $0x1, s1  }
0x8c: {  	s14 =	sshll.u32 s0, $0xA;
	s2 =	sadd.s32 s3, s2  }
0x8d: {  	s2 =	sadd.s32 s2, s14  }
0x8e: {  	[smem:$0x3FC6] =	sst s2  }
0x8f: {  	_ = 	snop  }
0x90: {  	s2 =	sld [smem:$0x3FD0];
	_ =	sdelay $0x2  }
0x91: {  	s15 =	simm.s32 $0xA;
	s4 =	simm.s32 $0x10  }
0x92: {  	[smem:s4], [sflag:s15] =	dma.local [hbm:s2], $0x1  }
0x93: {  	_ =	swait.eq [sflag:s15], $0x1  }
0x94: {  	[sflag:s15] =	ssyncset.done $0x0  }
0x95: {  	s16 =	sld [smem:$0x10];
	[sflag:s15] =	ssyncadd.s32 $0xFFFFFFFF  }
0x96: {  	s17 =	sld [smem:$0x12];
	(tm) =	ssettm $0x1  }
0x97: {  	s18 =	sld [smem:$0x3FFB];
	_ =	sdelay $0x3  }
0x98: {  	_ =	strace s18  }
0x99: {  	s4 =	sld [smem:$0x3FFC];
	_ =	sdelay $0x3  }
0x9a: {  	_ =	strace s4  }
0x9b: {  	s4 =	sld [smem:$0x3FFD];
	_ =	sdelay $0x3  }
0x9c: {  	_ =	strace s4  }
0x9d: {  	_ =	strace $0x8FFFFFFF  }
0x9e: {  	s19 =	sld [smem:$0x3FDB];
	_ =	sdelay $0x1  }
0x9f: {  	s5 =	simm.s32 $_scs_section_size  }
0xa0: {  	s6 =	simm.s32 $_size__tile_overlayer_lowered;
	s7 =	simm.s32 $_tile_overlayer_lowered  }
0xa1: {  	s22 =	simm.s32 $0x1BFF;
	s21 =	sshll.u32 s7, $0x1;
	s4 =	sadd.s32 s5, s19  }
0xa2: {  	s8 =	simm.s32 $0x0;
	s20 =	sshll.u32 s6, $0x1;
	s6 =	sadd.s32 s21, s4  }
0xa3: {  	[timem:s8], [sflag:s22] =	dma.local [hbm:s6], s20  }
0xa4: {  	_ =	swait.ge [sflag:s22], s20  }
0xa5: {  	s5 =	ssub.s32 $0x0, s20;
	[sflag:s22] =	ssyncset.done $0x0  }
0xa6: {  	[sflag:s22] =	ssyncadd.s32 s5;
	_ =	sdelay $0x1  }
0xa7: {  	s23 =	simm.s32 $0x1B8B  }
0xa8: {  	_ =	swait.ge [sflag:s23], $0x1  }
0xa9: {  	[sflag:s23] =	ssyncset.done $0x0  }
0xaa: {  	s25 =	simm.s32 $0x1B8E;
	s24 =	sld [smem:$0x3FFE];
	[sflag:s23] =	ssyncadd.s32 $0xFFFFFFFF  }
0xab: {  	s26 =	simm.s32 $execute0_lowered;
	[smem:$0x3FD2] =	sst s25  }
0xac: {  	s6 =	sshll.u32 s26, $0x1;
	_ =	strace $0x80000046;
	[dreg:$0x1] =	wrdreg $0xFFFFFFFF  }
0xad: {  	s28 =	simm.s32 $_size_execute0_lowered;
	s4 =	sadd.s32 s4, s6;
	[dreg:$0x0] =	wrdreg $0x0  }
0xae: {  	s6 =	sshll.u32 s28, $0x1;
	[dreg:$0x2] =	wrdreg s4  }
0xaf: {  	[dreg:$0x3] =	wrdreg s6  }
0xb0: {  	[dreg:$0x4] =	wrdreg $0xC0  }
0xb1: {  	_ =	task [dreg:s8], $0x5FFFF  }
0xb2: {  	[dreg:$0x1] =	wrdreg $0xFFFFFFFF  }
0xb3: {  	[dreg:$0x0] =	wrdreg $0x60  }
0xb4: {  	[dreg:$0x2] =	wrdreg s24  }
0xb5: {  	[dreg:$0x3] =	wrdreg s16  }
0xb6: {  	[dreg:$0x4] =	wrdreg s17  }
0xb7: {  	[dreg:$0x5] =	wrdreg $0x9  }
0xb8: {  	_ =	task.clear_ibuf [dreg:s8], $0x6FFFF;
	_ =	strace $0x90000046  }
0xb9: {  	s29 =	simm.s32 $0x9;
	_ =	strace $0x80000048  }
0xba: {  	_ =	swait.ge [sflag:s29], $0x1  }
0xbb: {  	[sflag:s29] =	ssyncadd.s32 $0xFFFFFFFF  }
0xbc: {  	_ =	strace $0x90000048  }
0xbd: {  	_ =	sfence  }
0xbe: {  	s30 =	sld [smem:$0x0];
	_ =	sdelay $0x2  }
0xbf: {  	s31 =	sshll.u32 s1, $0xD;
	s1 =	sshrl.u32 s1, $0x2  }
0xc0: {  	s3 =	sand.u32 $0x4000, s31;
	s1 =	sadd.s32 s1, s30  }
0xc1: {  	s0 =	sor.u32 s3, s0;
	s1 =	sshll.u32 s1, $0x11  }
0xc2: {  	s0 =	sor.u32 s1, s0  }
0xc3: {  	s0 =	sadd.s32 $0x8F2B, s0  }
0xc4: {  	[sflag:s0] =	ssyncadd.remote.s32 $0x1  }
0xc5: {  	_ =	sfence.sel $0xFFFF  }
0xc6: {  	[dreg:$0x0] =	wrdreg $0xFFFFFFFF;
	(pc) =	sbr.abs _section_cstart, $3  }
0xc7: {  	[dreg:$0x1] =	wrdreg $0xFFFFFFFF  }
0xc8: {  	_ =	task.clear_ibuf [dreg:s8], $0x2FFFF;
	_ =	strace $0x9FFFFFFF  }
0xc9: {  	(tm) =	ssettm $0x7FFFFFFF  }
tec
execute0_lowered:
.L_overlay_start_1:
0x0: {  	(tag) =	ssettag $0x1  }
0x1: {  	s4 =	stileid.u32  }
0x2: {  	p0 =	sgt.u32 s4, $0x3  }
.Ltmp0:
0x3: {  	_ = 	snop;
	(pc) =	sbr.rel @p0 .LBB2_22-.Ltmp0, $4  }
0x4: {  	s3 =	rddreg [dreg:$0x0]  }
0x5: {  	s0 =	rddreg [dreg:$0x1];
	s2 =	simm.s32 $0x0  }
0x6: {  	[smem:$0x7FF] =	sst s2  }
0x7: {  	s1 =	rddreg [dreg:$0x2];
	_ =	strace $0x80000047  }
0x8: {  	s4 =	srdreg.scid;
	s28 =	stileid.u32;
	s5 =	sadd.s32 $0xB000, s3  }
0x9: {  	s12 =	sadd.s32 $0x1000, s3;
	s6 =	sand.u32 $0x1, s4;
	s4 =	sshll.u32 s28, $0x1  }
0xa: {  	s16 =	simm.s32 $0xEC00;
	s17 =	simm.s32 $0x13A80;
	s7 =	sor.u32 s6, s4  }
0xb: {  	s18 =	simm.s32 $0x18900;
	s19 =	simm.s32 $0x1D780;
	s11 =	smul.u32 $0xA00, s7  }
0xc: {  	v0 =	vimm.f32 $-3.000000010e+38;
	v1 =	vimm.f32 $-1.000000000e+00;
	s20 =	simm.s32 $0x1DC80;
	s21 =	simm.s32 $0x1E300;
	s4 =	smul.u32 $0x13880, s7  }
0xd: {  	v2 =	vimm.s32 $0xFFFFFFFF;
	vm0 =	vmmov $0x1;
	s22 =	simm.s32 $0x1E800;
	v6 =	vimm.s32 $0x0;
	s15 =	ssub.s32 $0x2, s6;
	s9 =	smul.u32 $0x26, s7  }
0xe: {  	v3 =	vimm.f32 $0.0e+00;
	vm1 =	vmmov $0x3;
	s23 =	simm.s32 $0x1E980;
	v6 =	vsel vm0, $0xFFFFFFFF, v6;
	s8 =	smul.u32 $0x2710, s7;
	s30 =	sshrl.u32 s15, $0x1  }
0xf: {  	vm2 =	vmmov $0x7;
	vm3 =	vmmov $0xf;
	s24 =	simm.s32 $0x0;
	[tilespmem:$0x1FFC0] =	vst v6;
	v6 =	vimm.s32 $0x0;
	s29 =	smul.u32 $0x98, s7;
	s31 =	ssub.s32 s15, s30  }
0x10: {  	vm4 =	vmmov $0x1f;
	vm5 =	vmmov $0x3f;
	v6 =	vsel vm1, $0xFFFFFFFF, v6;
	s15 =	simm.s32 $0x9D80;
	s4 =	sshrl.u32 s4, $0x3;
	s10 =	sadd.s32 s11, s3  }
.Ltmp1:
0x11: {  	vm6 =	vmmov $0x7f;
	vm7 =	vmmov $0xff;
	[tilespmem:$0x1FFD0] =	vst v6;
	v6 =	vimm.s32 $0x0;
	s14 =	sadd.s32 s9, s3;
	s3 =	sadd.s32 s5, s8;
	(pc) =	sbr.rel .LBB2_2-.Ltmp1, $4  }
0x12: {  	vm8 =	vmmov $0x1ff;
	vm9 =	vmmov $0x3ff;
	s8 =	sadd.s32 s0, s29;
	s9 =	sadd.s32 s1, s9;
	s11 =	sadd.s32 s12, s11;
	v6 =	vsel vm2, $0xFFFFFFFF, v6  }
0x13: {  	vm10 =	vmmov $0x7ff;
	vm11 =	vmmov $0xfff;
	s12 =	smax.u32 s31, $0x1;
	s13 =	sadd.s32 s5, s4;
	s7 =	sadd.s32 $0x6000, s10;
	[tilespmem:$0x1FFE0] =	vst v6;
	v6 =	vimm.s32 $0x0  }
0x14: {  	vm12 =	vmmov $0x1fff;
	vm13 =	vmmov $0x3fff;
	s10 =	sadd.s32 $0x1EA00, s14;
	s14 =	simm.s32 $0x4F00;
	s4 =	sadd.s32 $0x9C4, s13;
	v6 =	vsel vm3, $0xFFFFFFFF, v6  }
0x15: {  	vm14 =	vmmov $0x7fff;
	v4 =	vlaneseq.u32;
	v5 =	vimm.s32 $0x0;
	s5 =	sadd.s32 $0x1388, s13;
	s6 =	sadd.s32 $0x1D4C, s13;
	s13 =	simm.s32 $0x1;
	[tilespmem:$0x1FFF0] =	vst v6  }
.LBB2_21:
0x16: {  	[hbm4b:s8+s2] =	stream.linear.scatter [tilespmem:s21], [sflag:$0x1], $0x4C0, $0x38;
	[tilespmem:$0x1EB00] =	vst v63  }
0x17: {  	_ =	swait.ge [sflag:s13], $0x4C0  }
0x18: {  	[sflag:s13] =	ssyncset.done $0x0  }
0x19: {  	[sflag:s13] =	ssyncadd.s32 $0xFFFFFB40  }
0x1a: {  	[hbm4b:s9+s2] =	stream.linear.scatter [tilespmem:s22], [sflag:$0x1], $0x130, $0x38;
	[tilespmem:$0x1EB00] =	vst v63  }
0x1b: {  	_ =	swait.ge [sflag:s13], $0x130  }
0x1c: {  	[sflag:s13] =	ssyncset.done $0x0  }
0x1d: {  	[sflag:s13] =	ssyncadd.s32 $0xFFFFFED0  }
0x1e: {  	[hbm4b:s10+s2] =	stream.linear.scatter [tilespmem:s23], [sflag:$0x1], $0x130, $0x38;
	[tilespmem:$0x1EB00] =	vst v63  }
0x1f: {  	_ =	swait.ge [sflag:s13], $0x130  }
0x20: {  	v6 =	vld [tilespmem:$0x1FFC0];
	_ =	sdelay $0x4  }
0x21: {  	vm0 =	vnez.u8 v6;
	v6 =	vld [tilespmem:$0x1FFD0];
	_ =	sdelay $0x4  }
0x22: {  	vm1 =	vnez.u8 v6;
	v6 =	vld [tilespmem:$0x1FFE0];
	_ =	sdelay $0x3  }
0x23: {  	s24 =	sadd.s32 $0x1, s24  }
0x24: {  	p0 =	sne.s32 s24, s12;
	vm2 =	vnez.u8 v6;
	v6 =	vld [tilespmem:$0x1FFF0]  }
.Ltmp2:
0x25: {  	_ = 	snop;
	(pc) =	sbr.rel @!p0 .LBB2_22-.Ltmp2, $3  }
0x26: {  	_ =	sdelay $0x1  }
0x27: {  	[sflag:s13] =	ssyncset.done $0x0  }
0x28: {  	[sflag:s13] =	ssyncadd.s32 $0xFFFFFED0;
	vm3 =	vnez.u8 v6  }
.LBB2_2:
0x29: {  	s0 =	simm.s32 $0x0  }
0x2a: {  	[tilespmem:s0], [sflag:$0x1] =	stream.linear.gather [hbm4b:s11+s0], $0x4E20, $0x38;
	[tilespmem:$0x1EB00] =	vst v63  }
0x2b: {  	_ =	swait.ge [sflag:s13], $0x4E20  }
0x2c: {  	[sflag:s13] =	ssyncset.done $0x0  }
0x2d: {  	[sflag:s13] =	ssyncadd.s32 $0xFFFFB1E0  }
0x2e: {  	[tilespmem:s14], [sflag:$0x1] =	stream.linear.gather [hbm4b:s3+s0], $0x4E20, $0x38;
	[tilespmem:$0x1EB00] =	vst v63  }
0x2f: {  	_ =	swait.ge [sflag:s13], $0x4E20  }
0x30: {  	[sflag:s13] =	ssyncset.done $0x0  }
0x31: {  	[sflag:s13] =	ssyncadd.s32 $0xFFFFB1E0  }
0x32: {  	[tilespmem:s15], [sflag:$0x1] =	stream.linear.gather [hbm4b:s4+s0], $0x4E20, $0x38;
	[tilespmem:$0x1EB00] =	vst v63  }
0x33: {  	_ =	swait.ge [sflag:s13], $0x4E20  }
0x34: {  	[sflag:s13] =	ssyncset.done $0x0  }
0x35: {  	[sflag:s13] =	ssyncadd.s32 $0xFFFFB1E0  }
0x36: {  	[tilespmem:s16], [sflag:$0x1] =	stream.linear.gather [hbm4b:s5+s0], $0x4E20, $0x38;
	[tilespmem:$0x1EB00] =	vst v63  }
0x37: {  	_ =	swait.ge [sflag:s13], $0x4E20  }
0x38: {  	[sflag:s13] =	ssyncset.done $0x0  }
0x39: {  	[sflag:s13] =	ssyncadd.s32 $0xFFFFB1E0  }
0x3a: {  	[tilespmem:s17], [sflag:$0x1] =	stream.linear.gather [hbm4b:s6+s0], $0x4E20, $0x38;
	[tilespmem:$0x1EB00] =	vst v63  }
0x3b: {  	_ =	swait.ge [sflag:s13], $0x4E20  }
0x3c: {  	[sflag:s13] =	ssyncset.done $0x0  }
0x3d: {  	[sflag:s13] =	ssyncadd.s32 $0xFFFFB1E0  }
0x3e: {  	[tilespmem:s18], [sflag:$0x1] =	stream.linear.gather [hbm4b:s7+s0], $0x4E20, $0x38;
	[tilespmem:$0x1EB00] =	vst v63  }
0x3f: {  	_ =	swait.ge [sflag:s13], $0x4E20  }
0x40: {  	[sflag:s13] =	ssyncset.done $0x0  }
0x41: {  	[sflag:s13] =	ssyncadd.s32 $0xFFFFB1E0  }
0x42: {  	[tilespmem:$0x4E20] =	vst v0  }
0x43: {  	[tilespmem:$0x4E30] =	vst v0  }
0x44: {  	[tilespmem:$0x4E40] =	vst v0  }
0x45: {  	[tilespmem:$0x4E50] =	vst v0  }
0x46: {  	[tilespmem:$0x4E60] =	vst v0  }
0x47: {  	[tilespmem:$0x4E70] =	vst v0  }
0x48: {  	[tilespmem:$0x4E80] =	vst v0  }
0x49: {  	[tilespmem:$0x4E90] =	vst v0  }
0x4a: {  	[tilespmem:$0x4EA0] =	vst v0  }
0x4b: {  	[tilespmem:$0x4EB0] =	vst v0  }
0x4c: {  	[tilespmem:$0x4EC0] =	vst v0  }
0x4d: {  	[tilespmem:$0x4ED0] =	vst v0  }
0x4e: {  	[tilespmem:$0x4EE0] =	vst v0  }
0x4f: {  	s1 =	simm.s32 $0x0;
	s0 =	simm.s32 $0x40;
	[tilespmem:$0x4EF0] =	vst v0  }
.LBB2_3:
0x50: {  	p0 =	sne.s32 s0, $0x12C0;
	[tilespmem:s1+$0x1E300] =	vst v1;
	s1 =	smov.u32 s0;
	s0 =	sadd.s32 $0x40, s0  }
.Ltmp3:
0x51: {  	(pc) =	sbr.rel @p0 .LBB2_3-.Ltmp3, $2  }
0x52: {  	_ =	sdelay $0x2  }
0x53: {  	s1 =	sshra.s32 s1, $0x2  }
0x54: {  	[tilespmem:s1+$0x1E300] =	vst v1  }
0x55: {  	[tilespmem:$0x1E800] =	vst v1  }
0x56: {  	[tilespmem:$0x1E980] =	vst v2  }
0x57: {  	[tilespmem:$0x1E810] =	vst v1  }
0x58: {  	[tilespmem:$0x1E990] =	vst v2  }
0x59: {  	[tilespmem:$0x1E820] =	vst v1  }
0x5a: {  	[tilespmem:$0x1E9A0] =	vst v2  }
0x5b: {  	[tilespmem:$0x1E830] =	vst v1  }
0x5c: {  	[tilespmem:$0x1E9B0] =	vst v2  }
0x5d: {  	[tilespmem:$0x1E840] =	vst v1  }
0x5e: {  	[tilespmem:$0x1E9C0] =	vst v2  }
0x5f: {  	[tilespmem:$0x1E850] =	vst v1  }
0x60: {  	[tilespmem:$0x1E9D0] =	vst v2  }
0x61: {  	[tilespmem:$0x1E860] =	vst v1  }
0x62: {  	[tilespmem:$0x1E9E0] =	vst v2  }
0x63: {  	[tilespmem:$0x1E870] =	vst v1  }
0x64: {  	[tilespmem:$0x1E9F0] =	vst v2  }
0x65: {  	[tilespmem:$0x1E880] =	vst v1  }
0x66: {  	[tilespmem:$0x1EA00] =	vst v2  }
0x67: {  	[tilespmem:$0x1E890] =	vst v1  }
0x68: {  	[tilespmem:$0x1EA10] =	vst v2  }
0x69: {  	[tilespmem:$0x1E8A0] =	vst v1  }
0x6a: {  	[tilespmem:$0x1EA20] =	vst v2  }
0x6b: {  	[tilespmem:$0x1E8B0] =	vst v1  }
0x6c: {  	[tilespmem:$0x1EA30] =	vst v2  }
0x6d: {  	[tilespmem:$0x1E8C0] =	vst v1  }
0x6e: {  	[tilespmem:$0x1EA40] =	vst v2  }
0x6f: {  	[tilespmem:$0x1E8D0] =	vst v1  }
0x70: {  	[tilespmem:$0x1EA50] =	vst v2  }
0x71: {  	[tilespmem:$0x1E8E0] =	vst v1  }
0x72: {  	[tilespmem:$0x1EA60] =	vst v2  }
0x73: {  	[tilespmem:$0x1E8F0] =	vst v1  }
0x74: {  	[tilespmem:$0x1EA70] =	vst v2  }
0x75: {  	[tilespmem:$0x1E900] =	vst v1  }
0x76: {  	[tilespmem:$0x1EA80] =	vst v2  }
0x77: {  	[tilespmem:$0x1E910] =	vst v1  }
0x78: {  	[tilespmem:$0x1EA90] =	vst v2  }
0x79: {  	[tilespmem:$0x1E920] =	vst v1  }
0x7a: {  	s25 =	simm.s32 $0x0;
	s0 =	simm.s32 $0x0;
	[tilespmem:$0x1EAA0] =	vst v2  }
.LBB2_5:
0x7b: {  	p0 =	sne.s32 s0, $0x4C0  }
.Ltmp4:
0x7c: {  	s1 =	sshra.s32 s0, $0x2;
	(pc) =	sbr.rel @p0 .LBB2_5-.Ltmp4, $4  }
0x7d: {  	[tilespmem:s1+$0x1DD00] =	vst v3  }
0x7e: {  	[tilespmem:s1+$0x1DE80] =	vst v3  }
0x7f: {  	[tilespmem:s1+$0x1E000] =	vst v3  }
0x80: {  	s0 =	sadd.s32 $0x40, s0;
	[tilespmem:s1+$0x1E180] =	vst v3  }
0x81: {  	s26 =	simm.s32 $0x80  }
0x82: {  	v7 =	vld [tilespmem:s26+$0xFFFFFF80]  }
0x83: {  	s28 =	simm.s32 $0x40;
	v6 =	vld [tilespmem:s26+$0xFFFFFF90]  }
.LBB2_7:
0x84: {  	p0 =	sne.s32 s28, $0x1380;
	v8 =	vld [tilespmem:s26+$0xFFFFFFA0]  }
0x85: {  	v9 =	vld [tilespmem:s26+$0xFFFFFFB0]  }
0x86: {  	v10 =	vld [tilespmem:s26+$0xFFFFFFC0]  }
0x87: {  	v11 =	vld [tilespmem:s26+$0xFFFFFFD0];
	(xrf0) =	vmax.scan.msk.f32 $0xffff, v7  }
0x88: {  	v7 =	vld [tilespmem:s26+$0xFFFFFFE0];
	(xrf0) =	vmax.scan.msk.f32 $0xffff, v6  }
0x89: {  	v6 =	vld [tilespmem:s26+$0xFFFFFFF0];
	(xrf0) =	vmax.scan.msk.f32 $0xffff, v8  }
0x8a: {  	v8 =	vld [tilespmem:s26+$0x0];
	(xrf0) =	vmax.scan.msk.f32 $0xffff, v9  }
0x8b: {  	v9 =	vld [tilespmem:s26+$0x10];
	(xrf0) =	vmax.scan.msk.f32 $0xffff, v10  }
0x8c: {  	v10 =	vld [tilespmem:s26+$0x20];
	(xrf0) =	vmax.scan.msk.f32 $0xffff, v11  }
0x8d: {  	v11 =	vld [tilespmem:s26+$0x30];
	v12, _, _ =	vpop (xrf0);
	(xrf0) =	vmax.scan.msk.f32 $0xffff, v7  }
0x8e: {  	v7 =	vld [tilespmem:s26+$0x40];
	v13, _, _ =	vpop (xrf0);
	(xrf0) =	vmax.scan.msk.f32 $0xffff, v6  }
0x8f: {  	v6 =	vbroadcast v12, $0xF;
	v16 =	vbroadcast v13, $0xF;
	v13 =	vld [tilespmem:s26+$0x50];
	v14, _, _ =	vpop (xrf0);
	(xrf0) =	vmax.scan.msk.f32 $0xffff, v8  }
0x90: {  	v8 =	vbroadcast v14, $0xF;
	v14 =	vld [tilespmem:s26+$0x60];
	v15, _, _ =	vpop (xrf0);
	(xrf0) =	vmax.scan.msk.f32 $0xffff, v9  }
0x91: {  	v6 =	vsel vm0, v6, v16;
	v9 =	vbroadcast v15, $0xF;
	v12, _, _ =	vpop (xrf0);
	(xrf0) =	vmax.scan.msk.f32 $0xffff, v10  }
0x92: {  	v6 =	vsel vm1, v6, v8;
	v12 =	vbroadcast v12, $0xF;
	v10, _, _ =	vpop (xrf0);
	(xrf0) =	vmax.scan.msk.f32 $0xffff, v11  }
0x93: {  	v6 =	vsel vm2, v6, v9;
	v15 =	vbroadcast v10, $0xF;
	v10 =	vld [tilespmem:s26+$0x70];
	v11, _, _ =	vpop (xrf0);
	(xrf0) =	vmax.scan.msk.f32 $0xffff, v7  }
0x94: {  	v6 =	vsel vm3, v6, v12;
	v7 =	vbroadcast v11, $0xF;
	v8, _, _ =	vpop (xrf0);
	(xrf0) =	vmax.scan.msk.f32 $0xffff, v13  }
0x95: {  	v6 =	vsel vm4, v6, v15;
	v8 =	vbroadcast v8, $0xF;
	v9, _, _ =	vpop (xrf0);
	(xrf0) =	vmax.scan.msk.f32 $0xffff, v14  }
0x96: {  	v6 =	vsel vm5, v6, v7;
	v7 =	vbroadcast v9, $0xF;
	v9, _, _ =	vpop (xrf0)  }
0x97: {  	v6 =	vsel vm6, v6, v8;
	v8 =	vbroadcast v9, $0xF;
	v9, _, _ =	vpop (xrf0)  }
0x98: {  	v6 =	vsel vm7, v6, v7;
	v7 =	vbroadcast v9, $0xF;
	v9, _, _ =	vpop (xrf0);
	(xrf0) =	vmax.scan.msk.f32 $0xffff, v10  }
0x99: {  	v6 =	vsel vm8, v6, v8;
	v8 =	vbroadcast v9, $0xF;
	v9, _, _ =	vpop (xrf0)  }
0x9a: {  	v6 =	vsel vm9, v6, v7;
	v7 =	vbroadcast v9, $0xF;
	v9, _, _ =	vpop (xrf0)  }
0x9b: {  	v6 =	vsel vm10, v6, v8;
	v8 =	vbroadcast v9, $0xF;
	v9, _, _ =	vpop (xrf0)  }
0x9c: {  	v6 =	vsel vm11, v6, v7;
	v9 =	vbroadcast v9, $0xF  }
0x9d: {  	v6 =	vsel vm12, v6, v8  }
.Ltmp5:
0x9e: {  	v6 =	vsel vm13, v6, v9;
	v7, _, _ =	vpop (xrf0);
	(pc) =	sbr.rel @p0 .LBB2_7-.Ltmp5, $4  }
0x9f: {  	s0 =	sshra.s32 s25, $0x2;
	s25 =	smov.u32 s28;
	v6 =	vsel vm14, v6, v7  }
0xa0: {  	s26 =	sadd.s32 $0x100, s26;
	[tilespmem:s0+$0x1D780] =	vst v6  }
0xa1: {  	v7 =	vld [tilespmem:s26+$0xFFFFFF80]  }
0xa2: {  	s28 =	sadd.s32 $0x40, s28;
	v6 =	vld [tilespmem:s26+$0xFFFFFF90]  }
0xa3: {  	v8 =	vld [tilespmem:s26+$0xFFFFFFA0]  }
0xa4: {  	v9 =	vld [tilespmem:s26+$0xFFFFFFB0]  }
0xa5: {  	v10 =	vld [tilespmem:s26+$0xFFFFFFC0]  }
0xa6: {  	(xrf0) =	vmax.scan.msk.f32 $0xffff, v7  }
0xa7: {  	v11 =	vld [tilespmem:s26+$0xFFFFFFD0];
	(xrf0) =	vmax.scan.msk.f32 $0xffff, v6  }
0xa8: {  	v7 =	vld [tilespmem:s26+$0xFFFFFFE0];
	(xrf0) =	vmax.scan.msk.f32 $0xffff, v8  }
0xa9: {  	v6 =	vld [tilespmem:s26+$0xFFFFFFF0];
	(xrf0) =	vmax.scan.msk.f32 $0xffff, v9  }
0xaa: {  	v8 =	vld [tilespmem:s26+$0x0];
	(xrf0) =	vmax.scan.msk.f32 $0xffff, v10;
	_ =	sdelay $0x1  }
0xab: {  	v34 =	vld [tilespmem:s26+$0x10];
	(xrf0) =	vmax.scan.msk.f32 $0xffff, v11;
	v12, _, _ =	vpop (xrf0)  }
0xac: {  	v35 =	vld [tilespmem:s26+$0x20];
	(xrf0) =	vmax.scan.msk.f32 $0xffff, v7;
	v13, _, _ =	vpop (xrf0)  }
0xad: {  	v36 =	vld [tilespmem:s26+$0x30];
	(xrf0) =	vmax.scan.msk.f32 $0xffff, v6;
	v6 =	vbroadcast v12, $0xF;
	v37 =	vbroadcast v13, $0xF;
	v14, _, _ =	vpop (xrf0)  }
0xae: {  	v7 =	vld [tilespmem:s26+$0x40];
	(xrf0) =	vmax.scan.msk.f32 $0xffff, v8;
	v8 =	vbroadcast v14, $0xF;
	v15, _, _ =	vpop (xrf0)  }
0xaf: {  	v38 =	vld [tilespmem:s26+$0x50];
	v6 =	vsel vm0, v6, v37;
	v41, _, _ =	vpop (xrf0)  }
0xb0: {  	v39 =	vld [tilespmem:s26+$0x60];
	(xrf0) =	vmax.scan.msk.f32 $0xffff, v34;
	v6 =	vsel vm1, v6, v8;
	v8 =	vbroadcast v41, $0xF  }
0xb1: {  	v40 =	vbroadcast v15, $0xF;
	(xrf0) =	vmax.scan.msk.f32 $0xffff, v35  }
0xb2: {  	v42, _, _ =	vpop (xrf0);
	(xrf0) =	vmax.scan.msk.f32 $0xffff, v36  }
0xb3: {  	v6 =	vsel vm2, v6, v40;
	v43 =	vbroadcast v42, $0xF;
	v45, _, _ =	vpop (xrf0);
	(xrf0) =	vmax.scan.msk.f32 $0xffff, v7  }
0xb4: {  	v6 =	vsel vm3, v6, v8;
	v7 =	vbroadcast v45, $0xF;
	v8, _, _ =	vpop (xrf0);
	(xrf0) =	vmax.scan.msk.f32 $0xffff, v38  }
0xb5: {  	v44 =	vld [tilespmem:s26+$0x70];
	v6 =	vsel vm4, v6, v43;
	v8 =	vbroadcast v8, $0xF;
	v46, _, _ =	vpop (xrf0);
	(xrf0) =	vmax.scan.msk.f32 $0xffff, v39  }
0xb6: {  	v6 =	vsel vm5, v6, v7;
	v7 =	vbroadcast v46, $0xF;
	v47, _, _ =	vpop (xrf0)  }
0xb7: {  	v6 =	vsel vm6, v6, v8;
	v8 =	vbroadcast v47, $0xF;
	v48, _, _ =	vpop (xrf0)  }
0xb8: {  	v6 =	vsel vm7, v6, v7;
	v7 =	vbroadcast v48, $0xF;
	v49, _, _ =	vpop (xrf0)  }
0xb9: {  	v6 =	vsel vm8, v6, v8;
	v8 =	vbroadcast v49, $0xF;
	v50, _, _ =	vpop (xrf0)  }
0xba: {  	(xrf0) =	vmax.scan.msk.f32 $0xffff, v44;
	v6 =	vsel vm9, v6, v7;
	v7 =	vbroadcast v50, $0xF;
	v51, _, _ =	vpop (xrf0)  }
0xbb: {  	v6 =	vsel vm10, v6, v8;
	v52, _, _ =	vpop (xrf0)  }
0xbc: {  	v6 =	vsel vm11, v6, v7;
	v7 =	vbroadcast v52, $0xF  }
0xbd: {  	v8 =	vbroadcast v51, $0xF;
	_ =	sdelay $0x1  }
0xbe: {  	v6 =	vsel vm12, v6, v8  }
0xbf: {  	v6 =	vsel vm13, v6, v7;
	v7, _, _ =	vpop (xrf0)  }
0xc0: {  	s0 =	sshra.s32 s25, $0x2;
	v6 =	vsel vm14, v6, v7  }
0xc1: {  	[tilespmem:s0+$0x1D780] =	vst v6  }
0xc2: {  	v6 =	vld [tilespmem:$0x1D780]  }
0xc3: {  	v7 =	vld [tilespmem:$0x1D790]  }
0xc4: {  	v8 =	vld [tilespmem:$0x1D7A0]  }
0xc5: {  	v53 =	vld [tilespmem:$0x1D7B0]  }
0xc6: {  	v54 =	vld [tilespmem:$0x1D7C0]  }
0xc7: {  	(xrf0) =	vmax.scan.msk.f32 $0xffff, v6;
	v6 =	vld [tilespmem:$0x1D7D0]  }
0xc8: {  	(xrf0) =	vmax.scan.msk.f32 $0xffff, v7;
	v7 =	vld [tilespmem:$0x1D7E0]  }
0xc9: {  	(xrf0) =	vmax.scan.msk.f32 $0xffff, v8;
	v8 =	vld [tilespmem:$0x1D7F0]  }
0xca: {  	v55 =	vld [tilespmem:$0x1D800];
	(xrf0) =	vmax.scan.msk.f32 $0xffff, v53  }
0xcb: {  	v56 =	vld [tilespmem:$0x1D810];
	(xrf0) =	vmax.scan.msk.f32 $0xffff, v54  }
0xcc: {  	(xrf0) =	vmax.scan.msk.f32 $0xffff, v6;
	v6 =	vld [tilespmem:$0x1D820]  }
0xcd: {  	v57, _, _ =	vpop (xrf0);
	(xrf0) =	vmax.scan.msk.f32 $0xffff, v7;
	v7 =	vld [tilespmem:$0x1D830]  }
0xce: {  	v58, _, _ =	vpop (xrf0);
	(xrf0) =	vmax.scan.msk.f32 $0xffff, v8;
	v8 =	vld [tilespmem:$0x1D840]  }
0xcf: {  	v60 =	vld [tilespmem:$0x1D850];
	v59, _, _ =	vpop (xrf0);
	(xrf0) =	vmax.scan.msk.f32 $0xffff, v55  }
0xd0: {  	v62 =	vld [tilespmem:$0x1D860];
	v61, _, _ =	vpop (xrf0);
	(xrf0) =	vmax.scan.msk.f32 $0xffff, v56  }
0xd1: {  	v63, _, _ =	vpop (xrf0);
	(xrf0) =	vmax.scan.msk.f32 $0xffff, v6;
	v6 =	vld [tilespmem:$0x1D870]  }
0xd2: {  	v16, _, _ =	vpop (xrf0);
	(xrf0) =	vmax.scan.msk.f32 $0xffff, v7;
	v7 =	vld [tilespmem:$0x1D880]  }
0xd3: {  	v17, _, _ =	vpop (xrf0);
	(xrf0) =	vmax.scan.msk.f32 $0xffff, v8;
	v8 =	vld [tilespmem:$0x1D890]  }
0xd4: {  	v34 =	vld [tilespmem:$0x1D8A0];
	v18, _, _ =	vpop (xrf0);
	(xrf0) =	vmax.scan.msk.f32 $0xffff, v60  }
0xd5: {  	v35 =	vld [tilespmem:$0x1D8B0];
	v19, _, _ =	vpop (xrf0);
	(xrf0) =	vmax.scan.msk.f32 $0xffff, v62  }
0xd6: {  	v20, _, _ =	vpop (xrf0);
	(xrf0) =	vmax.scan.msk.f32 $0xffff, v6;
	v6 =	vld [tilespmem:$0x1D8C0]  }
0xd7: {  	v21, _, _ =	vpop (xrf0);
	(xrf0) =	vmax.scan.msk.f32 $0xffff, v7;
	v7 =	vld [tilespmem:$0x1D8D0]  }
0xd8: {  	v22, _, _ =	vpop (xrf0);
	(xrf0) =	vmax.scan.msk.f32 $0xffff, v8;
	v8 =	vld [tilespmem:$0x1D8E0]  }
0xd9: {  	v36 =	vld [tilespmem:$0x1D8F0];
	v23, _, _ =	vpop (xrf0);
	(xrf0) =	vmax.scan.msk.f32 $0xffff, v34  }
0xda: {  	v37 =	vld [tilespmem:$0x1D900];
	v24, _, _ =	vpop (xrf0);
	(xrf0) =	vmax.scan.msk.f32 $0xffff, v35  }
0xdb: {  	v26 =	vld [tilespmem:$0x1D910];
	v25, _, _ =	vpop (xrf0);
	(xrf0) =	vmax.scan.msk.f32 $0xffff, v6  }
0xdc: {  	v6, _, _ =	vpop (xrf0);
	(xrf0) =	vmax.scan.msk.f32 $0xffff, v7;
	v7 =	vld [tilespmem:$0x1D920]  }
0xdd: {  	v27, _, _ =	vpop (xrf0);
	(xrf0) =	vmax.scan.msk.f32 $0xffff, v8;
	v8 =	vld [tilespmem:$0x1D930]  }
0xde: {  	v38 =	vld [tilespmem:$0x1D940];
	v28, _, _ =	vpop (xrf0);
	(xrf0) =	vmax.scan.msk.f32 $0xffff, v36  }
0xdf: {  	v39 =	vld [tilespmem:$0x1D950];
	v29, _, _ =	vpop (xrf0);
	(xrf0) =	vmax.scan.msk.f32 $0xffff, v37  }
0xe0: {  	v40 =	vld [tilespmem:$0x1D960];
	v30, _, _ =	vpop (xrf0);
	(xrf0) =	vmax.scan.msk.f32 $0xffff, v26  }
0xe1: {  	v31, _, _ =	vpop (xrf0);
	(xrf0) =	vmax.scan.msk.f32 $0xffff, v7;
	v7 =	vld [tilespmem:$0x1D970]  }
0xe2: {  	v32, _, _ =	vpop (xrf0);
	(xrf0) =	vmax.scan.msk.f32 $0xffff, v8;
	v8 =	vld [tilespmem:$0x1D980]  }
0xe3: {  	v33, _, _ =	vpop (xrf0);
	(xrf0) =	vmax.scan.msk.f32 $0xffff, v38  }
0xe4: {  	v41 =	vld [tilespmem:$0x1D990];
	v34, _, _ =	vpop (xrf0);
	(xrf0) =	vmax.scan.msk.f32 $0xffff, v39  }
0xe5: {  	v42 =	vld [tilespmem:$0x1D9A0];
	v35, _, _ =	vpop (xrf0);
	(xrf0) =	vmax.scan.msk.f32 $0xffff, v40  }
0xe6: {  	v43 =	vld [tilespmem:$0x1D9B0];
	v44 =	vbroadcast v58, $0xF;
	v36, _, _ =	vpop (xrf0);
	(xrf0) =	vmax.scan.msk.f32 $0xffff, v7  }
0xe7: {  	v13 =	vbroadcast v59, $0xF;
	v7 =	vld [tilespmem:$0x1D9C0];
	v37, _, _ =	vpop (xrf0);
	(xrf0) =	vmax.scan.msk.f32 $0xffff, v8;
	v8 =	vbroadcast v57, $0xF  }
0xe8: {  	v47 =	vbroadcast v61, $0xF;
	v15 =	vbroadcast v63, $0xF;
	v38 =	vld [tilespmem:$0x1D9D0]  }
0xe9: {  	v45 =	vld [tilespmem:$0x1D9E0];
	v49 =	vbroadcast v16, $0xF;
	v51 =	vbroadcast v17, $0xF;
	v12, _, _ =	vpop (xrf0);
	(xrf0) =	vmax.scan.msk.f32 $0xffff, v41;
	v8 =	vsel vm0, v8, v44  }
0xea: {  	v46 =	vld [tilespmem:$0x1D9F0];
	v53 =	vbroadcast v18, $0xF;
	v55 =	vbroadcast v19, $0xF;
	v39, _, _ =	vpop (xrf0);
	(xrf0) =	vmax.scan.msk.f32 $0xffff, v42  }
0xeb: {  	v48 =	vld [tilespmem:$0x1DA00];
	v59 =	vbroadcast v21, $0xF;
	v23 =	vbroadcast v23, $0xF;
	v14, _, _ =	vpop (xrf0);
	(xrf0) =	vmax.scan.msk.f32 $0xffff, v43  }
0xec: {  	v24 =	vbroadcast v24, $0xF;
	v25 =	vbroadcast v25, $0xF;
	v40 =	vld [tilespmem:$0x1DA10];
	v13 =	vsel vm1, v8, v13;
	v8, _, _ =	vpop (xrf0);
	(xrf0) =	vmax.scan.msk.f32 $0xffff, v7  }
0xed: {  	v50 =	vld [tilespmem:$0x1DA20];
	v61 =	vbroadcast v27, $0xF;
	v62 =	vbroadcast v28, $0xF;
	v7, _, _ =	vpop (xrf0);
	(xrf0) =	vmax.scan.msk.f32 $0xffff, v38  }
0xee: {  	v52 =	vld [tilespmem:$0x1DA30];
	v57 =	vbroadcast v20, $0xF;
	v41 =	vbroadcast v29, $0xF;
	v17, _, _ =	vpop (xrf0);
	(xrf0) =	vmax.scan.msk.f32 $0xffff, v45  }
0xef: {  	vm15 =	veq.s32 v4, $0xF;
	v54 =	vld [tilespmem:$0x1DA40];
	v12 =	vbroadcast v12, $0xF;
	v43 =	vbroadcast v30, $0xF;
	v18, _, _ =	vpop (xrf0);
	(xrf0) =	vmax.scan.msk.f32 $0xffff, v46  }
0xf0: {  	v56 =	vld [tilespmem:$0x1DA50];
	v11 =	vsel vm2, v13, v47;
	v13 =	vsel vm0, v61, v62;
	v47 =	vbroadcast v32, $0xF;
	v19, _, _ =	vpop (xrf0);
	(xrf0) =	vmax.scan.msk.f32 $0xffff, v48  }
0xf1: {  	v58 =	vld [tilespmem:$0x1DA60];
	v14 =	vbroadcast v14, $0xF;
	v11 =	vsel vm3, v11, v15;
	v13 =	vsel vm1, v13, v41;
	v20, _, _ =	vpop (xrf0);
	(xrf0) =	vmax.scan.msk.f32 $0xffff, v40  }
0xf2: {  	v60 =	vld [tilespmem:$0x1DA70];
	v11 =	vsel vm4, v11, v49;
	v13 =	vsel vm2, v13, v43;
	v49 =	vbroadcast v33, $0xF;
	v21, _, _ =	vpop (xrf0);
	(xrf0) =	vmax.scan.msk.f32 $0xffff, v50  }
0xf3: {  	v63 =	vld [tilespmem:$0x1DA80];
	v8 =	vbroadcast v8, $0xF;
	v11 =	vsel vm5, v11, v51;
	v45 =	vbroadcast v31, $0xF;
	v28, _, _ =	vpop (xrf0);
	(xrf0) =	vmax.scan.msk.f32 $0xffff, v52  }
0xf4: {  	v42 =	vld [tilespmem:$0x1DA90];
	v51 =	vbroadcast v34, $0xF;
	v11 =	vsel vm6, v11, v53;
	v53 =	vbroadcast v35, $0xF;
	v29, _, _ =	vpop (xrf0);
	(xrf0) =	vmax.scan.msk.f32 $0xffff, v54  }
0xf5: {  	v44 =	vld [tilespmem:$0x1DAA0];
	v17 =	vbroadcast v17, $0xF;
	v11 =	vsel vm7, v11, v55;
	v13 =	vsel vm3, v13, v45;
	v30, _, _ =	vpop (xrf0);
	(xrf0) =	vmax.scan.msk.f32 $0xffff, v56  }
0xf6: {  	v46 =	vld [tilespmem:$0x1DAB0];
	v55 =	vbroadcast v36, $0xF;
	v11 =	vsel vm8, v11, v57;
	v40 =	vbroadcast v22, $0xF;
	v22, _, _ =	vpop (xrf0);
	(xrf0) =	vmax.scan.msk.f32 $0xffff, v58  }
0xf7: {  	v48 =	vld [tilespmem:$0x1DAC0];
	v18 =	vbroadcast v18, $0xF;
	v13 =	vsel vm4, v13, v47;
	v11 =	vsel vm9, v11, v59;
	v27, _, _ =	vpop (xrf0);
	(xrf0) =	vmax.scan.msk.f32 $0xffff, v60  }
0xf8: {  	v61 =	vbroadcast v19, $0xF;
	v50 =	vld [tilespmem:$0x1DAD0];
	v13 =	vsel vm5, v13, v49;
	v11 =	vsel vm10, v11, v40;
	v32, _, _ =	vpop (xrf0);
	(xrf0) =	vmax.scan.msk.f32 $0xffff, v63  }
0xf9: {  	v17 =	vsel vm0, v17, v18;
	v36 =	vbroadcast v20, $0xF;
	v52 =	vld [tilespmem:$0x1DAE0];
	v11 =	vsel vm11, v11, v23;
	v33, _, _ =	vpop (xrf0);
	(xrf0) =	vmax.scan.msk.f32 $0xffff, v42  }
0xfa: {  	v13 =	vsel vm6, v13, v51;
	v40 =	vbroadcast v21, $0xF;
	v54 =	vld [tilespmem:$0x1DAF0];
	v11 =	vsel vm12, v11, v24;
	v24, _, _ =	vpop (xrf0);
	(xrf0) =	vmax.scan.msk.f32 $0xffff, v44  }
0xfb: {  	v57 =	vsel vm7, v13, v53;
	v56 =	vld [tilespmem:$0x1DB00];
	v11 =	vsel vm13, v11, v25;
	v58 =	vbroadcast v37, $0xF;
	v25, _, _ =	vpop (xrf0);
	(xrf0) =	vmax.scan.msk.f32 $0xffff, v46  }
0xfc: {  	v59 =	vld [tilespmem:$0x1DB10];
	v43 =	vbroadcast v28, $0xF;
	v6 =	vsel vm14, v11, v6;
	v11 =	vsel vm8, v57, v55;
	v15, _, _ =	vpop (xrf0);
	(xrf0) =	vmax.scan.msk.f32 $0xffff, v48  }
0xfd: {  	v60 =	vld [tilespmem:$0x1DB20];
	v11 =	vsel vm9, v11, v58;
	v63 =	vbroadcast v39, $0xF;
	v39 =	vsel vm1, v17, v61;
	v23, _, _ =	vpop (xrf0);
	(xrf0) =	vmax.scan.msk.f32 $0xffff, v50  }
0xfe: {  	v62 =	vld [tilespmem:$0x1DB30];
	v49 =	vbroadcast v30, $0xF;
	v11 =	vsel vm10, v11, v12;
	v12 =	vsel vm2, v39, v36;
	v19, _, _ =	vpop (xrf0);
	(xrf0) =	vmax.scan.msk.f32 $0xffff, v52  }
0xff: {  	v38 =	vld [tilespmem:$0x1DB40];
	v11 =	vsel vm11, v11, v63;
	v12 =	vsel vm3, v12, v40;
	v34 =	vbroadcast v33, $0xF;
	v37, _, _ =	vpop (xrf0);
	(xrf0) =	vmax.scan.msk.f32 $0xffff, v54  }
0x100: {  	v42 =	vld [tilespmem:$0x1DB50];
	v46 =	vbroadcast v29, $0xF;
	v12 =	vsel vm4, v12, v43;
	v11 =	vsel vm12, v11, v14;
	v41, _, _ =	vpop (xrf0);
	(xrf0) =	vmax.scan.msk.f32 $0xffff, v56  }
0x101: {  	v45 =	vld [tilespmem:$0x1DB60];
	v24 =	vbroadcast v24, $0xF;
	v8 =	vsel vm13, v11, v8;
	v25 =	vbroadcast v25, $0xF;
	v44, _, _ =	vpop (xrf0);
	(xrf0) =	vmax.scan.msk.f32 $0xffff, v59  }
0x102: {  	v48 =	vld [tilespmem:$0x1DB70];
	v12 =	vsel vm5, v12, v46;
	v7 =	vsel vm14, v8, v7;
	v52 =	vbroadcast v22, $0xF;
	v47, _, _ =	vpop (xrf0);
	(xrf0) =	vmax.scan.msk.f32 $0xffff, v60  }
0x103: {  	v51 =	vld [tilespmem:$0x1DB80];
	v55 =	vsel vm6, v12, v49;
	v56 =	vbroadcast v27, $0xF;
	v63 =	vbroadcast v37, $0xF;
	v50, _, _ =	vpop (xrf0);
	(xrf0) =	vmax.scan.msk.f32 $0xffff, v62  }
0x104: {  	v54 =	vld [tilespmem:$0x1DB90];
	v8 =	vsel vm7, v55, v52;
	v59 =	vbroadcast v32, $0xF;
	v62 =	vbroadcast v19, $0xF;
	v53, _, _ =	vpop (xrf0);
	(xrf0) =	vmax.scan.msk.f32 $0xffff, v38  }
0x105: {  	v15 =	vbroadcast v15, $0xF;
	v17 =	vbroadcast v41, $0xF;
	v8 =	vsel vm8, v8, v56;
	v57, _, _ =	vpop (xrf0);
	(xrf0) =	vmax.scan.msk.f32 $0xffff, v42  }
0x106: {  	v58 =	vld [tilespmem:$0x1DBA0];
	v37 =	vbroadcast v44, $0xF;
	v8 =	vsel vm9, v8, v59;
	v12 =	vsel vm0, v62, v63;
	v60, _, _ =	vpop (xrf0);
	(xrf0) =	vmax.scan.msk.f32 $0xffff, v45  }
0x107: {  	v61 =	vld [tilespmem:$0x1DBB0];
	v41 =	vbroadcast v47, $0xF;
	v8 =	vsel vm10, v8, v34;
	v40 =	vsel vm1, v12, v17;
	v31, _, _ =	vpop (xrf0);
	(xrf0) =	vmax.scan.msk.f32 $0xffff, v48  }
0x108: {  	v32 =	vld [tilespmem:$0x1DBC0];
	v44 =	vbroadcast v50, $0xF;
	v8 =	vsel vm11, v8, v24;
	v11 =	vsel vm2, v40, v37;
	v35, _, _ =	vpop (xrf0);
	(xrf0) =	vmax.scan.msk.f32 $0xffff, v51  }
0x109: {  	v36 =	vld [tilespmem:$0x1DBD0];
	v47 =	vbroadcast v53, $0xF;
	vm0 =	vcmask $0x704;
	v11 =	vsel vm3, v11, v41;
	v38, _, _ =	vpop (xrf0);
	(xrf0) =	vmax.scan.msk.f32 $0xffff, v54  }
0x10a: {  	v39 =	vld [tilespmem:$0x1DBE0];
	v18 =	vbroadcast v57, $0xF;
	v8 =	vsel vm12, v8, v25;
	v11 =	vsel vm4, v11, v44;
	v42, _, _ =	vpop (xrf0)  }
0x10b: {  	v43 =	vld [tilespmem:$0x1DBF0];
	v52 =	vbroadcast v60, $0xF;
	v8 =	vsel vm13, v8, v15;
	(xrf0) =	vmax.scan.msk.f32 $0xffff, v58;
	v11 =	vsel vm5, v11, v47;
	v45, _, _ =	vpop (xrf0)  }
0x10c: {  	v46 =	vld [tilespmem:$0x1DC00];
	v8 =	vsel vm14, v8, v23;
	v20 =	vbroadcast v31, $0xF;
	(xrf0) =	vmax.scan.msk.f32 $0xffff, v61;
	v11 =	vsel vm6, v11, v18;
	v48, _, _ =	vpop (xrf0)  }
0x10d: {  	v49 =	vld [tilespmem:$0x1DC10];
	v63 =	vbroadcast v35, $0xF;
	v25 =	vbroadcast v38, $0xF;
	(xrf0) =	vmax.scan.msk.f32 $0xffff, v32;
	v11 =	vsel vm7, v11, v52;
	v50, _, _ =	vpop (xrf0)  }
0x10e: {  	v51 =	vld [tilespmem:$0x1DC20];
	v27 =	vbroadcast v42, $0xF;
	v33 =	vbroadcast v45, $0xF;
	(xrf0) =	vmax.scan.msk.f32 $0xffff, v36;
	v11 =	vsel vm8, v11, v20;
	v53, _, _ =	vpop (xrf0)  }
0x10f: {  	v54 =	vld [tilespmem:$0x1DC30];
	v14 =	vbroadcast v48, $0xF;
	(xrf0) =	vmax.scan.msk.f32 $0xffff, v39;
	v10 =	vsel vm9, v11, v63;
	v13 =	vbroadcast v53, $0xF;
	v55, _, _ =	vpop (xrf0)  }
0x110: {  	v56 =	vld [tilespmem:$0x1DC40];
	(xrf0) =	vmax.scan.msk.f32 $0xffff, v43;
	v10 =	vsel vm10, v10, v25;
	v43 =	vmax.f32 v6, v7;
	v57 =	vbroadcast v55, $0xF  }
0x111: {  	v59 =	vld [tilespmem:$0x1DC50];
	v58, _, _ =	vpop (xrf0);
	(xrf0) =	vmax.scan.msk.f32 $0xffff, v46;
	v9 =	vsel vm11, v10, v27;
	v44 =	vmax.f32 v43, v8;
	v13 =	vsel vm15, $0xFF61B1E6, v13  }
0x112: {  	v61 =	vld [tilespmem:$0x1DC60];
	v15 =	vbroadcast v58, $0xF;
	v60, _, _ =	vpop (xrf0);
	(xrf0) =	vmax.scan.msk.f32 $0xffff, v49;
	v9 =	vsel vm12, v9, v33;
	v12 =	vsel vm0, v57, v13  }
0x113: {  	v62, _, _ =	vpop (xrf0);
	(xrf0) =	vmax.scan.msk.f32 $0xffff, v51;
	v21 =	vbroadcast v60, $0xF;
	vm0 =	vcmask $0x73C;
	v9 =	vsel vm13, v9, v14  }
0x114: {  	v12 =	vsel vm0, v12, v15;
	v20, _, _ =	vpop (xrf0);
	(xrf0) =	vmax.scan.msk.f32 $0xffff, v54;
	v13 =	vbroadcast v62, $0xF;
	vm0 =	vcmask $0xB3C  }
0x115: {  	v21 =	vsel vm0, v12, v21;
	v22, _, _ =	vpop (xrf0);
	(xrf0) =	vmax.scan.msk.f32 $0xffff, v56;
	v15 =	vbroadcast v20, $0xF;
	vm0 =	vcmask $0xF3C  }
0x116: {  	v11 =	vsel vm0, v21, v13;
	v23, _, _ =	vpop (xrf0);
	(xrf0) =	vmax.scan.msk.f32 $0xffff, v59;
	v12 =	vbroadcast v22, $0xF;
	vm0 =	vcmask $0x133C  }
0x117: {  	v11 =	vsel vm0, v11, v15;
	v26, _, _ =	vpop (xrf0);
	(xrf0) =	vmax.scan.msk.f32 $0xffff, v61;
	v13 =	vbroadcast v23, $0xF;
	vm0 =	vcmask $0x173C  }
0x118: {  	v11 =	vsel vm0, v11, v12;
	v28 =	vbroadcast v26, $0xF;
	v29, _, _ =	vpop (xrf0);
	vm0 =	vcmask $0x1B3C  }
0x119: {  	v30 =	vsel vm0, v11, v13;
	v31 =	vbroadcast v29, $0xF;
	v32, _, _ =	vpop (xrf0);
	vm0 =	vcmask $0x1F3C  }
0x11a: {  	v10 =	vsel vm0, v30, v28;
	v34 =	vbroadcast v32, $0xF;
	v35, _, _ =	vpop (xrf0);
	vm0 =	vcmask $0x233C  }
0x11b: {  	v10 =	vsel vm0, v10, v31;
	v36 =	vbroadcast v35, $0xF;
	v37, _, _ =	vpop (xrf0);
	vm0 =	vcmask $0x273C  }
0x11c: {  	v10 =	vsel vm0, v10, v34;
	v38 =	vbroadcast v37, $0xF;
	v39, _, _ =	vpop (xrf0);
	vm0 =	vcmask $0x2B3C  }
0x11d: {  	v10 =	vsel vm0, v10, v36;
	v40 =	vbroadcast v39, $0xF;
	v41, _, _ =	vpop (xrf0);
	vm0 =	vcmask $0x2F3C  }
0x11e: {  	v10 =	vsel vm0, v10, v38;
	v42 =	vbroadcast v41, $0xF;
	vm0 =	vcmask $0x333C  }
0x11f: {  	v9 =	vsel vm14, v9, v50;
	v10 =	vsel vm0, v10, v40;
	vm0 =	vcmask $0x373C  }
0x120: {  	v11 =	vmax.f32 v44, v9;
	v10 =	vsel vm0, v10, v42  }
0x121: {  	v11 =	vmax.f32 v11, v10  }
0x122: {  	(xrf0) =	vmax.scan.msk.f32 $0xffff, v11;
	_ =	sdelay $0x5  }
0x123: {  	v11, _, _ =	vpop (xrf0)  }
0x124: {  	v45 =	vbroadcast v11, $0xF;
	_ =	sdelay $0x1  }
0x125: {  	vm15 =	veq.f32 v10, v45  }
0x126: {  	v46 =	vmctz.xlane vm15;
	vm15 =	veq.f32 v9, v45  }
0x127: {  	v47 =	vmctz.xlane vm15  }
0x128: {  	vm15 =	vlt.s32 v46, $0x10;
	v13 =	vadd.s32 $0x40, v46  }
0x129: {  	v13 =	vnsel vm15, $0x40000000, v13;
	vm0 =	vlt.s32 v47, $0x10;
	vm15 =	veq.f32 v8, v45  }
0x12a: {  	v14 =	vadd.s32 $0x30, v47;
	v48 =	vmctz.xlane vm15;
	vm15 =	veq.f32 v7, v45  }
0x12b: {  	v13 =	vsel vm0, v14, v13;
	v49 =	vmctz.xlane vm15;
	vm15 =	veq.f32 v6, v45  }
0x12c: {  	vm0 =	vlt.s32 v48, $0x10;
	v15 =	vadd.s32 $0x20, v48;
	v50 =	vmctz.xlane vm15  }
0x12d: {  	v13 =	vsel vm0, v15, v13;
	vm15 =	vlt.s32 v49, $0x10;
	v14 =	vadd.s32 $0x10, v49  }
0x12e: {  	v13 =	vsel vm15, v14, v13;
	vm15 =	vlt.s32 v50, $0x10  }
0x12f: {  	v13 =	vsel vm15, v50, v13  }
0x130: {  	vm15 =	vlt.s32 v13, $0x4E  }
0x131: {  	v51 =	vnsel vm15, $0x4E, v13  }
0x132: {  	v52 =	vshll.u32 v51, $0x4  }
0x133: {  	[tilespmem:$0x1DC80] =	vst v6;
	v53 =	vor.u32 v4, v52  }
0x134: {  	[tilespmem:$0x1DC90] =	vst v7  }
0x135: {  	[tilespmem:$0x1DCA0] =	vst v8  }
0x136: {  	[tilespmem:$0x1DCB0] =	vst v9  }
0x137: {  	[tilespmem:$0x1DCC0] =	vst v10  }
0x138: {  	v8 =	vld.idx.msk [tilespmem:v53+s19+$0x0], $0xffff;
	_ =	sdelay $0x4  }
0x139: {  	vm15 =	veq.f32 v8, v45  }
0x13a: {  	v54 =	vmctz.xlane vm15;
	_ =	sdelay $0x1  }
0x13b: {  	vm15 =	vlt.s32 v54, $0xF  }
0x13c: {  	v6 =	vnsel vm15, $0xF, v54  }
0x13d: {  	v6 =	vadd.s32 v6, v52  }
0x13e: {  	v6 =	vshll.u32 v6, $0x4  }
0x13f: {  	v55 =	vor.u32 v4, v6;
	_ =	sdelay $0x3  }
0x140: {  	s25 =	simm.s32 $0x0  }
0x141: {  	v56 =	vld.idx.msk [tilespmem:v55+s25+$0x0], $0xffff;
	_ =	sdelay $0x4  }
0x142: {  	vm15 =	veq.f32 v56, v45  }
0x143: {  	v7 =	vmctz.xlane vm15;
	_ =	sdelay $0x1  }
0x144: {  	vm15 =	vlt.s32 v7, $0xF  }
0x145: {  	v7 =	vnsel vm15, $0xF, v7  }
0x146: {  	vm15 =	veq.s32 v7, v4  }
0x147: {  	(v2sf) =	vpush v11, $0xF;
	v57 =	vsel vm15, $0xFF61B1E6, v56  }
0x148: {  	(xrf0) =	vmax.scan.msk.f32 $0xffff, v57;
	_ =	sdelay $0x2  }
0x149: {  	v58 =	vshra.s32 v51, $0x1F;
	v59 =	vand.u32 $0xF, v51  }
0x14a: {  	vm0 =	vlt.s32 v13, $0x1;
	v11 =	vshrl.u32 v58, $0x1C;
	vm15 =	vne.s32 v59, $0x0  }
0x14b: {  	v11 =	vadd.s32 v11, v51;
	vm15 =	vmand vm0, vm15  }
0x14c: {  	v11 =	vshrl.u32 v11, $0x4;
	v61 =	vsel vm15, $0xFFFFFFFF, v5;
	v60, _, _ =	vpop (xrf0)  }
0x14d: {  	v11 =	vadd.s32 v61, v11;
	v13 =	vbroadcast v60, $0xF  }
0x14e: {  	vm15 =	veq.s32 v54, v4;
	v62 =	vshll.u32 v11, $0x4  }
0x14f: {  	v11 =	vor.u32 v4, v62;
	v8 =	vsel vm15, v13, v8  }
0x150: {  	(xrf0) =	vmax.scan.msk.f32 $0xffff, v8;
	_ =	sdelay $0x1  }
0x151: {  	[tilespmem:v55+s25+$0x0] =	vst.idx.msk $0xffff, v57  }
0x152: {  	[tilespmem:v53+s19+$0x0] =	vst.idx.msk $0xffff, v8  }
0x153: {  	s26 =	spop (v2sf);
	v8 =	vld.idx.msk [tilespmem:v11+s20+$0x0], $0xffff  }
0x154: {  	p0 =	sgt.f32 s26, $5.000000070e-02  }
.Ltmp6:
0x155: {  	v63, _, _ =	vpop (xrf0);
	(pc) =	sbr.rel @!p0 .LBB2_21-.Ltmp6, $4  }
0x156: {  	v9 =	vsub.s32 v51, v62;
	v10 =	vbroadcast v63, $0xF  }
0x157: {  	vm15 =	veq.s32 v9, v4  }
0x158: {  	v8 =	vsel vm15, v10, v8  }
0x159: {  	[tilespmem:v11+s20+$0x0] =	vst.idx.msk $0xffff, v8  }
0x15a: {  	v7 =	vadd.s32 v7, v6;
	_ =	sdelay $0x4  }
.Ltmp7:
0x15b: {  	v10 =	vld.idx.msk [tilespmem:v7+s14+$0x0], $0xffff;
	(pc) =	sbr.rel .LBB2_10-.Ltmp7, $4  }
0x15c: {  	v9 =	vld.idx.msk [tilespmem:v7+s15+$0x0], $0xffff  }
0x15d: {  	v8 =	vld.idx.msk [tilespmem:v7+s16+$0x0], $0xffff  }
0x15e: {  	v6 =	vld.idx.msk [tilespmem:v7+s17+$0x0], $0xffff  }
0x15f: {  	v7 =	vld.idx.msk [tilespmem:v7+s18+$0x0], $0xffff  }
.LBB2_23:
0x160: {  	v13 =	vimm.f32 $0.0e+00  }
.LBB2_20:
0x161: {  	(xrf0) =	vmax.scan.msk.f32 $0xffff, v13;
	_ =	sdelay $0x5  }
0x162: {  	v13, _, _ =	vpop (xrf0)  }
0x163: {  	(v2sf) =	vpush v13, $0xF;
	_ =	sdelay $0xd  }
0x164: {  	v11 =	vadd.s32 v12, v11  }
0x165: {  	s0 =	spop (v2sf)  }
0x166: {  	p0 =	sgt.f32 s0, $0.0e+00;
	_ =	sdelay $0x1  }
0x167: {  	s1 =	simm.s32 $0x1;
	v13 =	vmov @!p0 s25;
	p1 =	por !p0, !p0  }
0x168: {  	v12 =	vld.idx.msk [tilespmem:v11+s14+$0x0], $0xffff;
	s1 =	simm.s32 @!p1 $0x0  }
0x169: {  	v14 =	vld.idx.msk [tilespmem:v11+s15+$0x0], $0xffff;
	s25 =	sadd.s32 s1, s25  }
0x16a: {  	v15 =	vld.idx.msk [tilespmem:v11+s16+$0x0], $0xffff;
	p1 =	sgt.u32 s25, $0x12B  }
0x16b: {  	v16 =	vld.idx.msk [tilespmem:v11+s17+$0x0], $0xffff;
	s0 =	simm.s32 @!p0 $0x1DD00;
	p2 =	sgt.f32 @!p1 s28, $5.000000070e-02  }
0x16c: {  	v11 =	vld.idx.msk [tilespmem:v11+s18+$0x0], $0xffff;
	v18 =	vlaneseq.u32 @!p0;
	vm0 =	vcmask @!p0 $0x310;
	v17 =	vshll.u32 @!p0 v13, $0x2;
	[tilespmem:v13+s0+$0x0] =	vst.idx.msk @!p0 $0x1, v10;
	s0 =	simm.s32 @!p0 $0x1DE80  }
0x16d: {  	v17 =	vadd.s32 @!p0 v18, v17;
	[tilespmem:v13+s0+$0x0] =	vst.idx.msk @!p0 $0x1, v9;
	s0 =	simm.s32 @!p0 $0x1E000;
	v9 =	vsel @!p0 vm0, v10, v9;
	vm0 =	vcmask @!p0 $0x710;
	p1 =	por p1, !p2  }
.Ltmp8:
0x16e: {  	[tilespmem:v13+s0+$0x0] =	vst.idx.msk @!p0 $0x1, v8;
	s0 =	simm.s32 @!p0 $0x1E180;
	v8 =	vsel @!p0 vm0, v9, v8;
	vm0 =	vcmask @!p0 $0xB10;
	(pc) =	sbr.rel @p1 .LBB2_21-.Ltmp8, $4  }
0x16f: {  	v10 =	vmov @!p0 s26;
	[tilespmem:v13+s0+$0x0] =	vst.idx.msk @!p0 $0x1, v6;
	s0 =	simm.s32 @!p0 $0x1E800;
	v6 =	vsel @!p0 vm0, v8, v6  }
0x170: {  	[tilespmem:v13+s0+$0x0] =	vst.idx.msk @!p0 $0x1, v10;
	s0 =	simm.s32 @!p0 $0x1E980  }
0x171: {  	[tilespmem:v13+s0+$0x0] =	vst.idx.msk @!p0 $0x1, v7;
	s0 =	simm.s32 @!p0 $0x1E300  }
0x172: {  	s26 =	smov.u32 s28;
	v9 =	vmovc v14;
	v10 =	vmovc v12;
	v7 =	vmov v11;
	v8 =	vmov v15;
	[tilespmem:v17+s0+$0x0] =	vst.idx.msk @!p0 $0xf, v6;
	v6 =	vmov v16  }
.LBB2_10:
0x173: {  	v11 =	vld [tilespmem:$0x1DC80]  }
0x174: {  	v12 =	vld [tilespmem:$0x1DC90]  }
0x175: {  	v13 =	vld [tilespmem:$0x1DCA0]  }
0x176: {  	v14 =	vld [tilespmem:$0x1DCB0]  }
0x177: {  	v15 =	vld [tilespmem:$0x1DCC0];
	_ =	sdelay $0x1  }
0x178: {  	v16 =	vmax.f32 v11, v12  }
0x179: {  	v16 =	vmax.f32 v16, v13  }
0x17a: {  	v16 =	vmax.f32 v16, v14  }
0x17b: {  	v16 =	vmax.f32 v16, v15  }
0x17c: {  	(xrf0) =	vmax.scan.msk.f32 $0xffff, v16;
	_ =	sdelay $0x5  }
0x17d: {  	v16, _, _ =	vpop (xrf0)  }
0x17e: {  	v17 =	vbroadcast v16, $0xF;
	_ =	sdelay $0x1  }
0x17f: {  	vm15 =	veq.f32 v15, v17  }
0x180: {  	v15 =	vmctz.xlane vm15;
	vm15 =	veq.f32 v14, v17  }
0x181: {  	v14 =	vmctz.xlane vm15  }
0x182: {  	vm15 =	vlt.s32 v15, $0x10;
	v15 =	vadd.s32 $0x40, v15  }
0x183: {  	vm0 =	veq.f32 v13, v17;
	v15 =	vnsel vm15, $0x40000000, v15;
	vm15 =	vlt.s32 v14, $0x10  }
0x184: {  	v13 =	vadd.s32 $0x30, v14;
	v14 =	vmctz.xlane vm0;
	vm0 =	veq.f32 v12, v17  }
0x185: {  	v12 =	vsel vm15, v13, v15;
	v13 =	vmctz.xlane vm0;
	vm0 =	veq.f32 v11, v17  }
0x186: {  	vm15 =	vlt.s32 v14, $0x10;
	v11 =	vadd.s32 $0x20, v14;
	v14 =	vmctz.xlane vm0  }
0x187: {  	v11 =	vsel vm15, v11, v12;
	vm0 =	vlt.s32 v13, $0x10;
	v12 =	vadd.s32 $0x10, v13  }
0x188: {  	v11 =	vsel vm0, v12, v11;
	vm0 =	vlt.s32 v14, $0x10  }
0x189: {  	v13 =	vsel vm0, v14, v11  }
0x18a: {  	vm0 =	vlt.s32 v13, $0x4E  }
0x18b: {  	v14 =	vnsel vm0, $0x4E, v13  }
0x18c: {  	v11 =	vshll.u32 v14, $0x4  }
0x18d: {  	v15 =	vor.u32 v4, v11;
	_ =	sdelay $0x4  }
0x18e: {  	v18 =	vld.idx.msk [tilespmem:v15+s19+$0x0], $0xffff;
	_ =	sdelay $0x4  }
0x18f: {  	vm0 =	veq.f32 v18, v17  }
0x190: {  	v19 =	vmctz.xlane vm0;
	_ =	sdelay $0x1  }
0x191: {  	vm0 =	vlt.s32 v19, $0xF  }
0x192: {  	v12 =	vnsel vm0, $0xF, v19  }
0x193: {  	v11 =	vadd.s32 v12, v11  }
0x194: {  	v11 =	vshll.u32 v11, $0x4  }
0x195: {  	v20 =	vor.u32 v4, v11;
	_ =	sdelay $0x4  }
0x196: {  	v21 =	vld.idx.msk [tilespmem:v20+s2+$0x0], $0xffff;
	_ =	sdelay $0x4  }
0x197: {  	vm0 =	veq.f32 v21, v17  }
0x198: {  	v12 =	vmctz.xlane vm0;
	_ =	sdelay $0x1  }
0x199: {  	vm0 =	vlt.s32 v12, $0xF  }
0x19a: {  	v12 =	vnsel vm0, $0xF, v12  }
0x19b: {  	vm0 =	veq.s32 v12, v4  }
0x19c: {  	v58 =	vsel vm0, $0xFF61B1E6, v21  }
0x19d: {  	(xrf0) =	vmax.scan.msk.f32 $0xffff, v58;
	_ =	sdelay $0x2  }
0x19e: {  	v59 =	vshra.s32 v14, $0x1F;
	v22 =	vand.u32 $0xF, v14  }
0x19f: {  	vm15 =	vne.s32 v22, $0x0;
	vm0 =	vlt.s32 v13, $0x1;
	v13 =	vshrl.u32 v59, $0x1C  }
0x1a0: {  	(v2sf) =	vpush v16, $0xF;
	v13 =	vadd.s32 v13, v14;
	vm0 =	vmand vm0, vm15  }
0x1a1: {  	v13 =	vshrl.u32 v13, $0x4;
	v61 =	vsel vm0, $0xFFFFFFFF, v5;
	v60, _, _ =	vpop (xrf0)  }
0x1a2: {  	v13 =	vadd.s32 v61, v13;
	v16 =	vbroadcast v60, $0xF  }
0x1a3: {  	vm0 =	veq.s32 v19, v4;
	v13 =	vshll.u32 v13, $0x4  }
0x1a4: {  	v62 =	vor.u32 v4, v13;
	v16 =	vsel vm0, v16, v18  }
0x1a5: {  	(xrf0) =	vmax.scan.msk.f32 $0xffff, v16;
	_ =	sdelay $0x1  }
0x1a6: {  	[tilespmem:v20+s2+$0x0] =	vst.idx.msk $0xffff, v58  }
0x1a7: {  	s0 =	sadd.s32 $0x1F, s25;
	[tilespmem:v15+s19+$0x0] =	vst.idx.msk $0xffff, v16  }
0x1a8: {  	s0 =	sshrl.u32 s0, $0x5;
	v15 =	vld.idx.msk [tilespmem:v62+s20+$0x0], $0xffff  }
0x1a9: {  	p0 =	seq.s32 s0, $0x0  }
.Ltmp9:
0x1aa: {  	v63, _, _ =	vpop (xrf0);
	(pc) =	sbr.rel @p0 .LBB2_23-.Ltmp9, $4  }
0x1ab: {  	v13 =	vsub.s32 v14, v13;
	v14 =	vbroadcast v63, $0xF  }
0x1ac: {  	vm0 =	veq.s32 v13, v4  }
0x1ad: {  	v13 =	vsel vm0, v14, v15  }
0x1ae: {  	s28 =	spop (v2sf);
	[tilespmem:v62+s20+$0x0] =	vst.idx.msk $0xffff, v13  }
0x1af: {  	s31 =	simm.s32 $0x1DD10  }
0x1b0: {  	s30 =	simm.s32 $0x1DE90;
	v18 =	vld [tilespmem:s31+$0xFFFFFFF0]  }
0x1b1: {  	s29 =	simm.s32 $0x1E010;
	v20 =	vld [tilespmem:s30+$0xFFFFFFF0]  }
0x1b2: {  	s1 =	simm.s32 $0x1E190;
	v22 =	vld [tilespmem:s29+$0xFFFFFFF0]  }
0x1b3: {  	v23 =	vld [tilespmem:s1+$0xFFFFFFF0]  }
0x1b4: {  	p2 =	sne.s32 s0, $0x1  }
.Ltmp10:
0x1b5: {  	v13 =	vsub.f32 v8, v10;
	v14 =	vsub.f32 v6, v9;
	(pc) =	sbr.rel @!p2 .LBB2_12-.Ltmp10, $4  }
0x1b6: {  	v17 =	vld [tilespmem:s31+$0x0]  }
0x1b7: {  	v16 =	vld [tilespmem:s30+$0x0];
	v13 =	vmul.f32 v14, v13  }
0x1b8: {  	v19 =	vld [tilespmem:s29+$0x0];
	v14 =	vsub.f32 v22, v18;
	v15 =	vsub.f32 v23, v20;
	v21 =	vmax.f32 v10, v18  }
0x1b9: {  	s0 =	sadd.s32 $0xFFFFFFFF, s0;
	p0 =	por $0x0, $0x0;
	p1 =	por $0x0, $0x0;
	v18 =	vmax.f32 v9, v20;
	v20 =	vld [tilespmem:s1+$0x0];
	v27 =	vmin.f32 v8, v22;
	v24 =	vmin.f32 v6, v23  }
0x1ba: {  	_ =	sdelay $0x1  }
0x1bb: {  	v21 =	vsub.f32 v27, v21  }
0x1bc: {  	s1 =	simm.s32 $0x1DD30;
	v18 =	vsub.f32 v24, v18;
	v22 =	vsub.f32 v19, v17  }
0x1bd: {  	s30 =	simm.s32 $0x1E030;
	v25 =	vld [tilespmem:s1+$0xFFFFFFF0];
	v17 =	vmax.f32 v10, v17;
	v19 =	vmin.f32 v8, v19;
	v23 =	vsub.f32 v20, v16  }
0x1be: {  	s29 =	simm.s32 $0x1DEB0;
	v27 =	vld [tilespmem:s30+$0xFFFFFFF0];
	v16 =	vmax.f32 v9, v16;
	v20 =	vmin.f32 v6, v20;
	v17 =	vsub.f32 v19, v17  }
0x1bf: {  	s31 =	simm.s32 $0x1E1B0;
	v14 =	vmul.f32 v15, v14;
	v26 =	vld [tilespmem:s29+$0xFFFFFFF0];
	v18 =	vmax.f32 v18, $0.0e+00;
	v16 =	vsub.f32 v20, v16  }
0x1c0: {  	v24 =	vld [tilespmem:s31+$0xFFFFFFF0];
	v19 =	vmax.f32 v21, $0.0e+00;
	v15 =	vmul.f32 v23, v22;
	v17 =	vmax.f32 v17, $0.0e+00  }
0x1c1: {  	p2 =	sne.s32 s0, $0x1;
	v22 =	vmul.f32 v18, v19;
	v18 =	vadd.f32 v14, v13;
	v14 =	vmax.f32 v16, $0.0e+00  }
.Ltmp11:
0x1c2: {  	v23 =	vmul.f32 v14, v17;
	v19 =	vadd.f32 v15, v13;
	(pc) =	sbr.rel @!p2 .LBB2_14-.Ltmp11, $4  }
0x1c3: {  	v16 =	vld [tilespmem:s29+$0x0];
	v14 =	vsub.f32 v27, v25  }
0x1c4: {  	v21 =	vmax.f32 v10, v25;
	v17 =	vld [tilespmem:s1+$0x0];
	v20 =	vsub.f32 v18, v22;
	v29 =	vsub.f32 v19, v23  }
0x1c5: {  	v15 =	vsub.f32 v24, v26;
	v18 =	vmax.f32 v9, v26;
	v27 =	vmin.f32 v8, v27;
	v19 =	vld [tilespmem:s30+$0x0]  }
0x1c6: {  	p0 =	por $0x1, $0x1;
	v24 =	vmin.f32 v6, v24;
	s1 =	sadd.s32 $0xFFFFFFFF, s0;
	v28 =	vadd.f32 $9.999999960e-13, v20;
	v20 =	vld [tilespmem:s31+$0x0];
	v31 =	vadd.f32 $9.999999960e-13, v29  }
0x1c7: {  	_ =	sdelay $0x1  }
0x1c8: {  	v21 =	vsub.f32 v27, v21;
	(erf) = vrcp.f32 v28  }
0x1c9: {  	s29 =	simm.s32 $0x1DD50;
	v18 =	vsub.f32 v24, v18;
	(erf) = vrcp.f32 v31;
	v25 =	vsub.f32 v19, v17  }
0x1ca: {  	s30 =	simm.s32 $0x1DED0;
	v28 =	vld [tilespmem:s29+$0xFFFFFFF0];
	v17 =	vmax.f32 v10, v17;
	v19 =	vmin.f32 v8, v19;
	v26 =	vsub.f32 v20, v16  }
0x1cb: {  	s31 =	simm.s32 $0x1E050;
	v29 =	vld [tilespmem:s30+$0xFFFFFFF0];
	v16 =	vmax.f32 v9, v16;
	v20 =	vmin.f32 v6, v20;
	v17 =	vsub.f32 v19, v17  }
0x1cc: {  	s0 =	simm.s32 $0x1E1D0;
	v14 =	vmul.f32 v15, v14;
	v31 =	vld [tilespmem:s31+$0xFFFFFFF0];
	v18 =	vmax.f32 v18, $0.0e+00;
	v16 =	vsub.f32 v20, v16  }
0x1cd: {  	v32 =	vld [tilespmem:s0+$0xFFFFFFF0];
	v19 =	vmax.f32 v21, $0.0e+00;
	v15 =	vmul.f32 v26, v25;
	v17 =	vmax.f32 v17, $0.0e+00  }
0x1ce: {  	v25 =	vmul.f32 v18, v19;
	v18 =	vadd.f32 v14, v13;
	v16 =	vmax.f32 v16, $0.0e+00  }
0x1cf: {  	p2 =	sne.s32 s1, $0x1;
	v26 =	vmul.f32 v16, v17;
	v19 =	vadd.f32 v15, v13;
	v17 =	vld [tilespmem:s29+$0x0]  }
.Ltmp12:
0x1d0: {  	v20 =	vsub.f32 v18, v25;
	v16 =	vld [tilespmem:s30+$0x0];
	(pc) =	sbr.rel @!p2 .LBB2_16-.Ltmp12, $4  }
0x1d1: {  	vm15 =	vmxor vm15, vm15;
	v14 =	vsub.f32 v31, v28;
	v24 =	vpop (erf);
	v33 =	vsub.f32 v19, v26;
	v19 =	vld [tilespmem:s31+$0x0]  }
0x1d2: {  	v21 =	vmax.f32 v10, v28;
	v15 =	vsub.f32 v32, v29;
	v28 =	vadd.f32 $9.999999960e-13, v20;
	v20 =	vld [tilespmem:s0+$0x0];
	v27 =	vpop (erf)  }
0x1d3: {  	v18 =	vmax.f32 v9, v29;
	v29 =	vmul.f32 v24, v22;
	v30 =	vmul.f32 v27, v23  }
0x1d4: {  	s1 =	sadd.s32 $0xFFFFFFFF, s1;
	p1 =	por $0x1, $0x1;
	v24 =	vmin.f32 v6, v32;
	v27 =	vmin.f32 v8, v31;
	v31 =	vadd.f32 $9.999999960e-13, v33  }
.LBB2_17:
0x1d5: {  	p2 =	sne.s32 s1, $0x1;
	s29 =	sadd.s32 $0x20, s29;
	(erf) = vrcp.f32 v28;
	vm0 =	vgt.f32 v29, $5.000000000e-01;
	vm1 =	vgt.f32 v30, $5.000000000e-01  }
0x1d6: {  	s30 =	sadd.s32 $0x20, s30;
	v22 =	vld [tilespmem:s29+$0xFFFFFFF0];
	v23 =	vsub.f32 v19, v17;
	(erf) = vrcp.f32 v31;
	vm0 =	vmor vm0, vm1  }
0x1d7: {  	s31 =	sadd.s32 $0x20, s31;
	v17 =	vmax.f32 v10, v17;
	v28 =	vld [tilespmem:s30+$0xFFFFFFF0];
	v29 =	vsub.f32 v20, v16;
	vm15 =	vmor vm15, vm0  }
0x1d8: {  	v21 =	vsub.f32 v27, v21;
	s0 =	sadd.s32 $0x20, s0;
	v19 =	vmin.f32 v8, v19;
	v16 =	vmax.f32 v9, v16;
	v31 =	vld [tilespmem:s31+$0xFFFFFFF0]  }
0x1d9: {  	v18 =	vsub.f32 v24, v18;
	v20 =	vmin.f32 v6, v20;
	v17 =	vsub.f32 v19, v17;
	v32 =	vld [tilespmem:s0+$0xFFFFFFF0]  }
0x1da: {  	v14 =	vmul.f32 v15, v14;
	v16 =	vsub.f32 v20, v16;
	v15 =	vmul.f32 v29, v23  }
0x1db: {  	v19 =	vmax.f32 v21, $0.0e+00;
	v18 =	vmax.f32 v18, $0.0e+00;
	v20 =	vmax.f32 v17, $0.0e+00  }
0x1dc: {  	v23 =	vmul.f32 v18, v19;
	v18 =	vadd.f32 v14, v13;
	v19 =	vmax.f32 v16, $0.0e+00;
	v17 =	vld [tilespmem:s29+$0x0]  }
.Ltmp13:
0x1dd: {  	v24 =	vmul.f32 v19, v20;
	v33 =	vadd.f32 v15, v13;
	v14 =	vsub.f32 v31, v22;
	v16 =	vld [tilespmem:s30+$0x0];
	(pc) =	sbr.rel @p2 .LBB2_17-.Ltmp13, $4  }
0x1de: {  	v29 =	vsub.f32 v18, v23;
	v15 =	vsub.f32 v32, v28;
	v19 =	vld [tilespmem:s31+$0x0];
	v30 =	vpop (erf)  }
0x1df: {  	v21 =	vmax.f32 v10, v22;
	v18 =	vmax.f32 v9, v28;
	v22 =	vsub.f32 v33, v24;
	v20 =	vld [tilespmem:s0+$0x0];
	v27 =	vpop (erf)  }
0x1e0: {  	v28 =	vadd.f32 $9.999999960e-13, v29;
	v29 =	vmul.f32 v30, v25;
	v25 =	vmovc v23;
	v30 =	vmul.f32 v27, v26;
	v26 =	vmovc v24  }
0x1e1: {  	s1 =	sadd.s32 $0xFFFFFFFF, s1;
	v27 =	vmin.f32 v8, v31;
	v24 =	vmin.f32 v6, v32;
	v31 =	vadd.f32 $9.999999960e-13, v22  }
0x1e2: {  	v22 =	vmov v25;
	v23 =	vmov v26  }
.LBB2_19:
0x1e3: {  	v21 =	vsub.f32 v27, v21  }
0x1e4: {  	v25 =	vsub.f32 v19, v17;
	v18 =	vsub.f32 v24, v18  }
0x1e5: {  	v59 =	vmax.f32 v10, v17;
	v60 =	vmin.f32 v8, v19;
	v61 =	vmax.f32 v9, v16  }
0x1e6: {  	v14 =	vmul.f32 v15, v14;
	v58 =	vsub.f32 v20, v16;
	v62 =	vmin.f32 v6, v20  }
0x1e7: {  	v17 =	vsub.f32 v60, v59;
	v16 =	vsub.f32 v62, v61;
	v63 =	vmax.f32 v21, $0.0e+00  }
0x1e8: {  	v18 =	vmax.f32 v18, $0.0e+00;
	v14 =	vadd.f32 v14, v13;
	v15 =	vmul.f32 v58, v25  }
0x1e9: {  	v17 =	vmax.f32 v17, $0.0e+00;
	v18 =	vmul.f32 v18, v63;
	v16 =	vmax.f32 v16, $0.0e+00  }
0x1ea: {  	(erf) = vrcp.f32 @p0 v28;
	v16 =	vmul.f32 v16, v17;
	v13 =	vadd.f32 v15, v13  }
0x1eb: {  	v14 =	vsub.f32 v14, v18  }
0x1ec: {  	v13 =	vsub.f32 v13, v16  }
0x1ed: {  	(erf) = vrcp.f32 @p0 v31;
	v14 =	vadd.f32 $9.999999960e-13, v14  }
0x1ee: {  	v13 =	vadd.f32 $9.999999960e-13, v13  }
0x1ef: {  	(erf) = vrcp.f32 v14  }
0x1f0: {  	(erf) = vrcp.f32 v13;
	_ =	sdelay $0x2  }
0x1f1: {  	v13 =	vpop @p0 (erf)  }
0x1f2: {  	v13 =	vmul.f32 @p0 v13, v22;
	_ =	sdelay $0x1  }
0x1f3: {  	vm0 =	vgt.f32 @p1 v29, $5.000000000e-01;
	vm1 =	vgt.f32 @p1 v30, $5.000000000e-01;
	v14 =	vpop @p0 (erf);
	v13 =	vpsel p0, v13, v0  }
0x1f4: {  	vm0 =	vmor @p1 vm0, vm1;
	v14 =	vmul.f32 @p0 v14, v23  }
0x1f5: {  	vm3 =	vmxor vm3, vm3;
	vm0 =	vmor @p1 vm15, vm0;
	v15 =	vpop (erf)  }
0x1f6: {  	vm15 =	vmmov vm3;
	v14 =	vpsel p0, v14, v0;
	vm1 =	vgt.f32 @p0 v13, $5.000000000e-01;
	v13 =	vpop (erf)  }
0x1f7: {  	vm2 =	vgt.f32 @p0 v14, $5.000000000e-01;
	v14 =	vmul.f32 v15, v18;
	v13 =	vmul.f32 v13, v16  }
.Ltmp14:
0x1f8: {  	vm15 =	vmmov @p1 vm0;
	vm0 =	vmor @p0 vm1, vm2;
	(pc) =	sbr.rel .LBB2_20-.Ltmp14, $4  }
0x1f9: {  	vm0 =	vmor @p0 vm15, vm0;
	vm2 =	vgt.f32 v14, $5.000000000e-01;
	vm15 =	vgt.f32 v13, $5.000000000e-01  }
0x1fa: {  	vm3 =	vmmov @p0 vm0;
	vm0 =	vmor vm2, vm15  }
0x1fb: {  	vm0 =	vmor vm3, vm0  }
0x1fc: {  	v13 =	vsel vm0, $0x3F800000, v3  }
.LBB2_12:
.Ltmp15:
0x1fd: {  	(pc) =	sbr.rel .LBB2_19-.Ltmp15, $2  }
0x1fe: {  	_ =	sdelay $0x2  }
0x1ff: {  	vm15 =	vmxor vm15, vm15  }
.LBB2_14:
.Ltmp16:
0x200: {  	(pc) =	sbr.rel .LBB2_19-.Ltmp16, $2  }
0x201: {  	_ =	sdelay $0x2  }
0x202: {  	vm15 =	vmxor vm15, vm15  }
.LBB2_16:
.Ltmp17:
0x203: {  	(pc) =	sbr.rel .LBB2_19-.Ltmp17, $2  }
0x204: {  	_ =	sdelay $0x2  }
0x205: {  	vm15 =	vmxor vm15, vm15;
	v22 =	vmov v25;
	v23 =	vmov v26  }
.LBB2_22:
0x206: {  	_ =	sfence.sel $0x180000  }
0x207: {  	[bflag:$0x0] =	sbarrier.arrive $0xFFFF  }
0x208: {  	_ =	strace $0x90000047  }
0x209: {  	s0 =	stileid.u32;
	[bflag:$0x2] =	sbarrier.arrive $0xFFFF  }
0x20a: {  	p0 =	sne.s32 s0, $0x0;
	s0 =	rddreg [dreg:$0x3]  }
0x20b: {  	s0 =	sadd.s32 @!p0 $0x100000, s0  }
0x20c: {  	[sflag:s0] =	ssyncadd.tile.s32 @!p0 $0x1;
	_ =	shalt  }
.Lfunc_end2:
_tile_overlayer_lowered:
.L_overlay_start_2:
0x20d: {  	(tag) =	ssettag $0x2  }
0x20e: {  	s0 =	rddreg [dreg:$0x0];
	s2 =	stileid.u32  }
0x20f: {  	s1 =	rddreg [dreg:$0x1];
	p0 =	sne.s32 s2, $0x0  }
0x210: {  	s3 =	rddreg [dreg:$0x2];
	[bflag:$0x3] =	sbarrier.arrive $0xFFFF;
	s2 =	simm.s32 @!p0 $0x1C01  }
0x211: {  	[timem:s3], [sflag:s2] =	dma.local @!p0 [hbm:s0], s1  }
0x212: {  	s0 =	simm.s32 @!p0 $0x1  }
0x213: {  	_ =	swait.ge @!p0 [sflag:s0], s1  }
0x214: {  	s1 =	ssub.s32 @!p0 $0x0, s1;
	[sflag:s0] =	ssyncset.done @!p0 $0x0  }
0x215: {  	[sflag:s0] =	ssyncadd.s32 @!p0 s1  }
0x216: {  	[bflag:$0x3] =	sbarrier.arrive $0xFFFF  }
0x217: {  	_ =	shalt  }

</sc_bundles>
